<compile_context>
chip_gen: v7x
topology: tpu7x:2x2x1
jax: 0.10.2.dev20260603
libtpu: 0.0.44.dev20260713+nightly
codegen_flags: <defaults>
</compile_context>

<pallas_src>
import functools

import jax
import jax.numpy as jnp
from jax import lax
from jax.experimental import pallas as pl
from jax.experimental.pallas import tpu as pltpu
from jax.experimental.pallas import tpu_sc as plsc

NC = 2
NS = 16
NW = NC * NS
LANES = 16
IDX_CHUNK = 128


def _skipgram_body(b_per_w, idx_in_hbm, idx_out_hbm, emb_in_hbm, emb_w_hbm,
                   bias_hbm, out_hbm, idxin_v, idxout_v, vin_v, w_v, bias_v,
                   out_v, t0_v, t1_v, sem):
    wid = lax.axis_index("s") * NC + lax.axis_index("c")
    n_in_chunks = b_per_w // IDX_CHUNK
    n_out_chunks = 2 * b_per_w // IDX_CHUNK

    pltpu.sync_copy(idx_in_hbm.at[wid], idxin_v)
    pltpu.sync_copy(idx_out_hbm.at[wid], idxout_v)

    copies = []
    for j in range(n_in_chunks):
        copies.append(pltpu.async_copy(
            emb_in_hbm.at[idxin_v.at[j]],
            vin_v.at[pl.ds(j * IDX_CHUNK, IDX_CHUNK)], sem))
    for j in range(n_out_chunks):
        copies.append(pltpu.async_copy(
            emb_w_hbm.at[idxout_v.at[j]],
            w_v.at[pl.ds(j * IDX_CHUNK, IDX_CHUNK)], sem))
    for j in range(n_out_chunks):
        copies.append(pltpu.async_copy(
            bias_hbm.at[idxout_v.at[j]],
            bias_v.at[pl.ds(j * IDX_CHUNK, IDX_CHUNK)], sem))
    for c in copies:
        c.wait()

    iota = lax.iota(jnp.int32, LANES)

    def group(g, carry):
        base = g * LANES
        for r in range(LANES):
            b = base + r
            p0 = None
            p1 = None
            for c in range(4):
                sl = pl.ds(c * LANES, LANES)
                vin_c = vin_v[b, sl]
                m0 = vin_c * w_v[2 * b, sl]
                m1 = vin_c * w_v[2 * b + 1, sl]
                p0 = m0 if p0 is None else p0 + m0
                p1 = m1 if p1 is None else p1 + m1
            t0_v[pl.ds(r * LANES, LANES)] = p0
            t1_v[pl.ds(r * LANES, LANES)] = p1
        row_base = iota * LANES
        dot0 = None
        dot1 = None
        for c in range(LANES):
            g0 = plsc.load_gather(t0_v, [row_base + c])
            g1 = plsc.load_gather(t1_v, [row_base + c])
            dot0 = g0 if dot0 is None else dot0 + g0
            dot1 = g1 if dot1 is None else dot1 + g1
        pos0 = 2 * (base + iota)
        pos1 = pos0 + 1
        t0 = dot0 + plsc.load_gather(bias_v, [pos0])
        t1 = dot1 + plsc.load_gather(bias_v, [pos1])
        s0 = 1.0 / (1.0 + jnp.exp(-t0))
        s1 = 1.0 / (1.0 + jnp.exp(-t1))
        plsc.store_scatter(out_v, [pos0], s0)
        plsc.store_scatter(out_v, [pos1], s1)
        return carry

    lax.fori_loop(0, b_per_w // LANES, group, 0)

    pltpu.sync_copy(out_v, out_hbm.at[pl.ds(wid * 2 * b_per_w, 2 * b_per_w)])


def kernel(x, emb_in, emb_out_w, emb_out_b):
    batch = x.shape[0]
    vocab, embed = emb_in.shape
    assert batch % (NW * LANES) == 0 and embed == 4 * LANES
    b_per_w = batch // NW

    idx_in = x[:, 0].reshape(NW, b_per_w // IDX_CHUNK, IDX_CHUNK)
    idx_out = x[:, 1:3].reshape(NW, 2 * b_per_w // IDX_CHUNK, IDX_CHUNK)
    bias_flat = emb_out_b.reshape(vocab)

    mesh = plsc.VectorSubcoreMesh(core_axis_name="c", subcore_axis_name="s")
    run = pl.kernel(
        functools.partial(_skipgram_body, b_per_w),
        out_type=jax.ShapeDtypeStruct((batch * 2,), jnp.float32),
        mesh=mesh,
        compiler_params=pltpu.CompilerParams(
            needs_layout_passes=False, use_tc_tiling_on_sc=False),
        scratch_types=[
            pltpu.VMEM((b_per_w // IDX_CHUNK, IDX_CHUNK), jnp.int32),
            pltpu.VMEM((2 * b_per_w // IDX_CHUNK, IDX_CHUNK), jnp.int32),
            pltpu.VMEM((b_per_w, embed), jnp.float32),
            pltpu.VMEM((2 * b_per_w, embed), jnp.float32),
            pltpu.VMEM((2 * b_per_w,), jnp.float32),
            pltpu.VMEM((2 * b_per_w,), jnp.float32),
            pltpu.VMEM((LANES * LANES,), jnp.float32),
            pltpu.VMEM((LANES * LANES,), jnp.float32),
            pltpu.SemaphoreType.DMA,
        ],
    )
    out_flat = run(idx_in, idx_out, emb_in, emb_out_w, bias_flat)
    return out_flat.reshape(batch, 2)

# --- scband reference (transcript-rebuilt; emitter-appended) ---
"""Pipeline reference for scband-skip-gram-34780645163362 (READ-ONLY COPY).

The authoritative reference and input builder live on the scoring server;
editing this copy changes nothing except your own understanding.
"""

import jax, jax.numpy as jnp
import numpy as np

VOCAB = 1000000
EMBED = 64
BATCH = 16384

def setup_inputs(seed: int = 0) -> dict:
    key = jax.random.key(seed)
    k1, k2, k3, k4 = jax.random.split(key, 4)
    x = jax.random.randint(k1, (BATCH, 3), 0, VOCAB, dtype=jnp.int64 if jax.config.jax_enable_x64 else jnp.int32).astype(jnp.int32)
    emb_in = jax.random.normal(k2, (VOCAB, EMBED), dtype=jnp.float32) * 0.02
    emb_out_w = jax.random.normal(k3, (VOCAB, EMBED), dtype=jnp.float32) * 0.02
    emb_out_b = jax.random.normal(k4, (VOCAB, 1), dtype=jnp.float32) * 0.02
    return {"x": x, "emb_in": emb_in, "emb_out_w": emb_out_w, "emb_out_b": emb_out_b}

def reference(x, emb_in, emb_out_w, emb_out_b):
    idx_in = x[:, 0]                      # [B]
    idx_out = x[:, 1:3]                   # [B, 2]
    v_in = jnp.take(emb_in, idx_in, axis=0)          # [B, D]
    w_out = jnp.take(emb_out_w, idx_out, axis=0)     # [B, 2, D]
    b_out = jnp.take(emb_out_b, idx_out, axis=0)     # [B, 2, 1]
    b_out = jnp.reshape(b_out, (-1, 2))              # [B, 2]
    # keras Dot(axes=(1,2)): contract v_in axis 1 (D) with w_out axis 2 (D)
    dot = jnp.einsum('bd,bkd->bk', v_in, w_out)      # [B, 2]
    out = jax.nn.sigmoid(dot + b_out)
    return out

if __name__ == "__main__":
    import jax
    _d = setup_inputs()
    print(jax.jit(kernel)(*tuple(_d.values())))

</pallas_src>

<mosaic_0001>
#map = affine_map<(d0, d1) -> (0, 0, 0)>
#map1 = affine_map<(d0, d1) -> (0, 0)>
#map2 = affine_map<(d0, d1) -> (0)>
module attributes {stable_mosaic.version = 14 : i64} {
  func.func @_skipgram_body(%arg0: i32, %arg1: i32, %arg2: memref<32x4x128xi32, #tpu.memory_space<hbm>>, %arg3: memref<32x8x128xi32, #tpu.memory_space<hbm>>, %arg4: memref<1000000x64xf32, #tpu.memory_space<hbm>>, %arg5: memref<1000000x64xf32, #tpu.memory_space<hbm>>, %arg6: memref<1000000xf32, #tpu.memory_space<hbm>>, %arg7: memref<32768xf32, #tpu.memory_space<hbm>>, %arg8: memref<4x128xi32, #tpu.memory_space<vmem>>, %arg9: memref<8x128xi32, #tpu.memory_space<vmem>>, %arg10: memref<512x64xf32, #tpu.memory_space<vmem>>, %arg11: memref<1024x64xf32, #tpu.memory_space<vmem>>, %arg12: memref<1024xf32, #tpu.memory_space<vmem>>, %arg13: memref<1024xf32, #tpu.memory_space<vmem>>, %arg14: memref<256xf32, #tpu.memory_space<vmem>>, %arg15: memref<256xf32, #tpu.memory_space<vmem>>, %arg16: memref<!tpu.dma_semaphore, #tpu.memory_space<semaphore_mem>>) attributes {dimension_semantics = [#tpu.dimension_semantics<core_parallel>, #tpu.dimension_semantics<subcore_parallel>], iteration_bounds = array<i64: 2, 16>, scalar_prefetch = 0 : i64, scratch_operands = 9 : i64, tpu.core_type = #tpu.core_type<sc_vector_subcore>, window_params = [{transform_indices = #map}, {transform_indices = #map}, {transform_indices = #map1}, {transform_indices = #map1}, {transform_indices = #map2}, {transform_indices = #map2}]} {
    %mul3A = arith.constant 2 : i32
    %mul3A_0 = arith.muli %arg1, %mul3A : i32
    %add3A = arith.addi %mul3A_0, %arg0 : i32
    "tpu.region"() ({
      %run_scoped3A = tpu.sem_alloc : memref<!tpu.dma_semaphore, #tpu.memory_space<semaphore_mem>>
      %dma_start3A_376 = arith.constant 0 : i32
      %dma_start3A_377 = arith.constant 0 : i32
      %dma_start3A_378 = tpu.memref_slice %arg2[%add3A, %dma_start3A_376, %dma_start3A_377] : memref<32x4x128xi32, #tpu.memory_space<hbm>> -> memref<1x4x128xi32, #tpu.memory_space<hbm>>
      %dma_start3A_379 = tpu.memref_squeeze %dma_start3A_378 : memref<1x4x128xi32, #tpu.memory_space<hbm>> -> memref<4x128xi32, #tpu.memory_space<hbm>>
      %dma_start3A_380 = arith.constant 0 : i32
      %dma_start3A_381 = arith.constant 0 : i32
      %dma_start3A_382 = tpu.memref_slice %arg2[%add3A, %dma_start3A_380, %dma_start3A_381] : memref<32x4x128xi32, #tpu.memory_space<hbm>> -> memref<1x4x128xi32, #tpu.memory_space<hbm>>
      %dma_start3A_383 = tpu.memref_squeeze %dma_start3A_382 : memref<1x4x128xi32, #tpu.memory_space<hbm>> -> memref<4x128xi32, #tpu.memory_space<hbm>>
      tpu.enqueue_dma source(%dma_start3A_383 : memref<4x128xi32, #tpu.memory_space<hbm>>) target(%arg8 : memref<4x128xi32, #tpu.memory_space<vmem>>) target_semaphore(%run_scoped3A : memref<!tpu.dma_semaphore, #tpu.memory_space<semaphore_mem>>)
      %dma_wait3A_384 = arith.constant 0 : i32
      %dma_wait3A_385 = arith.constant 0 : i32
      %dma_wait3A_386 = tpu.memref_slice %arg2[%add3A, %dma_wait3A_384, %dma_wait3A_385] : memref<32x4x128xi32, #tpu.memory_space<hbm>> -> memref<1x4x128xi32, #tpu.memory_space<hbm>>
      %dma_wait3A_387 = tpu.memref_squeeze %dma_wait3A_386 : memref<1x4x128xi32, #tpu.memory_space<hbm>> -> memref<4x128xi32, #tpu.memory_space<hbm>>
      %dma_wait3A_388 = arith.constant 0 : i32
      %dma_wait3A_389 = arith.constant 0 : i32
      %dma_wait3A_390 = tpu.memref_slice %arg2[%add3A, %dma_wait3A_388, %dma_wait3A_389] : memref<32x4x128xi32, #tpu.memory_space<hbm>> -> memref<1x4x128xi32, #tpu.memory_space<hbm>>
      %dma_wait3A_391 = tpu.memref_squeeze %dma_wait3A_390 : memref<1x4x128xi32, #tpu.memory_space<hbm>> -> memref<4x128xi32, #tpu.memory_space<hbm>>
      tpu.wait_dma2 semaphore(%run_scoped3A : memref<!tpu.dma_semaphore, #tpu.memory_space<semaphore_mem>>) src(%dma_wait3A_391 : memref<4x128xi32, #tpu.memory_space<hbm>>) dst(%arg8 : memref<4x128xi32, #tpu.memory_space<vmem>>)
      tpu.yield
    }) : () -> ()
    "tpu.region"() ({
      %run_scoped3A = tpu.sem_alloc : memref<!tpu.dma_semaphore, #tpu.memory_space<semaphore_mem>>
      %dma_start3A_376 = arith.constant 0 : i32
      %dma_start3A_377 = arith.constant 0 : i32
      %dma_start3A_378 = tpu.memref_slice %arg3[%add3A, %dma_start3A_376, %dma_start3A_377] : memref<32x8x128xi32, #tpu.memory_space<hbm>> -> memref<1x8x128xi32, #tpu.memory_space<hbm>>
      %dma_start3A_379 = tpu.memref_squeeze %dma_start3A_378 : memref<1x8x128xi32, #tpu.memory_space<hbm>> -> memref<8x128xi32, #tpu.memory_space<hbm>>
      %dma_start3A_380 = arith.constant 0 : i32
      %dma_start3A_381 = arith.constant 0 : i32
      %dma_start3A_382 = tpu.memref_slice %arg3[%add3A, %dma_start3A_380, %dma_start3A_381] : memref<32x8x128xi32, #tpu.memory_space<hbm>> -> memref<1x8x128xi32, #tpu.memory_space<hbm>>
      %dma_start3A_383 = tpu.memref_squeeze %dma_start3A_382 : memref<1x8x128xi32, #tpu.memory_space<hbm>> -> memref<8x128xi32, #tpu.memory_space<hbm>>
      tpu.enqueue_dma source(%dma_start3A_383 : memref<8x128xi32, #tpu.memory_space<hbm>>) target(%arg9 : memref<8x128xi32, #tpu.memory_space<vmem>>) target_semaphore(%run_scoped3A : memref<!tpu.dma_semaphore, #tpu.memory_space<semaphore_mem>>)
      %dma_wait3A_384 = arith.constant 0 : i32
      %dma_wait3A_385 = arith.constant 0 : i32
      %dma_wait3A_386 = tpu.memref_slice %arg3[%add3A, %dma_wait3A_384, %dma_wait3A_385] : memref<32x8x128xi32, #tpu.memory_space<hbm>> -> memref<1x8x128xi32, #tpu.memory_space<hbm>>
      %dma_wait3A_387 = tpu.memref_squeeze %dma_wait3A_386 : memref<1x8x128xi32, #tpu.memory_space<hbm>> -> memref<8x128xi32, #tpu.memory_space<hbm>>
      %dma_wait3A_388 = arith.constant 0 : i32
      %dma_wait3A_389 = arith.constant 0 : i32
      %dma_wait3A_390 = tpu.memref_slice %arg3[%add3A, %dma_wait3A_388, %dma_wait3A_389] : memref<32x8x128xi32, #tpu.memory_space<hbm>> -> memref<1x8x128xi32, #tpu.memory_space<hbm>>
      %dma_wait3A_391 = tpu.memref_squeeze %dma_wait3A_390 : memref<1x8x128xi32, #tpu.memory_space<hbm>> -> memref<8x128xi32, #tpu.memory_space<hbm>>
      tpu.wait_dma2 semaphore(%run_scoped3A : memref<!tpu.dma_semaphore, #tpu.memory_space<semaphore_mem>>) src(%dma_wait3A_391 : memref<8x128xi32, #tpu.memory_space<hbm>>) dst(%arg9 : memref<8x128xi32, #tpu.memory_space<vmem>>)
      tpu.yield
    }) : () -> ()
    %dma_start3A = arith.constant 0 : i32
    %dma_start3A_1 = arith.constant 0 : i32
    %dma_start3A_2 = arith.constant 0 : i32
    %dma_start3A_3 = tpu.memref_slice %arg10[%dma_start3A_1, %dma_start3A_2] : memref<512x64xf32, #tpu.memory_space<vmem>> -> memref<128x64xf32, #tpu.memory_space<vmem>>
    %dma_start3A_4 = arith.constant 0 : i32
    %dma_start3A_5 = tpu.memref_slice %arg8[%dma_start3A, %dma_start3A_4] : memref<4x128xi32, #tpu.memory_space<vmem>> -> memref<1x128xi32, #tpu.memory_space<vmem>>
    %dma_start3A_6 = tpu.memref_squeeze %dma_start3A_5 : memref<1x128xi32, #tpu.memory_space<vmem>> -> memref<128xi32, #tpu.memory_space<vmem>>
    %dma_start3A_7 = arith.constant 0 : i32
    %dma_start3A_8 = arith.constant 0 : i32
    %dma_start3A_9 = tpu.memref_slice %arg4[%dma_start3A_7, %dma_start3A_8] : memref<1000000x64xf32, #tpu.memory_space<hbm>> -> memref<1000000x64xf32, #tpu.memory_space<hbm>>
    tpu.enqueue_indirect_dma source(%dma_start3A_9 : memref<1000000x64xf32, #tpu.memory_space<hbm>>) target(%dma_start3A_3 : memref<128x64xf32, #tpu.memory_space<vmem>>) offsets(%dma_start3A_6 : memref<128xi32, #tpu.memory_space<vmem>>) semaphore(%arg16 : memref<!tpu.dma_semaphore, #tpu.memory_space<semaphore_mem>>)
    %dma_start3A_10 = arith.constant 1 : i32
    %dma_start3A_11 = arith.constant 128 : i32
    %dma_start3A_12 = arith.constant 0 : i32
    %dma_start3A_13 = tpu.memref_slice %arg10[%dma_start3A_11, %dma_start3A_12] : memref<512x64xf32, #tpu.memory_space<vmem>> -> memref<128x64xf32, #tpu.memory_space<vmem>>
    %dma_start3A_14 = arith.constant 0 : i32
    %dma_start3A_15 = tpu.memref_slice %arg8[%dma_start3A_10, %dma_start3A_14] : memref<4x128xi32, #tpu.memory_space<vmem>> -> memref<1x128xi32, #tpu.memory_space<vmem>>
    %dma_start3A_16 = tpu.memref_squeeze %dma_start3A_15 : memref<1x128xi32, #tpu.memory_space<vmem>> -> memref<128xi32, #tpu.memory_space<vmem>>
    %dma_start3A_17 = arith.constant 0 : i32
    %dma_start3A_18 = arith.constant 0 : i32
    %dma_start3A_19 = tpu.memref_slice %arg4[%dma_start3A_17, %dma_start3A_18] : memref<1000000x64xf32, #tpu.memory_space<hbm>> -> memref<1000000x64xf32, #tpu.memory_space<hbm>>
    tpu.enqueue_indirect_dma source(%dma_start3A_19 : memref<1000000x64xf32, #tpu.memory_space<hbm>>) target(%dma_start3A_13 : memref<128x64xf32, #tpu.memory_space<vmem>>) offsets(%dma_start3A_16 : memref<128xi32, #tpu.memory_space<vmem>>) semaphore(%arg16 : memref<!tpu.dma_semaphore, #tpu.memory_space<semaphore_mem>>)
    %dma_start3A_20 = arith.constant 2 : i32
    %dma_start3A_21 = arith.constant 256 : i32
    %dma_start3A_22 = arith.constant 0 : i32
    %dma_start3A_23 = tpu.memref_slice %arg10[%dma_start3A_21, %dma_start3A_22] : memref<512x64xf32, #tpu.memory_space<vmem>> -> memref<128x64xf32, #tpu.memory_space<vmem>>
    %dma_start3A_24 = arith.constant 0 : i32
    %dma_start3A_25 = tpu.memref_slice %arg8[%dma_start3A_20, %dma_start3A_24] : memref<4x128xi32, #tpu.memory_space<vmem>> -> memref<1x128xi32, #tpu.memory_space<vmem>>
    %dma_start3A_26 = tpu.memref_squeeze %dma_start3A_25 : memref<1x128xi32, #tpu.memory_space<vmem>> -> memref<128xi32, #tpu.memory_space<vmem>>
    %dma_start3A_27 = arith.constant 0 : i32
    %dma_start3A_28 = arith.constant 0 : i32
    %dma_start3A_29 = tpu.memref_slice %arg4[%dma_start3A_27, %dma_start3A_28] : memref<1000000x64xf32, #tpu.memory_space<hbm>> -> memref<1000000x64xf32, #tpu.memory_space<hbm>>
    tpu.enqueue_indirect_dma source(%dma_start3A_29 : memref<1000000x64xf32, #tpu.memory_space<hbm>>) target(%dma_start3A_23 : memref<128x64xf32, #tpu.memory_space<vmem>>) offsets(%dma_start3A_26 : memref<128xi32, #tpu.memory_space<vmem>>) semaphore(%arg16 : memref<!tpu.dma_semaphore, #tpu.memory_space<semaphore_mem>>)
    %dma_start3A_30 = arith.constant 3 : i32
    %dma_start3A_31 = arith.constant 384 : i32
    %dma_start3A_32 = arith.constant 0 : i32
    %dma_start3A_33 = tpu.memref_slice %arg10[%dma_start3A_31, %dma_start3A_32] : memref<512x64xf32, #tpu.memory_space<vmem>> -> memref<128x64xf32, #tpu.memory_space<vmem>>
    %dma_start3A_34 = arith.constant 0 : i32
    %dma_start3A_35 = tpu.memref_slice %arg8[%dma_start3A_30, %dma_start3A_34] : memref<4x128xi32, #tpu.memory_space<vmem>> -> memref<1x128xi32, #tpu.memory_space<vmem>>
    %dma_start3A_36 = tpu.memref_squeeze %dma_start3A_35 : memref<1x128xi32, #tpu.memory_space<vmem>> -> memref<128xi32, #tpu.memory_space<vmem>>
    %dma_start3A_37 = arith.constant 0 : i32
    %dma_start3A_38 = arith.constant 0 : i32
    %dma_start3A_39 = tpu.memref_slice %arg4[%dma_start3A_37, %dma_start3A_38] : memref<1000000x64xf32, #tpu.memory_space<hbm>> -> memref<1000000x64xf32, #tpu.memory_space<hbm>>
    tpu.enqueue_indirect_dma source(%dma_start3A_39 : memref<1000000x64xf32, #tpu.memory_space<hbm>>) target(%dma_start3A_33 : memref<128x64xf32, #tpu.memory_space<vmem>>) offsets(%dma_start3A_36 : memref<128xi32, #tpu.memory_space<vmem>>) semaphore(%arg16 : memref<!tpu.dma_semaphore, #tpu.memory_space<semaphore_mem>>)
    %dma_start3A_40 = arith.constant 0 : i32
    %dma_start3A_41 = arith.constant 0 : i32
    %dma_start3A_42 = arith.constant 0 : i32
    %dma_start3A_43 = tpu.memref_slice %arg11[%dma_start3A_41, %dma_start3A_42] : memref<1024x64xf32, #tpu.memory_space<vmem>> -> memref<128x64xf32, #tpu.memory_space<vmem>>
    %dma_start3A_44 = arith.constant 0 : i32
    %dma_start3A_45 = tpu.memref_slice %arg9[%dma_start3A_40, %dma_start3A_44] : memref<8x128xi32, #tpu.memory_space<vmem>> -> memref<1x128xi32, #tpu.memory_space<vmem>>
    %dma_start3A_46 = tpu.memref_squeeze %dma_start3A_45 : memref<1x128xi32, #tpu.memory_space<vmem>> -> memref<128xi32, #tpu.memory_space<vmem>>
    %dma_start3A_47 = arith.constant 0 : i32
    %dma_start3A_48 = arith.constant 0 : i32
    %dma_start3A_49 = tpu.memref_slice %arg5[%dma_start3A_47, %dma_start3A_48] : memref<1000000x64xf32, #tpu.memory_space<hbm>> -> memref<1000000x64xf32, #tpu.memory_space<hbm>>
    tpu.enqueue_indirect_dma source(%dma_start3A_49 : memref<1000000x64xf32, #tpu.memory_space<hbm>>) target(%dma_start3A_43 : memref<128x64xf32, #tpu.memory_space<vmem>>) offsets(%dma_start3A_46 : memref<128xi32, #tpu.memory_space<vmem>>) semaphore(%arg16 : memref<!tpu.dma_semaphore, #tpu.memory_space<semaphore_mem>>)
    %dma_start3A_50 = arith.constant 1 : i32
    %dma_start3A_51 = arith.constant 128 : i32
    %dma_start3A_52 = arith.constant 0 : i32
    %dma_start3A_53 = tpu.memref_slice %arg11[%dma_start3A_51, %dma_start3A_52] : memref<1024x64xf32, #tpu.memory_space<vmem>> -> memref<128x64xf32, #tpu.memory_space<vmem>>
    %dma_start3A_54 = arith.constant 0 : i32
    %dma_start3A_55 = tpu.memref_slice %arg9[%dma_start3A_50, %dma_start3A_54] : memref<8x128xi32, #tpu.memory_space<vmem>> -> memref<1x128xi32, #tpu.memory_space<vmem>>
    %dma_start3A_56 = tpu.memref_squeeze %dma_start3A_55 : memref<1x128xi32, #tpu.memory_space<vmem>> -> memref<128xi32, #tpu.memory_space<vmem>>
    %dma_start3A_57 = arith.constant 0 : i32
    %dma_start3A_58 = arith.constant 0 : i32
    %dma_start3A_59 = tpu.memref_slice %arg5[%dma_start3A_57, %dma_start3A_58] : memref<1000000x64xf32, #tpu.memory_space<hbm>> -> memref<1000000x64xf32, #tpu.memory_space<hbm>>
    tpu.enqueue_indirect_dma source(%dma_start3A_59 : memref<1000000x64xf32, #tpu.memory_space<hbm>>) target(%dma_start3A_53 : memref<128x64xf32, #tpu.memory_space<vmem>>) offsets(%dma_start3A_56 : memref<128xi32, #tpu.memory_space<vmem>>) semaphore(%arg16 : memref<!tpu.dma_semaphore, #tpu.memory_space<semaphore_mem>>)
    %dma_start3A_60 = arith.constant 2 : i32
    %dma_start3A_61 = arith.constant 256 : i32
    %dma_start3A_62 = arith.constant 0 : i32
    %dma_start3A_63 = tpu.memref_slice %arg11[%dma_start3A_61, %dma_start3A_62] : memref<1024x64xf32, #tpu.memory_space<vmem>> -> memref<128x64xf32, #tpu.memory_space<vmem>>
    %dma_start3A_64 = arith.constant 0 : i32
    %dma_start3A_65 = tpu.memref_slice %arg9[%dma_start3A_60, %dma_start3A_64] : memref<8x128xi32, #tpu.memory_space<vmem>> -> memref<1x128xi32, #tpu.memory_space<vmem>>
    %dma_start3A_66 = tpu.memref_squeeze %dma_start3A_65 : memref<1x128xi32, #tpu.memory_space<vmem>> -> memref<128xi32, #tpu.memory_space<vmem>>
    %dma_start3A_67 = arith.constant 0 : i32
    %dma_start3A_68 = arith.constant 0 : i32
    %dma_start3A_69 = tpu.memref_slice %arg5[%dma_start3A_67, %dma_start3A_68] : memref<1000000x64xf32, #tpu.memory_space<hbm>> -> memref<1000000x64xf32, #tpu.memory_space<hbm>>
    tpu.enqueue_indirect_dma source(%dma_start3A_69 : memref<1000000x64xf32, #tpu.memory_space<hbm>>) target(%dma_start3A_63 : memref<128x64xf32, #tpu.memory_space<vmem>>) offsets(%dma_start3A_66 : memref<128xi32, #tpu.memory_space<vmem>>) semaphore(%arg16 : memref<!tpu.dma_semaphore, #tpu.memory_space<semaphore_mem>>)
    %dma_start3A_70 = arith.constant 3 : i32
    %dma_start3A_71 = arith.constant 384 : i32
    %dma_start3A_72 = arith.constant 0 : i32
    %dma_start3A_73 = tpu.memref_slice %arg11[%dma_start3A_71, %dma_start3A_72] : memref<1024x64xf32, #tpu.memory_space<vmem>> -> memref<128x64xf32, #tpu.memory_space<vmem>>
    %dma_start3A_74 = arith.constant 0 : i32
    %dma_start3A_75 = tpu.memref_slice %arg9[%dma_start3A_70, %dma_start3A_74] : memref<8x128xi32, #tpu.memory_space<vmem>> -> memref<1x128xi32, #tpu.memory_space<vmem>>
    %dma_start3A_76 = tpu.memref_squeeze %dma_start3A_75 : memref<1x128xi32, #tpu.memory_space<vmem>> -> memref<128xi32, #tpu.memory_space<vmem>>
    %dma_start3A_77 = arith.constant 0 : i32
    %dma_start3A_78 = arith.constant 0 : i32
    %dma_start3A_79 = tpu.memref_slice %arg5[%dma_start3A_77, %dma_start3A_78] : memref<1000000x64xf32, #tpu.memory_space<hbm>> -> memref<1000000x64xf32, #tpu.memory_space<hbm>>
    tpu.enqueue_indirect_dma source(%dma_start3A_79 : memref<1000000x64xf32, #tpu.memory_space<hbm>>) target(%dma_start3A_73 : memref<128x64xf32, #tpu.memory_space<vmem>>) offsets(%dma_start3A_76 : memref<128xi32, #tpu.memory_space<vmem>>) semaphore(%arg16 : memref<!tpu.dma_semaphore, #tpu.memory_space<semaphore_mem>>)
    %dma_start3A_80 = arith.constant 4 : i32
    %dma_start3A_81 = arith.constant 512 : i32
    %dma_start3A_82 = arith.constant 0 : i32
    %dma_start3A_83 = tpu.memref_slice %arg11[%dma_start3A_81, %dma_start3A_82] : memref<1024x64xf32, #tpu.memory_space<vmem>> -> memref<128x64xf32, #tpu.memory_space<vmem>>
    %dma_start3A_84 = arith.constant 0 : i32
    %dma_start3A_85 = tpu.memref_slice %arg9[%dma_start3A_80, %dma_start3A_84] : memref<8x128xi32, #tpu.memory_space<vmem>> -> memref<1x128xi32, #tpu.memory_space<vmem>>
    %dma_start3A_86 = tpu.memref_squeeze %dma_start3A_85 : memref<1x128xi32, #tpu.memory_space<vmem>> -> memref<128xi32, #tpu.memory_space<vmem>>
    %dma_start3A_87 = arith.constant 0 : i32
    %dma_start3A_88 = arith.constant 0 : i32
    %dma_start3A_89 = tpu.memref_slice %arg5[%dma_start3A_87, %dma_start3A_88] : memref<1000000x64xf32, #tpu.memory_space<hbm>> -> memref<1000000x64xf32, #tpu.memory_space<hbm>>
    tpu.enqueue_indirect_dma source(%dma_start3A_89 : memref<1000000x64xf32, #tpu.memory_space<hbm>>) target(%dma_start3A_83 : memref<128x64xf32, #tpu.memory_space<vmem>>) offsets(%dma_start3A_86 : memref<128xi32, #tpu.memory_space<vmem>>) semaphore(%arg16 : memref<!tpu.dma_semaphore, #tpu.memory_space<semaphore_mem>>)
    %dma_start3A_90 = arith.constant 5 : i32
    %dma_start3A_91 = arith.constant 640 : i32
    %dma_start3A_92 = arith.constant 0 : i32
    %dma_start3A_93 = tpu.memref_slice %arg11[%dma_start3A_91, %dma_start3A_92] : memref<1024x64xf32, #tpu.memory_space<vmem>> -> memref<128x64xf32, #tpu.memory_space<vmem>>
    %dma_start3A_94 = arith.constant 0 : i32
    %dma_start3A_95 = tpu.memref_slice %arg9[%dma_start3A_90, %dma_start3A_94] : memref<8x128xi32, #tpu.memory_space<vmem>> -> memref<1x128xi32, #tpu.memory_space<vmem>>
    %dma_start3A_96 = tpu.memref_squeeze %dma_start3A_95 : memref<1x128xi32, #tpu.memory_space<vmem>> -> memref<128xi32, #tpu.memory_space<vmem>>
    %dma_start3A_97 = arith.constant 0 : i32
    %dma_start3A_98 = arith.constant 0 : i32
    %dma_start3A_99 = tpu.memref_slice %arg5[%dma_start3A_97, %dma_start3A_98] : memref<1000000x64xf32, #tpu.memory_space<hbm>> -> memref<1000000x64xf32, #tpu.memory_space<hbm>>
    tpu.enqueue_indirect_dma source(%dma_start3A_99 : memref<1000000x64xf32, #tpu.memory_space<hbm>>) target(%dma_start3A_93 : memref<128x64xf32, #tpu.memory_space<vmem>>) offsets(%dma_start3A_96 : memref<128xi32, #tpu.memory_space<vmem>>) semaphore(%arg16 : memref<!tpu.dma_semaphore, #tpu.memory_space<semaphore_mem>>)
    %dma_start3A_100 = arith.constant 6 : i32
    %dma_start3A_101 = arith.constant 768 : i32
    %dma_start3A_102 = arith.constant 0 : i32
    %dma_start3A_103 = tpu.memref_slice %arg11[%dma_start3A_101, %dma_start3A_102] : memref<1024x64xf32, #tpu.memory_space<vmem>> -> memref<128x64xf32, #tpu.memory_space<vmem>>
    %dma_start3A_104 = arith.constant 0 : i32
    %dma_start3A_105 = tpu.memref_slice %arg9[%dma_start3A_100, %dma_start3A_104] : memref<8x128xi32, #tpu.memory_space<vmem>> -> memref<1x128xi32, #tpu.memory_space<vmem>>
    %dma_start3A_106 = tpu.memref_squeeze %dma_start3A_105 : memref<1x128xi32, #tpu.memory_space<vmem>> -> memref<128xi32, #tpu.memory_space<vmem>>
    %dma_start3A_107 = arith.constant 0 : i32
    %dma_start3A_108 = arith.constant 0 : i32
    %dma_start3A_109 = tpu.memref_slice %arg5[%dma_start3A_107, %dma_start3A_108] : memref<1000000x64xf32, #tpu.memory_space<hbm>> -> memref<1000000x64xf32, #tpu.memory_space<hbm>>
    tpu.enqueue_indirect_dma source(%dma_start3A_109 : memref<1000000x64xf32, #tpu.memory_space<hbm>>) target(%dma_start3A_103 : memref<128x64xf32, #tpu.memory_space<vmem>>) offsets(%dma_start3A_106 : memref<128xi32, #tpu.memory_space<vmem>>) semaphore(%arg16 : memref<!tpu.dma_semaphore, #tpu.memory_space<semaphore_mem>>)
    %dma_start3A_110 = arith.constant 7 : i32
    %dma_start3A_111 = arith.constant 896 : i32
    %dma_start3A_112 = arith.constant 0 : i32
    %dma_start3A_113 = tpu.memref_slice %arg11[%dma_start3A_111, %dma_start3A_112] : memref<1024x64xf32, #tpu.memory_space<vmem>> -> memref<128x64xf32, #tpu.memory_space<vmem>>
    %dma_start3A_114 = arith.constant 0 : i32
    %dma_start3A_115 = tpu.memref_slice %arg9[%dma_start3A_110, %dma_start3A_114] : memref<8x128xi32, #tpu.memory_space<vmem>> -> memref<1x128xi32, #tpu.memory_space<vmem>>
    %dma_start3A_116 = tpu.memref_squeeze %dma_start3A_115 : memref<1x128xi32, #tpu.memory_space<vmem>> -> memref<128xi32, #tpu.memory_space<vmem>>
    %dma_start3A_117 = arith.constant 0 : i32
    %dma_start3A_118 = arith.constant 0 : i32
    %dma_start3A_119 = tpu.memref_slice %arg5[%dma_start3A_117, %dma_start3A_118] : memref<1000000x64xf32, #tpu.memory_space<hbm>> -> memref<1000000x64xf32, #tpu.memory_space<hbm>>
    tpu.enqueue_indirect_dma source(%dma_start3A_119 : memref<1000000x64xf32, #tpu.memory_space<hbm>>) target(%dma_start3A_113 : memref<128x64xf32, #tpu.memory_space<vmem>>) offsets(%dma_start3A_116 : memref<128xi32, #tpu.memory_space<vmem>>) semaphore(%arg16 : memref<!tpu.dma_semaphore, #tpu.memory_space<semaphore_mem>>)
    %dma_start3A_120 = arith.constant 0 : i32
    %dma_start3A_121 = arith.constant 0 : i32
    %dma_start3A_122 = tpu.memref_slice %arg12[%dma_start3A_121] : memref<1024xf32, #tpu.memory_space<vmem>> -> memref<128xf32, #tpu.memory_space<vmem>>
    %dma_start3A_123 = arith.constant 0 : i32
    %dma_start3A_124 = tpu.memref_slice %arg9[%dma_start3A_120, %dma_start3A_123] : memref<8x128xi32, #tpu.memory_space<vmem>> -> memref<1x128xi32, #tpu.memory_space<vmem>>
    %dma_start3A_125 = tpu.memref_squeeze %dma_start3A_124 : memref<1x128xi32, #tpu.memory_space<vmem>> -> memref<128xi32, #tpu.memory_space<vmem>>
    %dma_start3A_126 = arith.constant 0 : i32
    %dma_start3A_127 = tpu.memref_slice %arg6[%dma_start3A_126] : memref<1000000xf32, #tpu.memory_space<hbm>> -> memref<1000000xf32, #tpu.memory_space<hbm>>
    tpu.enqueue_indirect_dma source(%dma_start3A_127 : memref<1000000xf32, #tpu.memory_space<hbm>>) target(%dma_start3A_122 : memref<128xf32, #tpu.memory_space<vmem>>) offsets(%dma_start3A_125 : memref<128xi32, #tpu.memory_space<vmem>>) semaphore(%arg16 : memref<!tpu.dma_semaphore, #tpu.memory_space<semaphore_mem>>)
    %dma_start3A_128 = arith.constant 1 : i32
    %dma_start3A_129 = arith.constant 128 : i32
    %dma_start3A_130 = tpu.memref_slice %arg12[%dma_start3A_129] : memref<1024xf32, #tpu.memory_space<vmem>> -> memref<128xf32, #tpu.memory_space<vmem>>
    %dma_start3A_131 = arith.constant 0 : i32
    %dma_start3A_132 = tpu.memref_slice %arg9[%dma_start3A_128, %dma_start3A_131] : memref<8x128xi32, #tpu.memory_space<vmem>> -> memref<1x128xi32, #tpu.memory_space<vmem>>
    %dma_start3A_133 = tpu.memref_squeeze %dma_start3A_132 : memref<1x128xi32, #tpu.memory_space<vmem>> -> memref<128xi32, #tpu.memory_space<vmem>>
    %dma_start3A_134 = arith.constant 0 : i32
    %dma_start3A_135 = tpu.memref_slice %arg6[%dma_start3A_134] : memref<1000000xf32, #tpu.memory_space<hbm>> -> memref<1000000xf32, #tpu.memory_space<hbm>>
    tpu.enqueue_indirect_dma source(%dma_start3A_135 : memref<1000000xf32, #tpu.memory_space<hbm>>) target(%dma_start3A_130 : memref<128xf32, #tpu.memory_space<vmem>>) offsets(%dma_start3A_133 : memref<128xi32, #tpu.memory_space<vmem>>) semaphore(%arg16 : memref<!tpu.dma_semaphore, #tpu.memory_space<semaphore_mem>>)
    %dma_start3A_136 = arith.constant 2 : i32
    %dma_start3A_137 = arith.constant 256 : i32
    %dma_start3A_138 = tpu.memref_slice %arg12[%dma_start3A_137] : memref<1024xf32, #tpu.memory_space<vmem>> -> memref<128xf32, #tpu.memory_space<vmem>>
    %dma_start3A_139 = arith.constant 0 : i32
    %dma_start3A_140 = tpu.memref_slice %arg9[%dma_start3A_136, %dma_start3A_139] : memref<8x128xi32, #tpu.memory_space<vmem>> -> memref<1x128xi32, #tpu.memory_space<vmem>>
    %dma_start3A_141 = tpu.memref_squeeze %dma_start3A_140 : memref<1x128xi32, #tpu.memory_space<vmem>> -> memref<128xi32, #tpu.memory_space<vmem>>
    %dma_start3A_142 = arith.constant 0 : i32
    %dma_start3A_143 = tpu.memref_slice %arg6[%dma_start3A_142] : memref<1000000xf32, #tpu.memory_space<hbm>> -> memref<1000000xf32, #tpu.memory_space<hbm>>
    tpu.enqueue_indirect_dma source(%dma_start3A_143 : memref<1000000xf32, #tpu.memory_space<hbm>>) target(%dma_start3A_138 : memref<128xf32, #tpu.memory_space<vmem>>) offsets(%dma_start3A_141 : memref<128xi32, #tpu.memory_space<vmem>>) semaphore(%arg16 : memref<!tpu.dma_semaphore, #tpu.memory_space<semaphore_mem>>)
    %dma_start3A_144 = arith.constant 3 : i32
    %dma_start3A_145 = arith.constant 384 : i32
    %dma_start3A_146 = tpu.memref_slice %arg12[%dma_start3A_145] : memref<1024xf32, #tpu.memory_space<vmem>> -> memref<128xf32, #tpu.memory_space<vmem>>
    %dma_start3A_147 = arith.constant 0 : i32
    %dma_start3A_148 = tpu.memref_slice %arg9[%dma_start3A_144, %dma_start3A_147] : memref<8x128xi32, #tpu.memory_space<vmem>> -> memref<1x128xi32, #tpu.memory_space<vmem>>
    %dma_start3A_149 = tpu.memref_squeeze %dma_start3A_148 : memref<1x128xi32, #tpu.memory_space<vmem>> -> memref<128xi32, #tpu.memory_space<vmem>>
    %dma_start3A_150 = arith.constant 0 : i32
    %dma_start3A_151 = tpu.memref_slice %arg6[%dma_start3A_150] : memref<1000000xf32, #tpu.memory_space<hbm>> -> memref<1000000xf32, #tpu.memory_space<hbm>>
    tpu.enqueue_indirect_dma source(%dma_start3A_151 : memref<1000000xf32, #tpu.memory_space<hbm>>) target(%dma_start3A_146 : memref<128xf32, #tpu.memory_space<vmem>>) offsets(%dma_start3A_149 : memref<128xi32, #tpu.memory_space<vmem>>) semaphore(%arg16 : memref<!tpu.dma_semaphore, #tpu.memory_space<semaphore_mem>>)
    %dma_start3A_152 = arith.constant 4 : i32
    %dma_start3A_153 = arith.constant 512 : i32
    %dma_start3A_154 = tpu.memref_slice %arg12[%dma_start3A_153] : memref<1024xf32, #tpu.memory_space<vmem>> -> memref<128xf32, #tpu.memory_space<vmem>>
    %dma_start3A_155 = arith.constant 0 : i32
    %dma_start3A_156 = tpu.memref_slice %arg9[%dma_start3A_152, %dma_start3A_155] : memref<8x128xi32, #tpu.memory_space<vmem>> -> memref<1x128xi32, #tpu.memory_space<vmem>>
    %dma_start3A_157 = tpu.memref_squeeze %dma_start3A_156 : memref<1x128xi32, #tpu.memory_space<vmem>> -> memref<128xi32, #tpu.memory_space<vmem>>
    %dma_start3A_158 = arith.constant 0 : i32
    %dma_start3A_159 = tpu.memref_slice %arg6[%dma_start3A_158] : memref<1000000xf32, #tpu.memory_space<hbm>> -> memref<1000000xf32, #tpu.memory_space<hbm>>
    tpu.enqueue_indirect_dma source(%dma_start3A_159 : memref<1000000xf32, #tpu.memory_space<hbm>>) target(%dma_start3A_154 : memref<128xf32, #tpu.memory_space<vmem>>) offsets(%dma_start3A_157 : memref<128xi32, #tpu.memory_space<vmem>>) semaphore(%arg16 : memref<!tpu.dma_semaphore, #tpu.memory_space<semaphore_mem>>)
    %dma_start3A_160 = arith.constant 5 : i32
    %dma_start3A_161 = arith.constant 640 : i32
    %dma_start3A_162 = tpu.memref_slice %arg12[%dma_start3A_161] : memref<1024xf32, #tpu.memory_space<vmem>> -> memref<128xf32, #tpu.memory_space<vmem>>
    %dma_start3A_163 = arith.constant 0 : i32
    %dma_start3A_164 = tpu.memref_slice %arg9[%dma_start3A_160, %dma_start3A_163] : memref<8x128xi32, #tpu.memory_space<vmem>> -> memref<1x128xi32, #tpu.memory_space<vmem>>
    %dma_start3A_165 = tpu.memref_squeeze %dma_start3A_164 : memref<1x128xi32, #tpu.memory_space<vmem>> -> memref<128xi32, #tpu.memory_space<vmem>>
    %dma_start3A_166 = arith.constant 0 : i32
    %dma_start3A_167 = tpu.memref_slice %arg6[%dma_start3A_166] : memref<1000000xf32, #tpu.memory_space<hbm>> -> memref<1000000xf32, #tpu.memory_space<hbm>>
    tpu.enqueue_indirect_dma source(%dma_start3A_167 : memref<1000000xf32, #tpu.memory_space<hbm>>) target(%dma_start3A_162 : memref<128xf32, #tpu.memory_space<vmem>>) offsets(%dma_start3A_165 : memref<128xi32, #tpu.memory_space<vmem>>) semaphore(%arg16 : memref<!tpu.dma_semaphore, #tpu.memory_space<semaphore_mem>>)
    %dma_start3A_168 = arith.constant 6 : i32
    %dma_start3A_169 = arith.constant 768 : i32
    %dma_start3A_170 = tpu.memref_slice %arg12[%dma_start3A_169] : memref<1024xf32, #tpu.memory_space<vmem>> -> memref<128xf32, #tpu.memory_space<vmem>>
    %dma_start3A_171 = arith.constant 0 : i32
    %dma_start3A_172 = tpu.memref_slice %arg9[%dma_start3A_168, %dma_start3A_171] : memref<8x128xi32, #tpu.memory_space<vmem>> -> memref<1x128xi32, #tpu.memory_space<vmem>>
    %dma_start3A_173 = tpu.memref_squeeze %dma_start3A_172 : memref<1x128xi32, #tpu.memory_space<vmem>> -> memref<128xi32, #tpu.memory_space<vmem>>
    %dma_start3A_174 = arith.constant 0 : i32
    %dma_start3A_175 = tpu.memref_slice %arg6[%dma_start3A_174] : memref<1000000xf32, #tpu.memory_space<hbm>> -> memref<1000000xf32, #tpu.memory_space<hbm>>
    tpu.enqueue_indirect_dma source(%dma_start3A_175 : memref<1000000xf32, #tpu.memory_space<hbm>>) target(%dma_start3A_170 : memref<128xf32, #tpu.memory_space<vmem>>) offsets(%dma_start3A_173 : memref<128xi32, #tpu.memory_space<vmem>>) semaphore(%arg16 : memref<!tpu.dma_semaphore, #tpu.memory_space<semaphore_mem>>)
    %dma_start3A_176 = arith.constant 7 : i32
    %dma_start3A_177 = arith.constant 896 : i32
    %dma_start3A_178 = tpu.memref_slice %arg12[%dma_start3A_177] : memref<1024xf32, #tpu.memory_space<vmem>> -> memref<128xf32, #tpu.memory_space<vmem>>
    %dma_start3A_179 = arith.constant 0 : i32
    %dma_start3A_180 = tpu.memref_slice %arg9[%dma_start3A_176, %dma_start3A_179] : memref<8x128xi32, #tpu.memory_space<vmem>> -> memref<1x128xi32, #tpu.memory_space<vmem>>
    %dma_start3A_181 = tpu.memref_squeeze %dma_start3A_180 : memref<1x128xi32, #tpu.memory_space<vmem>> -> memref<128xi32, #tpu.memory_space<vmem>>
    %dma_start3A_182 = arith.constant 0 : i32
    %dma_start3A_183 = tpu.memref_slice %arg6[%dma_start3A_182] : memref<1000000xf32, #tpu.memory_space<hbm>> -> memref<1000000xf32, #tpu.memory_space<hbm>>
    tpu.enqueue_indirect_dma source(%dma_start3A_183 : memref<1000000xf32, #tpu.memory_space<hbm>>) target(%dma_start3A_178 : memref<128xf32, #tpu.memory_space<vmem>>) offsets(%dma_start3A_181 : memref<128xi32, #tpu.memory_space<vmem>>) semaphore(%arg16 : memref<!tpu.dma_semaphore, #tpu.memory_space<semaphore_mem>>)
    %dma_wait3A = arith.constant 0 : i32
    %dma_wait3A_184 = arith.constant 0 : i32
    %dma_wait3A_185 = arith.constant 0 : i32
    %dma_wait3A_186 = tpu.memref_slice %arg10[%dma_wait3A_184, %dma_wait3A_185] : memref<512x64xf32, #tpu.memory_space<vmem>> -> memref<128x64xf32, #tpu.memory_space<vmem>>
    %dma_wait3A_187 = arith.constant 0 : i32
    %dma_wait3A_188 = tpu.memref_slice %arg8[%dma_wait3A, %dma_wait3A_187] : memref<4x128xi32, #tpu.memory_space<vmem>> -> memref<1x128xi32, #tpu.memory_space<vmem>>
    %dma_wait3A_189 = tpu.memref_squeeze %dma_wait3A_188 : memref<1x128xi32, #tpu.memory_space<vmem>> -> memref<128xi32, #tpu.memory_space<vmem>>
    %dma_wait3A_190 = arith.constant 0 : i32
    %dma_wait3A_191 = arith.constant 0 : i32
    %dma_wait3A_192 = tpu.memref_slice %arg4[%dma_wait3A_190, %dma_wait3A_191] : memref<1000000x64xf32, #tpu.memory_space<hbm>> -> memref<1000000x64xf32, #tpu.memory_space<hbm>>
    tpu.wait_indirect_dma semaphore(%arg16 : memref<!tpu.dma_semaphore, #tpu.memory_space<semaphore_mem>>) src(%dma_wait3A_192 : memref<1000000x64xf32, #tpu.memory_space<hbm>>) dst(%dma_wait3A_186 : memref<128x64xf32, #tpu.memory_space<vmem>>)
    %dma_wait3A_193 = arith.constant 1 : i32
    %dma_wait3A_194 = arith.constant 128 : i32
    %dma_wait3A_195 = arith.constant 0 : i32
    %dma_wait3A_196 = tpu.memref_slice %arg10[%dma_wait3A_194, %dma_wait3A_195] : memref<512x64xf32, #tpu.memory_space<vmem>> -> memref<128x64xf32, #tpu.memory_space<vmem>>
    %dma_wait3A_197 = arith.constant 0 : i32
    %dma_wait3A_198 = tpu.memref_slice %arg8[%dma_wait3A_193, %dma_wait3A_197] : memref<4x128xi32, #tpu.memory_space<vmem>> -> memref<1x128xi32, #tpu.memory_space<vmem>>
    %dma_wait3A_199 = tpu.memref_squeeze %dma_wait3A_198 : memref<1x128xi32, #tpu.memory_space<vmem>> -> memref<128xi32, #tpu.memory_space<vmem>>
    %dma_wait3A_200 = arith.constant 0 : i32
    %dma_wait3A_201 = arith.constant 0 : i32
    %dma_wait3A_202 = tpu.memref_slice %arg4[%dma_wait3A_200, %dma_wait3A_201] : memref<1000000x64xf32, #tpu.memory_space<hbm>> -> memref<1000000x64xf32, #tpu.memory_space<hbm>>
    tpu.wait_indirect_dma semaphore(%arg16 : memref<!tpu.dma_semaphore, #tpu.memory_space<semaphore_mem>>) src(%dma_wait3A_202 : memref<1000000x64xf32, #tpu.memory_space<hbm>>) dst(%dma_wait3A_196 : memref<128x64xf32, #tpu.memory_space<vmem>>)
    %dma_wait3A_203 = arith.constant 2 : i32
    %dma_wait3A_204 = arith.constant 256 : i32
    %dma_wait3A_205 = arith.constant 0 : i32
    %dma_wait3A_206 = tpu.memref_slice %arg10[%dma_wait3A_204, %dma_wait3A_205] : memref<512x64xf32, #tpu.memory_space<vmem>> -> memref<128x64xf32, #tpu.memory_space<vmem>>
    %dma_wait3A_207 = arith.constant 0 : i32
    %dma_wait3A_208 = tpu.memref_slice %arg8[%dma_wait3A_203, %dma_wait3A_207] : memref<4x128xi32, #tpu.memory_space<vmem>> -> memref<1x128xi32, #tpu.memory_space<vmem>>
    %dma_wait3A_209 = tpu.memref_squeeze %dma_wait3A_208 : memref<1x128xi32, #tpu.memory_space<vmem>> -> memref<128xi32, #tpu.memory_space<vmem>>
    %dma_wait3A_210 = arith.constant 0 : i32
    %dma_wait3A_211 = arith.constant 0 : i32
    %dma_wait3A_212 = tpu.memref_slice %arg4[%dma_wait3A_210, %dma_wait3A_211] : memref<1000000x64xf32, #tpu.memory_space<hbm>> -> memref<1000000x64xf32, #tpu.memory_space<hbm>>
    tpu.wait_indirect_dma semaphore(%arg16 : memref<!tpu.dma_semaphore, #tpu.memory_space<semaphore_mem>>) src(%dma_wait3A_212 : memref<1000000x64xf32, #tpu.memory_space<hbm>>) dst(%dma_wait3A_206 : memref<128x64xf32, #tpu.memory_space<vmem>>)
    %dma_wait3A_213 = arith.constant 3 : i32
    %dma_wait3A_214 = arith.constant 384 : i32
    %dma_wait3A_215 = arith.constant 0 : i32
    %dma_wait3A_216 = tpu.memref_slice %arg10[%dma_wait3A_214, %dma_wait3A_215] : memref<512x64xf32, #tpu.memory_space<vmem>> -> memref<128x64xf32, #tpu.memory_space<vmem>>
    %dma_wait3A_217 = arith.constant 0 : i32
    %dma_wait3A_218 = tpu.memref_slice %arg8[%dma_wait3A_213, %dma_wait3A_217] : memref<4x128xi32, #tpu.memory_space<vmem>> -> memref<1x128xi32, #tpu.memory_space<vmem>>
    %dma_wait3A_219 = tpu.memref_squeeze %dma_wait3A_218 : memref<1x128xi32, #tpu.memory_space<vmem>> -> memref<128xi32, #tpu.memory_space<vmem>>
    %dma_wait3A_220 = arith.constant 0 : i32
    %dma_wait3A_221 = arith.constant 0 : i32
    %dma_wait3A_222 = tpu.memref_slice %arg4[%dma_wait3A_220, %dma_wait3A_221] : memref<1000000x64xf32, #tpu.memory_space<hbm>> -> memref<1000000x64xf32, #tpu.memory_space<hbm>>
    tpu.wait_indirect_dma semaphore(%arg16 : memref<!tpu.dma_semaphore, #tpu.memory_space<semaphore_mem>>) src(%dma_wait3A_222 : memref<1000000x64xf32, #tpu.memory_space<hbm>>) dst(%dma_wait3A_216 : memref<128x64xf32, #tpu.memory_space<vmem>>)
    %dma_wait3A_223 = arith.constant 0 : i32
    %dma_wait3A_224 = arith.constant 0 : i32
    %dma_wait3A_225 = arith.constant 0 : i32
    %dma_wait3A_226 = tpu.memref_slice %arg11[%dma_wait3A_224, %dma_wait3A_225] : memref<1024x64xf32, #tpu.memory_space<vmem>> -> memref<128x64xf32, #tpu.memory_space<vmem>>
    %dma_wait3A_227 = arith.constant 0 : i32
    %dma_wait3A_228 = tpu.memref_slice %arg9[%dma_wait3A_223, %dma_wait3A_227] : memref<8x128xi32, #tpu.memory_space<vmem>> -> memref<1x128xi32, #tpu.memory_space<vmem>>
    %dma_wait3A_229 = tpu.memref_squeeze %dma_wait3A_228 : memref<1x128xi32, #tpu.memory_space<vmem>> -> memref<128xi32, #tpu.memory_space<vmem>>
    %dma_wait3A_230 = arith.constant 0 : i32
    %dma_wait3A_231 = arith.constant 0 : i32
    %dma_wait3A_232 = tpu.memref_slice %arg5[%dma_wait3A_230, %dma_wait3A_231] : memref<1000000x64xf32, #tpu.memory_space<hbm>> -> memref<1000000x64xf32, #tpu.memory_space<hbm>>
    tpu.wait_indirect_dma semaphore(%arg16 : memref<!tpu.dma_semaphore, #tpu.memory_space<semaphore_mem>>) src(%dma_wait3A_232 : memref<1000000x64xf32, #tpu.memory_space<hbm>>) dst(%dma_wait3A_226 : memref<128x64xf32, #tpu.memory_space<vmem>>)
    %dma_wait3A_233 = arith.constant 1 : i32
    %dma_wait3A_234 = arith.constant 128 : i32
    %dma_wait3A_235 = arith.constant 0 : i32
    %dma_wait3A_236 = tpu.memref_slice %arg11[%dma_wait3A_234, %dma_wait3A_235] : memref<1024x64xf32, #tpu.memory_space<vmem>> -> memref<128x64xf32, #tpu.memory_space<vmem>>
    %dma_wait3A_237 = arith.constant 0 : i32
    %dma_wait3A_238 = tpu.memref_slice %arg9[%dma_wait3A_233, %dma_wait3A_237] : memref<8x128xi32, #tpu.memory_space<vmem>> -> memref<1x128xi32, #tpu.memory_space<vmem>>
    %dma_wait3A_239 = tpu.memref_squeeze %dma_wait3A_238 : memref<1x128xi32, #tpu.memory_space<vmem>> -> memref<128xi32, #tpu.memory_space<vmem>>
    %dma_wait3A_240 = arith.constant 0 : i32
    %dma_wait3A_241 = arith.constant 0 : i32
    %dma_wait3A_242 = tpu.memref_slice %arg5[%dma_wait3A_240, %dma_wait3A_241] : memref<1000000x64xf32, #tpu.memory_space<hbm>> -> memref<1000000x64xf32, #tpu.memory_space<hbm>>
    tpu.wait_indirect_dma semaphore(%arg16 : memref<!tpu.dma_semaphore, #tpu.memory_space<semaphore_mem>>) src(%dma_wait3A_242 : memref<1000000x64xf32, #tpu.memory_space<hbm>>) dst(%dma_wait3A_236 : memref<128x64xf32, #tpu.memory_space<vmem>>)
    %dma_wait3A_243 = arith.constant 2 : i32
    %dma_wait3A_244 = arith.constant 256 : i32
    %dma_wait3A_245 = arith.constant 0 : i32
    %dma_wait3A_246 = tpu.memref_slice %arg11[%dma_wait3A_244, %dma_wait3A_245] : memref<1024x64xf32, #tpu.memory_space<vmem>> -> memref<128x64xf32, #tpu.memory_space<vmem>>
    %dma_wait3A_247 = arith.constant 0 : i32
    %dma_wait3A_248 = tpu.memref_slice %arg9[%dma_wait3A_243, %dma_wait3A_247] : memref<8x128xi32, #tpu.memory_space<vmem>> -> memref<1x128xi32, #tpu.memory_space<vmem>>
    %dma_wait3A_249 = tpu.memref_squeeze %dma_wait3A_248 : memref<1x128xi32, #tpu.memory_space<vmem>> -> memref<128xi32, #tpu.memory_space<vmem>>
    %dma_wait3A_250 = arith.constant 0 : i32
    %dma_wait3A_251 = arith.constant 0 : i32
    %dma_wait3A_252 = tpu.memref_slice %arg5[%dma_wait3A_250, %dma_wait3A_251] : memref<1000000x64xf32, #tpu.memory_space<hbm>> -> memref<1000000x64xf32, #tpu.memory_space<hbm>>
    tpu.wait_indirect_dma semaphore(%arg16 : memref<!tpu.dma_semaphore, #tpu.memory_space<semaphore_mem>>) src(%dma_wait3A_252 : memref<1000000x64xf32, #tpu.memory_space<hbm>>) dst(%dma_wait3A_246 : memref<128x64xf32, #tpu.memory_space<vmem>>)
    %dma_wait3A_253 = arith.constant 3 : i32
    %dma_wait3A_254 = arith.constant 384 : i32
    %dma_wait3A_255 = arith.constant 0 : i32
    %dma_wait3A_256 = tpu.memref_slice %arg11[%dma_wait3A_254, %dma_wait3A_255] : memref<1024x64xf32, #tpu.memory_space<vmem>> -> memref<128x64xf32, #tpu.memory_space<vmem>>
    %dma_wait3A_257 = arith.constant 0 : i32
    %dma_wait3A_258 = tpu.memref_slice %arg9[%dma_wait3A_253, %dma_wait3A_257] : memref<8x128xi32, #tpu.memory_space<vmem>> -> memref<1x128xi32, #tpu.memory_space<vmem>>
    %dma_wait3A_259 = tpu.memref_squeeze %dma_wait3A_258 : memref<1x128xi32, #tpu.memory_space<vmem>> -> memref<128xi32, #tpu.memory_space<vmem>>
    %dma_wait3A_260 = arith.constant 0 : i32
    %dma_wait3A_261 = arith.constant 0 : i32
    %dma_wait3A_262 = tpu.memref_slice %arg5[%dma_wait3A_260, %dma_wait3A_261] : memref<1000000x64xf32, #tpu.memory_space<hbm>> -> memref<1000000x64xf32, #tpu.memory_space<hbm>>
    tpu.wait_indirect_dma semaphore(%arg16 : memref<!tpu.dma_semaphore, #tpu.memory_space<semaphore_mem>>) src(%dma_wait3A_262 : memref<1000000x64xf32, #tpu.memory_space<hbm>>) dst(%dma_wait3A_256 : memref<128x64xf32, #tpu.memory_space<vmem>>)
    %dma_wait3A_263 = arith.constant 4 : i32
    %dma_wait3A_264 = arith.constant 512 : i32
    %dma_wait3A_265 = arith.constant 0 : i32
    %dma_wait3A_266 = tpu.memref_slice %arg11[%dma_wait3A_264, %dma_wait3A_265] : memref<1024x64xf32, #tpu.memory_space<vmem>> -> memref<128x64xf32, #tpu.memory_space<vmem>>
    %dma_wait3A_267 = arith.constant 0 : i32
    %dma_wait3A_268 = tpu.memref_slice %arg9[%dma_wait3A_263, %dma_wait3A_267] : memref<8x128xi32, #tpu.memory_space<vmem>> -> memref<1x128xi32, #tpu.memory_space<vmem>>
    %dma_wait3A_269 = tpu.memref_squeeze %dma_wait3A_268 : memref<1x128xi32, #tpu.memory_space<vmem>> -> memref<128xi32, #tpu.memory_space<vmem>>
    %dma_wait3A_270 = arith.constant 0 : i32
    %dma_wait3A_271 = arith.constant 0 : i32
    %dma_wait3A_272 = tpu.memref_slice %arg5[%dma_wait3A_270, %dma_wait3A_271] : memref<1000000x64xf32, #tpu.memory_space<hbm>> -> memref<1000000x64xf32, #tpu.memory_space<hbm>>
    tpu.wait_indirect_dma semaphore(%arg16 : memref<!tpu.dma_semaphore, #tpu.memory_space<semaphore_mem>>) src(%dma_wait3A_272 : memref<1000000x64xf32, #tpu.memory_space<hbm>>) dst(%dma_wait3A_266 : memref<128x64xf32, #tpu.memory_space<vmem>>)
    %dma_wait3A_273 = arith.constant 5 : i32
    %dma_wait3A_274 = arith.constant 640 : i32
    %dma_wait3A_275 = arith.constant 0 : i32
    %dma_wait3A_276 = tpu.memref_slice %arg11[%dma_wait3A_274, %dma_wait3A_275] : memref<1024x64xf32, #tpu.memory_space<vmem>> -> memref<128x64xf32, #tpu.memory_space<vmem>>
    %dma_wait3A_277 = arith.constant 0 : i32
    %dma_wait3A_278 = tpu.memref_slice %arg9[%dma_wait3A_273, %dma_wait3A_277] : memref<8x128xi32, #tpu.memory_space<vmem>> -> memref<1x128xi32, #tpu.memory_space<vmem>>
    %dma_wait3A_279 = tpu.memref_squeeze %dma_wait3A_278 : memref<1x128xi32, #tpu.memory_space<vmem>> -> memref<128xi32, #tpu.memory_space<vmem>>
    %dma_wait3A_280 = arith.constant 0 : i32
    %dma_wait3A_281 = arith.constant 0 : i32
    %dma_wait3A_282 = tpu.memref_slice %arg5[%dma_wait3A_280, %dma_wait3A_281] : memref<1000000x64xf32, #tpu.memory_space<hbm>> -> memref<1000000x64xf32, #tpu.memory_space<hbm>>
    tpu.wait_indirect_dma semaphore(%arg16 : memref<!tpu.dma_semaphore, #tpu.memory_space<semaphore_mem>>) src(%dma_wait3A_282 : memref<1000000x64xf32, #tpu.memory_space<hbm>>) dst(%dma_wait3A_276 : memref<128x64xf32, #tpu.memory_space<vmem>>)
    %dma_wait3A_283 = arith.constant 6 : i32
    %dma_wait3A_284 = arith.constant 768 : i32
    %dma_wait3A_285 = arith.constant 0 : i32
    %dma_wait3A_286 = tpu.memref_slice %arg11[%dma_wait3A_284, %dma_wait3A_285] : memref<1024x64xf32, #tpu.memory_space<vmem>> -> memref<128x64xf32, #tpu.memory_space<vmem>>
    %dma_wait3A_287 = arith.constant 0 : i32
    %dma_wait3A_288 = tpu.memref_slice %arg9[%dma_wait3A_283, %dma_wait3A_287] : memref<8x128xi32, #tpu.memory_space<vmem>> -> memref<1x128xi32, #tpu.memory_space<vmem>>
    %dma_wait3A_289 = tpu.memref_squeeze %dma_wait3A_288 : memref<1x128xi32, #tpu.memory_space<vmem>> -> memref<128xi32, #tpu.memory_space<vmem>>
    %dma_wait3A_290 = arith.constant 0 : i32
    %dma_wait3A_291 = arith.constant 0 : i32
    %dma_wait3A_292 = tpu.memref_slice %arg5[%dma_wait3A_290, %dma_wait3A_291] : memref<1000000x64xf32, #tpu.memory_space<hbm>> -> memref<1000000x64xf32, #tpu.memory_space<hbm>>
    tpu.wait_indirect_dma semaphore(%arg16 : memref<!tpu.dma_semaphore, #tpu.memory_space<semaphore_mem>>) src(%dma_wait3A_292 : memref<1000000x64xf32, #tpu.memory_space<hbm>>) dst(%dma_wait3A_286 : memref<128x64xf32, #tpu.memory_space<vmem>>)
    %dma_wait3A_293 = arith.constant 7 : i32
    %dma_wait3A_294 = arith.constant 896 : i32
    %dma_wait3A_295 = arith.constant 0 : i32
    %dma_wait3A_296 = tpu.memref_slice %arg11[%dma_wait3A_294, %dma_wait3A_295] : memref<1024x64xf32, #tpu.memory_space<vmem>> -> memref<128x64xf32, #tpu.memory_space<vmem>>
    %dma_wait3A_297 = arith.constant 0 : i32
    %dma_wait3A_298 = tpu.memref_slice %arg9[%dma_wait3A_293, %dma_wait3A_297] : memref<8x128xi32, #tpu.memory_space<vmem>> -> memref<1x128xi32, #tpu.memory_space<vmem>>
    %dma_wait3A_299 = tpu.memref_squeeze %dma_wait3A_298 : memref<1x128xi32, #tpu.memory_space<vmem>> -> memref<128xi32, #tpu.memory_space<vmem>>
    %dma_wait3A_300 = arith.constant 0 : i32
    %dma_wait3A_301 = arith.constant 0 : i32
    %dma_wait3A_302 = tpu.memref_slice %arg5[%dma_wait3A_300, %dma_wait3A_301] : memref<1000000x64xf32, #tpu.memory_space<hbm>> -> memref<1000000x64xf32, #tpu.memory_space<hbm>>
    tpu.wait_indirect_dma semaphore(%arg16 : memref<!tpu.dma_semaphore, #tpu.memory_space<semaphore_mem>>) src(%dma_wait3A_302 : memref<1000000x64xf32, #tpu.memory_space<hbm>>) dst(%dma_wait3A_296 : memref<128x64xf32, #tpu.memory_space<vmem>>)
    %dma_wait3A_303 = arith.constant 0 : i32
    %dma_wait3A_304 = arith.constant 0 : i32
    %dma_wait3A_305 = tpu.memref_slice %arg12[%dma_wait3A_304] : memref<1024xf32, #tpu.memory_space<vmem>> -> memref<128xf32, #tpu.memory_space<vmem>>
    %dma_wait3A_306 = arith.constant 0 : i32
    %dma_wait3A_307 = tpu.memref_slice %arg9[%dma_wait3A_303, %dma_wait3A_306] : memref<8x128xi32, #tpu.memory_space<vmem>> -> memref<1x128xi32, #tpu.memory_space<vmem>>
    %dma_wait3A_308 = tpu.memref_squeeze %dma_wait3A_307 : memref<1x128xi32, #tpu.memory_space<vmem>> -> memref<128xi32, #tpu.memory_space<vmem>>
    %dma_wait3A_309 = arith.constant 0 : i32
    %dma_wait3A_310 = tpu.memref_slice %arg6[%dma_wait3A_309] : memref<1000000xf32, #tpu.memory_space<hbm>> -> memref<1000000xf32, #tpu.memory_space<hbm>>
    tpu.wait_indirect_dma semaphore(%arg16 : memref<!tpu.dma_semaphore, #tpu.memory_space<semaphore_mem>>) src(%dma_wait3A_310 : memref<1000000xf32, #tpu.memory_space<hbm>>) dst(%dma_wait3A_305 : memref<128xf32, #tpu.memory_space<vmem>>)
    %dma_wait3A_311 = arith.constant 1 : i32
    %dma_wait3A_312 = arith.constant 128 : i32
    %dma_wait3A_313 = tpu.memref_slice %arg12[%dma_wait3A_312] : memref<1024xf32, #tpu.memory_space<vmem>> -> memref<128xf32, #tpu.memory_space<vmem>>
    %dma_wait3A_314 = arith.constant 0 : i32
    %dma_wait3A_315 = tpu.memref_slice %arg9[%dma_wait3A_311, %dma_wait3A_314] : memref<8x128xi32, #tpu.memory_space<vmem>> -> memref<1x128xi32, #tpu.memory_space<vmem>>
    %dma_wait3A_316 = tpu.memref_squeeze %dma_wait3A_315 : memref<1x128xi32, #tpu.memory_space<vmem>> -> memref<128xi32, #tpu.memory_space<vmem>>
    %dma_wait3A_317 = arith.constant 0 : i32
    %dma_wait3A_318 = tpu.memref_slice %arg6[%dma_wait3A_317] : memref<1000000xf32, #tpu.memory_space<hbm>> -> memref<1000000xf32, #tpu.memory_space<hbm>>
    tpu.wait_indirect_dma semaphore(%arg16 : memref<!tpu.dma_semaphore, #tpu.memory_space<semaphore_mem>>) src(%dma_wait3A_318 : memref<1000000xf32, #tpu.memory_space<hbm>>) dst(%dma_wait3A_313 : memref<128xf32, #tpu.memory_space<vmem>>)
    %dma_wait3A_319 = arith.constant 2 : i32
    %dma_wait3A_320 = arith.constant 256 : i32
    %dma_wait3A_321 = tpu.memref_slice %arg12[%dma_wait3A_320] : memref<1024xf32, #tpu.memory_space<vmem>> -> memref<128xf32, #tpu.memory_space<vmem>>
    %dma_wait3A_322 = arith.constant 0 : i32
    %dma_wait3A_323 = tpu.memref_slice %arg9[%dma_wait3A_319, %dma_wait3A_322] : memref<8x128xi32, #tpu.memory_space<vmem>> -> memref<1x128xi32, #tpu.memory_space<vmem>>
    %dma_wait3A_324 = tpu.memref_squeeze %dma_wait3A_323 : memref<1x128xi32, #tpu.memory_space<vmem>> -> memref<128xi32, #tpu.memory_space<vmem>>
    %dma_wait3A_325 = arith.constant 0 : i32
    %dma_wait3A_326 = tpu.memref_slice %arg6[%dma_wait3A_325] : memref<1000000xf32, #tpu.memory_space<hbm>> -> memref<1000000xf32, #tpu.memory_space<hbm>>
    tpu.wait_indirect_dma semaphore(%arg16 : memref<!tpu.dma_semaphore, #tpu.memory_space<semaphore_mem>>) src(%dma_wait3A_326 : memref<1000000xf32, #tpu.memory_space<hbm>>) dst(%dma_wait3A_321 : memref<128xf32, #tpu.memory_space<vmem>>)
    %dma_wait3A_327 = arith.constant 3 : i32
    %dma_wait3A_328 = arith.constant 384 : i32
    %dma_wait3A_329 = tpu.memref_slice %arg12[%dma_wait3A_328] : memref<1024xf32, #tpu.memory_space<vmem>> -> memref<128xf32, #tpu.memory_space<vmem>>
    %dma_wait3A_330 = arith.constant 0 : i32
    %dma_wait3A_331 = tpu.memref_slice %arg9[%dma_wait3A_327, %dma_wait3A_330] : memref<8x128xi32, #tpu.memory_space<vmem>> -> memref<1x128xi32, #tpu.memory_space<vmem>>
    %dma_wait3A_332 = tpu.memref_squeeze %dma_wait3A_331 : memref<1x128xi32, #tpu.memory_space<vmem>> -> memref<128xi32, #tpu.memory_space<vmem>>
    %dma_wait3A_333 = arith.constant 0 : i32
    %dma_wait3A_334 = tpu.memref_slice %arg6[%dma_wait3A_333] : memref<1000000xf32, #tpu.memory_space<hbm>> -> memref<1000000xf32, #tpu.memory_space<hbm>>
    tpu.wait_indirect_dma semaphore(%arg16 : memref<!tpu.dma_semaphore, #tpu.memory_space<semaphore_mem>>) src(%dma_wait3A_334 : memref<1000000xf32, #tpu.memory_space<hbm>>) dst(%dma_wait3A_329 : memref<128xf32, #tpu.memory_space<vmem>>)
    %dma_wait3A_335 = arith.constant 4 : i32
    %dma_wait3A_336 = arith.constant 512 : i32
    %dma_wait3A_337 = tpu.memref_slice %arg12[%dma_wait3A_336] : memref<1024xf32, #tpu.memory_space<vmem>> -> memref<128xf32, #tpu.memory_space<vmem>>
    %dma_wait3A_338 = arith.constant 0 : i32
    %dma_wait3A_339 = tpu.memref_slice %arg9[%dma_wait3A_335, %dma_wait3A_338] : memref<8x128xi32, #tpu.memory_space<vmem>> -> memref<1x128xi32, #tpu.memory_space<vmem>>
    %dma_wait3A_340 = tpu.memref_squeeze %dma_wait3A_339 : memref<1x128xi32, #tpu.memory_space<vmem>> -> memref<128xi32, #tpu.memory_space<vmem>>
    %dma_wait3A_341 = arith.constant 0 : i32
    %dma_wait3A_342 = tpu.memref_slice %arg6[%dma_wait3A_341] : memref<1000000xf32, #tpu.memory_space<hbm>> -> memref<1000000xf32, #tpu.memory_space<hbm>>
    tpu.wait_indirect_dma semaphore(%arg16 : memref<!tpu.dma_semaphore, #tpu.memory_space<semaphore_mem>>) src(%dma_wait3A_342 : memref<1000000xf32, #tpu.memory_space<hbm>>) dst(%dma_wait3A_337 : memref<128xf32, #tpu.memory_space<vmem>>)
    %dma_wait3A_343 = arith.constant 5 : i32
    %dma_wait3A_344 = arith.constant 640 : i32
    %dma_wait3A_345 = tpu.memref_slice %arg12[%dma_wait3A_344] : memref<1024xf32, #tpu.memory_space<vmem>> -> memref<128xf32, #tpu.memory_space<vmem>>
    %dma_wait3A_346 = arith.constant 0 : i32
    %dma_wait3A_347 = tpu.memref_slice %arg9[%dma_wait3A_343, %dma_wait3A_346] : memref<8x128xi32, #tpu.memory_space<vmem>> -> memref<1x128xi32, #tpu.memory_space<vmem>>
    %dma_wait3A_348 = tpu.memref_squeeze %dma_wait3A_347 : memref<1x128xi32, #tpu.memory_space<vmem>> -> memref<128xi32, #tpu.memory_space<vmem>>
    %dma_wait3A_349 = arith.constant 0 : i32
    %dma_wait3A_350 = tpu.memref_slice %arg6[%dma_wait3A_349] : memref<1000000xf32, #tpu.memory_space<hbm>> -> memref<1000000xf32, #tpu.memory_space<hbm>>
    tpu.wait_indirect_dma semaphore(%arg16 : memref<!tpu.dma_semaphore, #tpu.memory_space<semaphore_mem>>) src(%dma_wait3A_350 : memref<1000000xf32, #tpu.memory_space<hbm>>) dst(%dma_wait3A_345 : memref<128xf32, #tpu.memory_space<vmem>>)
    %dma_wait3A_351 = arith.constant 6 : i32
    %dma_wait3A_352 = arith.constant 768 : i32
    %dma_wait3A_353 = tpu.memref_slice %arg12[%dma_wait3A_352] : memref<1024xf32, #tpu.memory_space<vmem>> -> memref<128xf32, #tpu.memory_space<vmem>>
    %dma_wait3A_354 = arith.constant 0 : i32
    %dma_wait3A_355 = tpu.memref_slice %arg9[%dma_wait3A_351, %dma_wait3A_354] : memref<8x128xi32, #tpu.memory_space<vmem>> -> memref<1x128xi32, #tpu.memory_space<vmem>>
    %dma_wait3A_356 = tpu.memref_squeeze %dma_wait3A_355 : memref<1x128xi32, #tpu.memory_space<vmem>> -> memref<128xi32, #tpu.memory_space<vmem>>
    %dma_wait3A_357 = arith.constant 0 : i32
    %dma_wait3A_358 = tpu.memref_slice %arg6[%dma_wait3A_357] : memref<1000000xf32, #tpu.memory_space<hbm>> -> memref<1000000xf32, #tpu.memory_space<hbm>>
    tpu.wait_indirect_dma semaphore(%arg16 : memref<!tpu.dma_semaphore, #tpu.memory_space<semaphore_mem>>) src(%dma_wait3A_358 : memref<1000000xf32, #tpu.memory_space<hbm>>) dst(%dma_wait3A_353 : memref<128xf32, #tpu.memory_space<vmem>>)
    %dma_wait3A_359 = arith.constant 7 : i32
    %dma_wait3A_360 = arith.constant 896 : i32
    %dma_wait3A_361 = tpu.memref_slice %arg12[%dma_wait3A_360] : memref<1024xf32, #tpu.memory_space<vmem>> -> memref<128xf32, #tpu.memory_space<vmem>>
    %dma_wait3A_362 = arith.constant 0 : i32
    %dma_wait3A_363 = tpu.memref_slice %arg9[%dma_wait3A_359, %dma_wait3A_362] : memref<8x128xi32, #tpu.memory_space<vmem>> -> memref<1x128xi32, #tpu.memory_space<vmem>>
    %dma_wait3A_364 = tpu.memref_squeeze %dma_wait3A_363 : memref<1x128xi32, #tpu.memory_space<vmem>> -> memref<128xi32, #tpu.memory_space<vmem>>
    %dma_wait3A_365 = arith.constant 0 : i32
    %dma_wait3A_366 = tpu.memref_slice %arg6[%dma_wait3A_365] : memref<1000000xf32, #tpu.memory_space<hbm>> -> memref<1000000xf32, #tpu.memory_space<hbm>>
    tpu.wait_indirect_dma semaphore(%arg16 : memref<!tpu.dma_semaphore, #tpu.memory_space<semaphore_mem>>) src(%dma_wait3A_366 : memref<1000000xf32, #tpu.memory_space<hbm>>) dst(%dma_wait3A_361 : memref<128xf32, #tpu.memory_space<vmem>>)
    %iota3A = tpu.iota {dimensions = array<i32: 0>} : vector<16xi32>
    %scan3A = arith.constant 0 : i32
    %scan3A_367 = arith.constant 0 : i32
    %scan3A_368 = arith.constant 32 : i32
    %scan3A_369 = arith.addi %scan3A_367, %scan3A_368 : i32
    %scan3A_370 = arith.constant 1 : i32
    scf.for %scan3A_376 = %scan3A_367 to %scan3A_369 step %scan3A_370  : i32 {
      %mul3A_377 = arith.constant 16 : i32
      %mul3A_378 = arith.muli %scan3A_376, %mul3A_377 : i32
      %add3A_379 = arith.constant 0 : i32
      %add3A_380 = arith.addi %mul3A_378, %add3A_379 : i32
      %get3A = arith.index_cast %add3A_380 : i32 to index
      %get3A_381 = arith.constant 0 : index
      %get3A_382 = tpu.vector_load %arg10[%get3A, %get3A_381] {strides = array<i32>} : memref<512x64xf32, #tpu.memory_space<vmem>>, vector<16xf32>,
      %mul3A_383 = arith.constant 2 : i32
      %mul3A_384 = arith.muli %mul3A_383, %add3A_380 : i32
      %get3A_385 = arith.index_cast %mul3A_384 : i32 to index
      %get3A_386 = arith.constant 0 : index
      %get3A_387 = tpu.vector_load %arg11[%get3A_385, %get3A_386] {strides = array<i32>} : memref<1024x64xf32, #tpu.memory_space<vmem>>, vector<16xf32>,
      %mul3A_388 = arith.mulf %get3A_382, %get3A_387 : vector<16xf32>
      %mul3A_389 = arith.constant 2 : i32
      %mul3A_390 = arith.muli %mul3A_389, %add3A_380 : i32
      %add3A_391 = arith.constant 1 : i32
      %add3A_392 = arith.addi %mul3A_390, %add3A_391 : i32
      %get3A_393 = arith.index_cast %add3A_392 : i32 to index
      %get3A_394 = arith.constant 0 : index
      %get3A_395 = tpu.vector_load %arg11[%get3A_393, %get3A_394] {strides = array<i32>} : memref<1024x64xf32, #tpu.memory_space<vmem>>, vector<16xf32>,
      %mul3A_396 = arith.mulf %get3A_382, %get3A_395 : vector<16xf32>
      %get3A_397 = arith.index_cast %add3A_380 : i32 to index
      %get3A_398 = arith.constant 16 : index
      %get3A_399 = tpu.vector_load %arg10[%get3A_397, %get3A_398] {strides = array<i32>} : memref<512x64xf32, #tpu.memory_space<vmem>>, vector<16xf32>,
      %mul3A_400 = arith.constant 2 : i32
      %mul3A_401 = arith.muli %mul3A_400, %add3A_380 : i32
      %get3A_402 = arith.index_cast %mul3A_401 : i32 to index
      %get3A_403 = arith.constant 16 : index
      %get3A_404 = tpu.vector_load %arg11[%get3A_402, %get3A_403] {strides = array<i32>} : memref<1024x64xf32, #tpu.memory_space<vmem>>, vector<16xf32>,
      %mul3A_405 = arith.mulf %get3A_399, %get3A_404 : vector<16xf32>
      %mul3A_406 = arith.constant 2 : i32
      %mul3A_407 = arith.muli %mul3A_406, %add3A_380 : i32
      %add3A_408 = arith.constant 1 : i32
      %add3A_409 = arith.addi %mul3A_407, %add3A_408 : i32
      %get3A_410 = arith.index_cast %add3A_409 : i32 to index
      %get3A_411 = arith.constant 16 : index
      %get3A_412 = tpu.vector_load %arg11[%get3A_410, %get3A_411] {strides = array<i32>} : memref<1024x64xf32, #tpu.memory_space<vmem>>, vector<16xf32>,
      %mul3A_413 = arith.mulf %get3A_399, %get3A_412 : vector<16xf32>
      %add3A_414 = arith.addf %mul3A_388, %mul3A_405 : vector<16xf32>
      %add3A_415 = arith.addf %mul3A_396, %mul3A_413 : vector<16xf32>
      %get3A_416 = arith.index_cast %add3A_380 : i32 to index
      %get3A_417 = arith.constant 32 : index
      %get3A_418 = tpu.vector_load %arg10[%get3A_416, %get3A_417] {strides = array<i32>} : memref<512x64xf32, #tpu.memory_space<vmem>>, vector<16xf32>,
      %mul3A_419 = arith.constant 2 : i32
      %mul3A_420 = arith.muli %mul3A_419, %add3A_380 : i32
      %get3A_421 = arith.index_cast %mul3A_420 : i32 to index
      %get3A_422 = arith.constant 32 : index
      %get3A_423 = tpu.vector_load %arg11[%get3A_421, %get3A_422] {strides = array<i32>} : memref<1024x64xf32, #tpu.memory_space<vmem>>, vector<16xf32>,
      %mul3A_424 = arith.mulf %get3A_418, %get3A_423 : vector<16xf32>
      %mul3A_425 = arith.constant 2 : i32
      %mul3A_426 = arith.muli %mul3A_425, %add3A_380 : i32
      %add3A_427 = arith.constant 1 : i32
      %add3A_428 = arith.addi %mul3A_426, %add3A_427 : i32
      %get3A_429 = arith.index_cast %add3A_428 : i32 to index
      %get3A_430 = arith.constant 32 : index
      %get3A_431 = tpu.vector_load %arg11[%get3A_429, %get3A_430] {strides = array<i32>} : memref<1024x64xf32, #tpu.memory_space<vmem>>, vector<16xf32>,
      %mul3A_432 = arith.mulf %get3A_418, %get3A_431 : vector<16xf32>
      %add3A_433 = arith.addf %add3A_414, %mul3A_424 : vector<16xf32>
      %add3A_434 = arith.addf %add3A_415, %mul3A_432 : vector<16xf32>
      %get3A_435 = arith.index_cast %add3A_380 : i32 to index
      %get3A_436 = arith.constant 48 : index
      %get3A_437 = tpu.vector_load %arg10[%get3A_435, %get3A_436] {strides = array<i32>} : memref<512x64xf32, #tpu.memory_space<vmem>>, vector<16xf32>,
      %mul3A_438 = arith.constant 2 : i32
      %mul3A_439 = arith.muli %mul3A_438, %add3A_380 : i32
      %get3A_440 = arith.index_cast %mul3A_439 : i32 to index
      %get3A_441 = arith.constant 48 : index
      %get3A_442 = tpu.vector_load %arg11[%get3A_440, %get3A_441] {strides = array<i32>} : memref<1024x64xf32, #tpu.memory_space<vmem>>, vector<16xf32>,
      %mul3A_443 = arith.mulf %get3A_437, %get3A_442 : vector<16xf32>
      %mul3A_444 = arith.constant 2 : i32
      %mul3A_445 = arith.muli %mul3A_444, %add3A_380 : i32
      %add3A_446 = arith.constant 1 : i32
      %add3A_447 = arith.addi %mul3A_445, %add3A_446 : i32
      %get3A_448 = arith.index_cast %add3A_447 : i32 to index
      %get3A_449 = arith.constant 48 : index
      %get3A_450 = tpu.vector_load %arg11[%get3A_448, %get3A_449] {strides = array<i32>} : memref<1024x64xf32, #tpu.memory_space<vmem>>, vector<16xf32>,
      %mul3A_451 = arith.mulf %get3A_437, %get3A_450 : vector<16xf32>
      %add3A_452 = arith.addf %add3A_433, %mul3A_443 : vector<16xf32>
      %add3A_453 = arith.addf %add3A_434, %mul3A_451 : vector<16xf32>
      %swap3A = arith.constant 0 : index
      %swap3A_454 = tpu.vector_load %arg14[%swap3A] {strides = array<i32>} : memref<256xf32, #tpu.memory_space<vmem>>, vector<16xf32>,
      tpu.vector_store %arg14[%swap3A], %add3A_452 {strides = array<i32>} : memref<256xf32, #tpu.memory_space<vmem>>, vector<16xf32>,
      %swap3A_455 = arith.constant 0 : index
      %swap3A_456 = tpu.vector_load %arg15[%swap3A_455] {strides = array<i32>} : memref<256xf32, #tpu.memory_space<vmem>>, vector<16xf32>,
      tpu.vector_store %arg15[%swap3A_455], %add3A_453 {strides = array<i32>} : memref<256xf32, #tpu.memory_space<vmem>>, vector<16xf32>,
      %add3A_457 = arith.constant 1 : i32
      %add3A_458 = arith.addi %mul3A_378, %add3A_457 : i32
      %get3A_459 = arith.index_cast %add3A_458 : i32 to index
      %get3A_460 = arith.constant 0 : index
      %get3A_461 = tpu.vector_load %arg10[%get3A_459, %get3A_460] {strides = array<i32>} : memref<512x64xf32, #tpu.memory_space<vmem>>, vector<16xf32>,
      %mul3A_462 = arith.constant 2 : i32
      %mul3A_463 = arith.muli %mul3A_462, %add3A_458 : i32
      %get3A_464 = arith.index_cast %mul3A_463 : i32 to index
      %get3A_465 = arith.constant 0 : index
      %get3A_466 = tpu.vector_load %arg11[%get3A_464, %get3A_465] {strides = array<i32>} : memref<1024x64xf32, #tpu.memory_space<vmem>>, vector<16xf32>,
      %mul3A_467 = arith.mulf %get3A_461, %get3A_466 : vector<16xf32>
      %mul3A_468 = arith.constant 2 : i32
      %mul3A_469 = arith.muli %mul3A_468, %add3A_458 : i32
      %add3A_470 = arith.constant 1 : i32
      %add3A_471 = arith.addi %mul3A_469, %add3A_470 : i32
      %get3A_472 = arith.index_cast %add3A_471 : i32 to index
      %get3A_473 = arith.constant 0 : index
      %get3A_474 = tpu.vector_load %arg11[%get3A_472, %get3A_473] {strides = array<i32>} : memref<1024x64xf32, #tpu.memory_space<vmem>>, vector<16xf32>,
      %mul3A_475 = arith.mulf %get3A_461, %get3A_474 : vector<16xf32>
      %get3A_476 = arith.index_cast %add3A_458 : i32 to index
      %get3A_477 = arith.constant 16 : index
      %get3A_478 = tpu.vector_load %arg10[%get3A_476, %get3A_477] {strides = array<i32>} : memref<512x64xf32, #tpu.memory_space<vmem>>, vector<16xf32>,
      %mul3A_479 = arith.constant 2 : i32
      %mul3A_480 = arith.muli %mul3A_479, %add3A_458 : i32
      %get3A_481 = arith.index_cast %mul3A_480 : i32 to index
      %get3A_482 = arith.constant 16 : index
      %get3A_483 = tpu.vector_load %arg11[%get3A_481, %get3A_482] {strides = array<i32>} : memref<1024x64xf32, #tpu.memory_space<vmem>>, vector<16xf32>,
      %mul3A_484 = arith.mulf %get3A_478, %get3A_483 : vector<16xf32>
      %mul3A_485 = arith.constant 2 : i32
      %mul3A_486 = arith.muli %mul3A_485, %add3A_458 : i32
      %add3A_487 = arith.constant 1 : i32
      %add3A_488 = arith.addi %mul3A_486, %add3A_487 : i32
      %get3A_489 = arith.index_cast %add3A_488 : i32 to index
      %get3A_490 = arith.constant 16 : index
      %get3A_491 = tpu.vector_load %arg11[%get3A_489, %get3A_490] {strides = array<i32>} : memref<1024x64xf32, #tpu.memory_space<vmem>>, vector<16xf32>,
      %mul3A_492 = arith.mulf %get3A_478, %get3A_491 : vector<16xf32>
      %add3A_493 = arith.addf %mul3A_467, %mul3A_484 : vector<16xf32>
      %add3A_494 = arith.addf %mul3A_475, %mul3A_492 : vector<16xf32>
      %get3A_495 = arith.index_cast %add3A_458 : i32 to index
      %get3A_496 = arith.constant 32 : index
      %get3A_497 = tpu.vector_load %arg10[%get3A_495, %get3A_496] {strides = array<i32>} : memref<512x64xf32, #tpu.memory_space<vmem>>, vector<16xf32>,
      %mul3A_498 = arith.constant 2 : i32
      %mul3A_499 = arith.muli %mul3A_498, %add3A_458 : i32
      %get3A_500 = arith.index_cast %mul3A_499 : i32 to index
      %get3A_501 = arith.constant 32 : index
      %get3A_502 = tpu.vector_load %arg11[%get3A_500, %get3A_501] {strides = array<i32>} : memref<1024x64xf32, #tpu.memory_space<vmem>>, vector<16xf32>,
      %mul3A_503 = arith.mulf %get3A_497, %get3A_502 : vector<16xf32>
      %mul3A_504 = arith.constant 2 : i32
      %mul3A_505 = arith.muli %mul3A_504, %add3A_458 : i32
      %add3A_506 = arith.constant 1 : i32
      %add3A_507 = arith.addi %mul3A_505, %add3A_506 : i32
      %get3A_508 = arith.index_cast %add3A_507 : i32 to index
      %get3A_509 = arith.constant 32 : index
      %get3A_510 = tpu.vector_load %arg11[%get3A_508, %get3A_509] {strides = array<i32>} : memref<1024x64xf32, #tpu.memory_space<vmem>>, vector<16xf32>,
      %mul3A_511 = arith.mulf %get3A_497, %get3A_510 : vector<16xf32>
      %add3A_512 = arith.addf %add3A_493, %mul3A_503 : vector<16xf32>
      %add3A_513 = arith.addf %add3A_494, %mul3A_511 : vector<16xf32>
      %get3A_514 = arith.index_cast %add3A_458 : i32 to index
      %get3A_515 = arith.constant 48 : index
      %get3A_516 = tpu.vector_load %arg10[%get3A_514, %get3A_515] {strides = array<i32>} : memref<512x64xf32, #tpu.memory_space<vmem>>, vector<16xf32>,
      %mul3A_517 = arith.constant 2 : i32
      %mul3A_518 = arith.muli %mul3A_517, %add3A_458 : i32
      %get3A_519 = arith.index_cast %mul3A_518 : i32 to index
      %get3A_520 = arith.constant 48 : index
      %get3A_521 = tpu.vector_load %arg11[%get3A_519, %get3A_520] {strides = array<i32>} : memref<1024x64xf32, #tpu.memory_space<vmem>>, vector<16xf32>,
      %mul3A_522 = arith.mulf %get3A_516, %get3A_521 : vector<16xf32>
      %mul3A_523 = arith.constant 2 : i32
      %mul3A_524 = arith.muli %mul3A_523, %add3A_458 : i32
      %add3A_525 = arith.constant 1 : i32
      %add3A_526 = arith.addi %mul3A_524, %add3A_525 : i32
      %get3A_527 = arith.index_cast %add3A_526 : i32 to index
      %get3A_528 = arith.constant 48 : index
      %get3A_529 = tpu.vector_load %arg11[%get3A_527, %get3A_528] {strides = array<i32>} : memref<1024x64xf32, #tpu.memory_space<vmem>>, vector<16xf32>,
      %mul3A_530 = arith.mulf %get3A_516, %get3A_529 : vector<16xf32>
      %add3A_531 = arith.addf %add3A_512, %mul3A_522 : vector<16xf32>
      %add3A_532 = arith.addf %add3A_513, %mul3A_530 : vector<16xf32>
      %swap3A_533 = arith.constant 16 : index
      %swap3A_534 = tpu.vector_load %arg14[%swap3A_533] {strides = array<i32>} : memref<256xf32, #tpu.memory_space<vmem>>, vector<16xf32>,
      tpu.vector_store %arg14[%swap3A_533], %add3A_531 {strides = array<i32>} : memref<256xf32, #tpu.memory_space<vmem>>, vector<16xf32>,
      %swap3A_535 = arith.constant 16 : index
      %swap3A_536 = tpu.vector_load %arg15[%swap3A_535] {strides = array<i32>} : memref<256xf32, #tpu.memory_space<vmem>>, vector<16xf32>,
      tpu.vector_store %arg15[%swap3A_535], %add3A_532 {strides = array<i32>} : memref<256xf32, #tpu.memory_space<vmem>>, vector<16xf32>,
      %add3A_537 = arith.constant 2 : i32
      %add3A_538 = arith.addi %mul3A_378, %add3A_537 : i32
      %get3A_539 = arith.index_cast %add3A_538 : i32 to index
      %get3A_540 = arith.constant 0 : index
      %get3A_541 = tpu.vector_load %arg10[%get3A_539, %get3A_540] {strides = array<i32>} : memref<512x64xf32, #tpu.memory_space<vmem>>, vector<16xf32>,
      %mul3A_542 = arith.constant 2 : i32
      %mul3A_543 = arith.muli %mul3A_542, %add3A_538 : i32
      %get3A_544 = arith.index_cast %mul3A_543 : i32 to index
      %get3A_545 = arith.constant 0 : index
      %get3A_546 = tpu.vector_load %arg11[%get3A_544, %get3A_545] {strides = array<i32>} : memref<1024x64xf32, #tpu.memory_space<vmem>>, vector<16xf32>,
      %mul3A_547 = arith.mulf %get3A_541, %get3A_546 : vector<16xf32>
      %mul3A_548 = arith.constant 2 : i32
      %mul3A_549 = arith.muli %mul3A_548, %add3A_538 : i32
      %add3A_550 = arith.constant 1 : i32
      %add3A_551 = arith.addi %mul3A_549, %add3A_550 : i32
      %get3A_552 = arith.index_cast %add3A_551 : i32 to index
      %get3A_553 = arith.constant 0 : index
      %get3A_554 = tpu.vector_load %arg11[%get3A_552, %get3A_553] {strides = array<i32>} : memref<1024x64xf32, #tpu.memory_space<vmem>>, vector<16xf32>,
      %mul3A_555 = arith.mulf %get3A_541, %get3A_554 : vector<16xf32>
      %get3A_556 = arith.index_cast %add3A_538 : i32 to index
      %get3A_557 = arith.constant 16 : index
      %get3A_558 = tpu.vector_load %arg10[%get3A_556, %get3A_557] {strides = array<i32>} : memref<512x64xf32, #tpu.memory_space<vmem>>, vector<16xf32>,
      %mul3A_559 = arith.constant 2 : i32
      %mul3A_560 = arith.muli %mul3A_559, %add3A_538 : i32
      %get3A_561 = arith.index_cast %mul3A_560 : i32 to index
      %get3A_562 = arith.constant 16 : index
      %get3A_563 = tpu.vector_load %arg11[%get3A_561, %get3A_562] {strides = array<i32>} : memref<1024x64xf32, #tpu.memory_space<vmem>>, vector<16xf32>,
      %mul3A_564 = arith.mulf %get3A_558, %get3A_563 : vector<16xf32>
      %mul3A_565 = arith.constant 2 : i32
      %mul3A_566 = arith.muli %mul3A_565, %add3A_538 : i32
      %add3A_567 = arith.constant 1 : i32
      %add3A_568 = arith.addi %mul3A_566, %add3A_567 : i32
      %get3A_569 = arith.index_cast %add3A_568 : i32 to index
      %get3A_570 = arith.constant 16 : index
      %get3A_571 = tpu.vector_load %arg11[%get3A_569, %get3A_570] {strides = array<i32>} : memref<1024x64xf32, #tpu.memory_space<vmem>>, vector<16xf32>,
      %mul3A_572 = arith.mulf %get3A_558, %get3A_571 : vector<16xf32>
      %add3A_573 = arith.addf %mul3A_547, %mul3A_564 : vector<16xf32>
      %add3A_574 = arith.addf %mul3A_555, %mul3A_572 : vector<16xf32>
      %get3A_575 = arith.index_cast %add3A_538 : i32 to index
      %get3A_576 = arith.constant 32 : index
      %get3A_577 = tpu.vector_load %arg10[%get3A_575, %get3A_576] {strides = array<i32>} : memref<512x64xf32, #tpu.memory_space<vmem>>, vector<16xf32>,
      %mul3A_578 = arith.constant 2 : i32
      %mul3A_579 = arith.muli %mul3A_578, %add3A_538 : i32
      %get3A_580 = arith.index_cast %mul3A_579 : i32 to index
      %get3A_581 = arith.constant 32 : index
      %get3A_582 = tpu.vector_load %arg11[%get3A_580, %get3A_581] {strides = array<i32>} : memref<1024x64xf32, #tpu.memory_space<vmem>>, vector<16xf32>,
      %mul3A_583 = arith.mulf %get3A_577, %get3A_582 : vector<16xf32>
      %mul3A_584 = arith.constant 2 : i32
      %mul3A_585 = arith.muli %mul3A_584, %add3A_538 : i32
      %add3A_586 = arith.constant 1 : i32
      %add3A_587 = arith.addi %mul3A_585, %add3A_586 : i32
      %get3A_588 = arith.index_cast %add3A_587 : i32 to index
      %get3A_589 = arith.constant 32 : index
      %get3A_590 = tpu.vector_load %arg11[%get3A_588, %get3A_589] {strides = array<i32>} : memref<1024x64xf32, #tpu.memory_space<vmem>>, vector<16xf32>,
      %mul3A_591 = arith.mulf %get3A_577, %get3A_590 : vector<16xf32>
      %add3A_592 = arith.addf %add3A_573, %mul3A_583 : vector<16xf32>
      %add3A_593 = arith.addf %add3A_574, %mul3A_591 : vector<16xf32>
      %get3A_594 = arith.index_cast %add3A_538 : i32 to index
      %get3A_595 = arith.constant 48 : index
      %get3A_596 = tpu.vector_load %arg10[%get3A_594, %get3A_595] {strides = array<i32>} : memref<512x64xf32, #tpu.memory_space<vmem>>, vector<16xf32>,
      %mul3A_597 = arith.constant 2 : i32
      %mul3A_598 = arith.muli %mul3A_597, %add3A_538 : i32
      %get3A_599 = arith.index_cast %mul3A_598 : i32 to index
      %get3A_600 = arith.constant 48 : index
      %get3A_601 = tpu.vector_load %arg11[%get3A_599, %get3A_600] {strides = array<i32>} : memref<1024x64xf32, #tpu.memory_space<vmem>>, vector<16xf32>,
      %mul3A_602 = arith.mulf %get3A_596, %get3A_601 : vector<16xf32>
      %mul3A_603 = arith.constant 2 : i32
      %mul3A_604 = arith.muli %mul3A_603, %add3A_538 : i32
      %add3A_605 = arith.constant 1 : i32
      %add3A_606 = arith.addi %mul3A_604, %add3A_605 : i32
      %get3A_607 = arith.index_cast %add3A_606 : i32 to index
      %get3A_608 = arith.constant 48 : index
      %get3A_609 = tpu.vector_load %arg11[%get3A_607, %get3A_608] {strides = array<i32>} : memref<1024x64xf32, #tpu.memory_space<vmem>>, vector<16xf32>,
      %mul3A_610 = arith.mulf %get3A_596, %get3A_609 : vector<16xf32>
      %add3A_611 = arith.addf %add3A_592, %mul3A_602 : vector<16xf32>
      %add3A_612 = arith.addf %add3A_593, %mul3A_610 : vector<16xf32>
      %swap3A_613 = arith.constant 32 : index
      %swap3A_614 = tpu.vector_load %arg14[%swap3A_613] {strides = array<i32>} : memref<256xf32, #tpu.memory_space<vmem>>, vector<16xf32>,
      tpu.vector_store %arg14[%swap3A_613], %add3A_611 {strides = array<i32>} : memref<256xf32, #tpu.memory_space<vmem>>, vector<16xf32>,
      %swap3A_615 = arith.constant 32 : index
      %swap3A_616 = tpu.vector_load %arg15[%swap3A_615] {strides = array<i32>} : memref<256xf32, #tpu.memory_space<vmem>>, vector<16xf32>,
      tpu.vector_store %arg15[%swap3A_615], %add3A_612 {strides = array<i32>} : memref<256xf32, #tpu.memory_space<vmem>>, vector<16xf32>,
      %add3A_617 = arith.constant 3 : i32
      %add3A_618 = arith.addi %mul3A_378, %add3A_617 : i32
      %get3A_619 = arith.index_cast %add3A_618 : i32 to index
      %get3A_620 = arith.constant 0 : index
      %get3A_621 = tpu.vector_load %arg10[%get3A_619, %get3A_620] {strides = array<i32>} : memref<512x64xf32, #tpu.memory_space<vmem>>, vector<16xf32>,
      %mul3A_622 = arith.constant 2 : i32
      %mul3A_623 = arith.muli %mul3A_622, %add3A_618 : i32
      %get3A_624 = arith.index_cast %mul3A_623 : i32 to index
      %get3A_625 = arith.constant 0 : index
      %get3A_626 = tpu.vector_load %arg11[%get3A_624, %get3A_625] {strides = array<i32>} : memref<1024x64xf32, #tpu.memory_space<vmem>>, vector<16xf32>,
      %mul3A_627 = arith.mulf %get3A_621, %get3A_626 : vector<16xf32>
      %mul3A_628 = arith.constant 2 : i32
      %mul3A_629 = arith.muli %mul3A_628, %add3A_618 : i32
      %add3A_630 = arith.constant 1 : i32
      %add3A_631 = arith.addi %mul3A_629, %add3A_630 : i32
      %get3A_632 = arith.index_cast %add3A_631 : i32 to index
      %get3A_633 = arith.constant 0 : index
      %get3A_634 = tpu.vector_load %arg11[%get3A_632, %get3A_633] {strides = array<i32>} : memref<1024x64xf32, #tpu.memory_space<vmem>>, vector<16xf32>,
      %mul3A_635 = arith.mulf %get3A_621, %get3A_634 : vector<16xf32>
      %get3A_636 = arith.index_cast %add3A_618 : i32 to index
      %get3A_637 = arith.constant 16 : index
      %get3A_638 = tpu.vector_load %arg10[%get3A_636, %get3A_637] {strides = array<i32>} : memref<512x64xf32, #tpu.memory_space<vmem>>, vector<16xf32>,
      %mul3A_639 = arith.constant 2 : i32
      %mul3A_640 = arith.muli %mul3A_639, %add3A_618 : i32
      %get3A_641 = arith.index_cast %mul3A_640 : i32 to index
      %get3A_642 = arith.constant 16 : index
      %get3A_643 = tpu.vector_load %arg11[%get3A_641, %get3A_642] {strides = array<i32>} : memref<1024x64xf32, #tpu.memory_space<vmem>>, vector<16xf32>,
      %mul3A_644 = arith.mulf %get3A_638, %get3A_643 : vector<16xf32>
      %mul3A_645 = arith.constant 2 : i32
      %mul3A_646 = arith.muli %mul3A_645, %add3A_618 : i32
      %add3A_647 = arith.constant 1 : i32
      %add3A_648 = arith.addi %mul3A_646, %add3A_647 : i32
      %get3A_649 = arith.index_cast %add3A_648 : i32 to index
      %get3A_650 = arith.constant 16 : index
      %get3A_651 = tpu.vector_load %arg11[%get3A_649, %get3A_650] {strides = array<i32>} : memref<1024x64xf32, #tpu.memory_space<vmem>>, vector<16xf32>,
      %mul3A_652 = arith.mulf %get3A_638, %get3A_651 : vector<16xf32>
      %add3A_653 = arith.addf %mul3A_627, %mul3A_644 : vector<16xf32>
      %add3A_654 = arith.addf %mul3A_635, %mul3A_652 : vector<16xf32>
      %get3A_655 = arith.index_cast %add3A_618 : i32 to index
      %get3A_656 = arith.constant 32 : index
      %get3A_657 = tpu.vector_load %arg10[%get3A_655, %get3A_656] {strides = array<i32>} : memref<512x64xf32, #tpu.memory_space<vmem>>, vector<16xf32>,
      %mul3A_658 = arith.constant 2 : i32
      %mul3A_659 = arith.muli %mul3A_658, %add3A_618 : i32
      %get3A_660 = arith.index_cast %mul3A_659 : i32 to index
      %get3A_661 = arith.constant 32 : index
      %get3A_662 = tpu.vector_load %arg11[%get3A_660, %get3A_661] {strides = array<i32>} : memref<1024x64xf32, #tpu.memory_space<vmem>>, vector<16xf32>,
      %mul3A_663 = arith.mulf %get3A_657, %get3A_662 : vector<16xf32>
      %mul3A_664 = arith.constant 2 : i32
      %mul3A_665 = arith.muli %mul3A_664, %add3A_618 : i32
      %add3A_666 = arith.constant 1 : i32
      %add3A_667 = arith.addi %mul3A_665, %add3A_666 : i32
      %get3A_668 = arith.index_cast %add3A_667 : i32 to index
      %get3A_669 = arith.constant 32 : index
      %get3A_670 = tpu.vector_load %arg11[%get3A_668, %get3A_669] {strides = array<i32>} : memref<1024x64xf32, #tpu.memory_space<vmem>>, vector<16xf32>,
      %mul3A_671 = arith.mulf %get3A_657, %get3A_670 : vector<16xf32>
      %add3A_672 = arith.addf %add3A_653, %mul3A_663 : vector<16xf32>
      %add3A_673 = arith.addf %add3A_654, %mul3A_671 : vector<16xf32>
      %get3A_674 = arith.index_cast %add3A_618 : i32 to index
      %get3A_675 = arith.constant 48 : index
      %get3A_676 = tpu.vector_load %arg10[%get3A_674, %get3A_675] {strides = array<i32>} : memref<512x64xf32, #tpu.memory_space<vmem>>, vector<16xf32>,
      %mul3A_677 = arith.constant 2 : i32
      %mul3A_678 = arith.muli %mul3A_677, %add3A_618 : i32
      %get3A_679 = arith.index_cast %mul3A_678 : i32 to index
      %get3A_680 = arith.constant 48 : index
      %get3A_681 = tpu.vector_load %arg11[%get3A_679, %get3A_680] {strides = array<i32>} : memref<1024x64xf32, #tpu.memory_space<vmem>>, vector<16xf32>,
      %mul3A_682 = arith.mulf %get3A_676, %get3A_681 : vector<16xf32>
      %mul3A_683 = arith.constant 2 : i32
      %mul3A_684 = arith.muli %mul3A_683, %add3A_618 : i32
      %add3A_685 = arith.constant 1 : i32
      %add3A_686 = arith.addi %mul3A_684, %add3A_685 : i32
      %get3A_687 = arith.index_cast %add3A_686 : i32 to index
      %get3A_688 = arith.constant 48 : index
      %get3A_689 = tpu.vector_load %arg11[%get3A_687, %get3A_688] {strides = array<i32>} : memref<1024x64xf32, #tpu.memory_space<vmem>>, vector<16xf32>,
      %mul3A_690 = arith.mulf %get3A_676, %get3A_689 : vector<16xf32>
      %add3A_691 = arith.addf %add3A_672, %mul3A_682 : vector<16xf32>
      %add3A_692 = arith.addf %add3A_673, %mul3A_690 : vector<16xf32>
      %swap3A_693 = arith.constant 48 : index
      %swap3A_694 = tpu.vector_load %arg14[%swap3A_693] {strides = array<i32>} : memref<256xf32, #tpu.memory_space<vmem>>, vector<16xf32>,
      tpu.vector_store %arg14[%swap3A_693], %add3A_691 {strides = array<i32>} : memref<256xf32, #tpu.memory_space<vmem>>, vector<16xf32>,
      %swap3A_695 = arith.constant 48 : index
      %swap3A_696 = tpu.vector_load %arg15[%swap3A_695] {strides = array<i32>} : memref<256xf32, #tpu.memory_space<vmem>>, vector<16xf32>,
      tpu.vector_store %arg15[%swap3A_695], %add3A_692 {strides = array<i32>} : memref<256xf32, #tpu.memory_space<vmem>>, vector<16xf32>,
      %add3A_697 = arith.constant 4 : i32
      %add3A_698 = arith.addi %mul3A_378, %add3A_697 : i32
      %get3A_699 = arith.index_cast %add3A_698 : i32 to index
      %get3A_700 = arith.constant 0 : index
      %get3A_701 = tpu.vector_load %arg10[%get3A_699, %get3A_700] {strides = array<i32>} : memref<512x64xf32, #tpu.memory_space<vmem>>, vector<16xf32>,
      %mul3A_702 = arith.constant 2 : i32
      %mul3A_703 = arith.muli %mul3A_702, %add3A_698 : i32
      %get3A_704 = arith.index_cast %mul3A_703 : i32 to index
      %get3A_705 = arith.constant 0 : index
      %get3A_706 = tpu.vector_load %arg11[%get3A_704, %get3A_705] {strides = array<i32>} : memref<1024x64xf32, #tpu.memory_space<vmem>>, vector<16xf32>,
      %mul3A_707 = arith.mulf %get3A_701, %get3A_706 : vector<16xf32>
      %mul3A_708 = arith.constant 2 : i32
      %mul3A_709 = arith.muli %mul3A_708, %add3A_698 : i32
      %add3A_710 = arith.constant 1 : i32
      %add3A_711 = arith.addi %mul3A_709, %add3A_710 : i32
      %get3A_712 = arith.index_cast %add3A_711 : i32 to index
      %get3A_713 = arith.constant 0 : index
      %get3A_714 = tpu.vector_load %arg11[%get3A_712, %get3A_713] {strides = array<i32>} : memref<1024x64xf32, #tpu.memory_space<vmem>>, vector<16xf32>,
      %mul3A_715 = arith.mulf %get3A_701, %get3A_714 : vector<16xf32>
      %get3A_716 = arith.index_cast %add3A_698 : i32 to index
      %get3A_717 = arith.constant 16 : index
      %get3A_718 = tpu.vector_load %arg10[%get3A_716, %get3A_717] {strides = array<i32>} : memref<512x64xf32, #tpu.memory_space<vmem>>, vector<16xf32>,
      %mul3A_719 = arith.constant 2 : i32
      %mul3A_720 = arith.muli %mul3A_719, %add3A_698 : i32
      %get3A_721 = arith.index_cast %mul3A_720 : i32 to index
      %get3A_722 = arith.constant 16 : index
      %get3A_723 = tpu.vector_load %arg11[%get3A_721, %get3A_722] {strides = array<i32>} : memref<1024x64xf32, #tpu.memory_space<vmem>>, vector<16xf32>,
      %mul3A_724 = arith.mulf %get3A_718, %get3A_723 : vector<16xf32>
      %mul3A_725 = arith.constant 2 : i32
      %mul3A_726 = arith.muli %mul3A_725, %add3A_698 : i32
      %add3A_727 = arith.constant 1 : i32
      %add3A_728 = arith.addi %mul3A_726, %add3A_727 : i32
      %get3A_729 = arith.index_cast %add3A_728 : i32 to index
      %get3A_730 = arith.constant 16 : index
      %get3A_731 = tpu.vector_load %arg11[%get3A_729, %get3A_730] {strides = array<i32>} : memref<1024x64xf32, #tpu.memory_space<vmem>>, vector<16xf32>,
      %mul3A_732 = arith.mulf %get3A_718, %get3A_731 : vector<16xf32>
      %add3A_733 = arith.addf %mul3A_707, %mul3A_724 : vector<16xf32>
      %add3A_734 = arith.addf %mul3A_715, %mul3A_732 : vector<16xf32>
      %get3A_735 = arith.index_cast %add3A_698 : i32 to index
      %get3A_736 = arith.constant 32 : index
      %get3A_737 = tpu.vector_load %arg10[%get3A_735, %get3A_736] {strides = array<i32>} : memref<512x64xf32, #tpu.memory_space<vmem>>, vector<16xf32>,
      %mul3A_738 = arith.constant 2 : i32
      %mul3A_739 = arith.muli %mul3A_738, %add3A_698 : i32
      %get3A_740 = arith.index_cast %mul3A_739 : i32 to index
      %get3A_741 = arith.constant 32 : index
      %get3A_742 = tpu.vector_load %arg11[%get3A_740, %get3A_741] {strides = array<i32>} : memref<1024x64xf32, #tpu.memory_space<vmem>>, vector<16xf32>,
      %mul3A_743 = arith.mulf %get3A_737, %get3A_742 : vector<16xf32>
      %mul3A_744 = arith.constant 2 : i32
      %mul3A_745 = arith.muli %mul3A_744, %add3A_698 : i32
      %add3A_746 = arith.constant 1 : i32
      %add3A_747 = arith.addi %mul3A_745, %add3A_746 : i32
      %get3A_748 = arith.index_cast %add3A_747 : i32 to index
      %get3A_749 = arith.constant 32 : index
      %get3A_750 = tpu.vector_load %arg11[%get3A_748, %get3A_749] {strides = array<i32>} : memref<1024x64xf32, #tpu.memory_space<vmem>>, vector<16xf32>,
      %mul3A_751 = arith.mulf %get3A_737, %get3A_750 : vector<16xf32>
      %add3A_752 = arith.addf %add3A_733, %mul3A_743 : vector<16xf32>
      %add3A_753 = arith.addf %add3A_734, %mul3A_751 : vector<16xf32>
      %get3A_754 = arith.index_cast %add3A_698 : i32 to index
      %get3A_755 = arith.constant 48 : index
      %get3A_756 = tpu.vector_load %arg10[%get3A_754, %get3A_755] {strides = array<i32>} : memref<512x64xf32, #tpu.memory_space<vmem>>, vector<16xf32>,
      %mul3A_757 = arith.constant 2 : i32
      %mul3A_758 = arith.muli %mul3A_757, %add3A_698 : i32
      %get3A_759 = arith.index_cast %mul3A_758 : i32 to index
      %get3A_760 = arith.constant 48 : index
      %get3A_761 = tpu.vector_load %arg11[%get3A_759, %get3A_760] {strides = array<i32>} : memref<1024x64xf32, #tpu.memory_space<vmem>>, vector<16xf32>,
      %mul3A_762 = arith.mulf %get3A_756, %get3A_761 : vector<16xf32>
      %mul3A_763 = arith.constant 2 : i32
      %mul3A_764 = arith.muli %mul3A_763, %add3A_698 : i32
      %add3A_765 = arith.constant 1 : i32
      %add3A_766 = arith.addi %mul3A_764, %add3A_765 : i32
      %get3A_767 = arith.index_cast %add3A_766 : i32 to index
      %get3A_768 = arith.constant 48 : index
      %get3A_769 = tpu.vector_load %arg11[%get3A_767, %get3A_768] {strides = array<i32>} : memref<1024x64xf32, #tpu.memory_space<vmem>>, vector<16xf32>,
      %mul3A_770 = arith.mulf %get3A_756, %get3A_769 : vector<16xf32>
      %add3A_771 = arith.addf %add3A_752, %mul3A_762 : vector<16xf32>
      %add3A_772 = arith.addf %add3A_753, %mul3A_770 : vector<16xf32>
      %swap3A_773 = arith.constant 64 : index
      %swap3A_774 = tpu.vector_load %arg14[%swap3A_773] {strides = array<i32>} : memref<256xf32, #tpu.memory_space<vmem>>, vector<16xf32>,
      tpu.vector_store %arg14[%swap3A_773], %add3A_771 {strides = array<i32>} : memref<256xf32, #tpu.memory_space<vmem>>, vector<16xf32>,
      %swap3A_775 = arith.constant 64 : index
      %swap3A_776 = tpu.vector_load %arg15[%swap3A_775] {strides = array<i32>} : memref<256xf32, #tpu.memory_space<vmem>>, vector<16xf32>,
      tpu.vector_store %arg15[%swap3A_775], %add3A_772 {strides = array<i32>} : memref<256xf32, #tpu.memory_space<vmem>>, vector<16xf32>,
      %add3A_777 = arith.constant 5 : i32
      %add3A_778 = arith.addi %mul3A_378, %add3A_777 : i32
      %get3A_779 = arith.index_cast %add3A_778 : i32 to index
      %get3A_780 = arith.constant 0 : index
      %get3A_781 = tpu.vector_load %arg10[%get3A_779, %get3A_780] {strides = array<i32>} : memref<512x64xf32, #tpu.memory_space<vmem>>, vector<16xf32>,
      %mul3A_782 = arith.constant 2 : i32
      %mul3A_783 = arith.muli %mul3A_782, %add3A_778 : i32
      %get3A_784 = arith.index_cast %mul3A_783 : i32 to index
      %get3A_785 = arith.constant 0 : index
      %get3A_786 = tpu.vector_load %arg11[%get3A_784, %get3A_785] {strides = array<i32>} : memref<1024x64xf32, #tpu.memory_space<vmem>>, vector<16xf32>,
      %mul3A_787 = arith.mulf %get3A_781, %get3A_786 : vector<16xf32>
      %mul3A_788 = arith.constant 2 : i32
      %mul3A_789 = arith.muli %mul3A_788, %add3A_778 : i32
      %add3A_790 = arith.constant 1 : i32
      %add3A_791 = arith.addi %mul3A_789, %add3A_790 : i32
      %get3A_792 = arith.index_cast %add3A_791 : i32 to index
      %get3A_793 = arith.constant 0 : index
      %get3A_794 = tpu.vector_load %arg11[%get3A_792, %get3A_793] {strides = array<i32>} : memref<1024x64xf32, #tpu.memory_space<vmem>>, vector<16xf32>,
      %mul3A_795 = arith.mulf %get3A_781, %get3A_794 : vector<16xf32>
      %get3A_796 = arith.index_cast %add3A_778 : i32 to index
      %get3A_797 = arith.constant 16 : index
      %get3A_798 = tpu.vector_load %arg10[%get3A_796, %get3A_797] {strides = array<i32>} : memref<512x64xf32, #tpu.memory_space<vmem>>, vector<16xf32>,
      %mul3A_799 = arith.constant 2 : i32
      %mul3A_800 = arith.muli %mul3A_799, %add3A_778 : i32
      %get3A_801 = arith.index_cast %mul3A_800 : i32 to index
      %get3A_802 = arith.constant 16 : index
      %get3A_803 = tpu.vector_load %arg11[%get3A_801, %get3A_802] {strides = array<i32>} : memref<1024x64xf32, #tpu.memory_space<vmem>>, vector<16xf32>,
      %mul3A_804 = arith.mulf %get3A_798, %get3A_803 : vector<16xf32>
      %mul3A_805 = arith.constant 2 : i32
      %mul3A_806 = arith.muli %mul3A_805, %add3A_778 : i32
      %add3A_807 = arith.constant 1 : i32
      %add3A_808 = arith.addi %mul3A_806, %add3A_807 : i32
      %get3A_809 = arith.index_cast %add3A_808 : i32 to index
      %get3A_810 = arith.constant 16 : index
      %get3A_811 = tpu.vector_load %arg11[%get3A_809, %get3A_810] {strides = array<i32>} : memref<1024x64xf32, #tpu.memory_space<vmem>>, vector<16xf32>,
      %mul3A_812 = arith.mulf %get3A_798, %get3A_811 : vector<16xf32>
      %add3A_813 = arith.addf %mul3A_787, %mul3A_804 : vector<16xf32>
      %add3A_814 = arith.addf %mul3A_795, %mul3A_812 : vector<16xf32>
      %get3A_815 = arith.index_cast %add3A_778 : i32 to index
      %get3A_816 = arith.constant 32 : index
      %get3A_817 = tpu.vector_load %arg10[%get3A_815, %get3A_816] {strides = array<i32>} : memref<512x64xf32, #tpu.memory_space<vmem>>, vector<16xf32>,
      %mul3A_818 = arith.constant 2 : i32
      %mul3A_819 = arith.muli %mul3A_818, %add3A_778 : i32
      %get3A_820 = arith.index_cast %mul3A_819 : i32 to index
      %get3A_821 = arith.constant 32 : index
      %get3A_822 = tpu.vector_load %arg11[%get3A_820, %get3A_821] {strides = array<i32>} : memref<1024x64xf32, #tpu.memory_space<vmem>>, vector<16xf32>,
      %mul3A_823 = arith.mulf %get3A_817, %get3A_822 : vector<16xf32>
      %mul3A_824 = arith.constant 2 : i32
      %mul3A_825 = arith.muli %mul3A_824, %add3A_778 : i32
      %add3A_826 = arith.constant 1 : i32
      %add3A_827 = arith.addi %mul3A_825, %add3A_826 : i32
      %get3A_828 = arith.index_cast %add3A_827 : i32 to index
      %get3A_829 = arith.constant 32 : index
      %get3A_830 = tpu.vector_load %arg11[%get3A_828, %get3A_829] {strides = array<i32>} : memref<1024x64xf32, #tpu.memory_space<vmem>>, vector<16xf32>,
      %mul3A_831 = arith.mulf %get3A_817, %get3A_830 : vector<16xf32>
      %add3A_832 = arith.addf %add3A_813, %mul3A_823 : vector<16xf32>
      %add3A_833 = arith.addf %add3A_814, %mul3A_831 : vector<16xf32>
      %get3A_834 = arith.index_cast %add3A_778 : i32 to index
      %get3A_835 = arith.constant 48 : index
      %get3A_836 = tpu.vector_load %arg10[%get3A_834, %get3A_835] {strides = array<i32>} : memref<512x64xf32, #tpu.memory_space<vmem>>, vector<16xf32>,
      %mul3A_837 = arith.constant 2 : i32
      %mul3A_838 = arith.muli %mul3A_837, %add3A_778 : i32
      %get3A_839 = arith.index_cast %mul3A_838 : i32 to index
      %get3A_840 = arith.constant 48 : index
      %get3A_841 = tpu.vector_load %arg11[%get3A_839, %get3A_840] {strides = array<i32>} : memref<1024x64xf32, #tpu.memory_space<vmem>>, vector<16xf32>,
      %mul3A_842 = arith.mulf %get3A_836, %get3A_841 : vector<16xf32>
      %mul3A_843 = arith.constant 2 : i32
      %mul3A_844 = arith.muli %mul3A_843, %add3A_778 : i32
      %add3A_845 = arith.constant 1 : i32
      %add3A_846 = arith.addi %mul3A_844, %add3A_845 : i32
      %get3A_847 = arith.index_cast %add3A_846 : i32 to index
      %get3A_848 = arith.constant 48 : index
      %get3A_849 = tpu.vector_load %arg11[%get3A_847, %get3A_848] {strides = array<i32>} : memref<1024x64xf32, #tpu.memory_space<vmem>>, vector<16xf32>,
      %mul3A_850 = arith.mulf %get3A_836, %get3A_849 : vector<16xf32>
      %add3A_851 = arith.addf %add3A_832, %mul3A_842 : vector<16xf32>
      %add3A_852 = arith.addf %add3A_833, %mul3A_850 : vector<16xf32>
      %swap3A_853 = arith.constant 80 : index
      %swap3A_854 = tpu.vector_load %arg14[%swap3A_853] {strides = array<i32>} : memref<256xf32, #tpu.memory_space<vmem>>, vector<16xf32>,
      tpu.vector_store %arg14[%swap3A_853], %add3A_851 {strides = array<i32>} : memref<256xf32, #tpu.memory_space<vmem>>, vector<16xf32>,
      %swap3A_855 = arith.constant 80 : index
      %swap3A_856 = tpu.vector_load %arg15[%swap3A_855] {strides = array<i32>} : memref<256xf32, #tpu.memory_space<vmem>>, vector<16xf32>,
      tpu.vector_store %arg15[%swap3A_855], %add3A_852 {strides = array<i32>} : memref<256xf32, #tpu.memory_space<vmem>>, vector<16xf32>,
      %add3A_857 = arith.constant 6 : i32
      %add3A_858 = arith.addi %mul3A_378, %add3A_857 : i32
      %get3A_859 = arith.index_cast %add3A_858 : i32 to index
      %get3A_860 = arith.constant 0 : index
      %get3A_861 = tpu.vector_load %arg10[%get3A_859, %get3A_860] {strides = array<i32>} : memref<512x64xf32, #tpu.memory_space<vmem>>, vector<16xf32>,
      %mul3A_862 = arith.constant 2 : i32
      %mul3A_863 = arith.muli %mul3A_862, %add3A_858 : i32
      %get3A_864 = arith.index_cast %mul3A_863 : i32 to index
      %get3A_865 = arith.constant 0 : index
      %get3A_866 = tpu.vector_load %arg11[%get3A_864, %get3A_865] {strides = array<i32>} : memref<1024x64xf32, #tpu.memory_space<vmem>>, vector<16xf32>,
      %mul3A_867 = arith.mulf %get3A_861, %get3A_866 : vector<16xf32>
      %mul3A_868 = arith.constant 2 : i32
      %mul3A_869 = arith.muli %mul3A_868, %add3A_858 : i32
      %add3A_870 = arith.constant 1 : i32
      %add3A_871 = arith.addi %mul3A_869, %add3A_870 : i32
      %get3A_872 = arith.index_cast %add3A_871 : i32 to index
      %get3A_873 = arith.constant 0 : index
      %get3A_874 = tpu.vector_load %arg11[%get3A_872, %get3A_873] {strides = array<i32>} : memref<1024x64xf32, #tpu.memory_space<vmem>>, vector<16xf32>,
      %mul3A_875 = arith.mulf %get3A_861, %get3A_874 : vector<16xf32>
      %get3A_876 = arith.index_cast %add3A_858 : i32 to index
      %get3A_877 = arith.constant 16 : index
      %get3A_878 = tpu.vector_load %arg10[%get3A_876, %get3A_877] {strides = array<i32>} : memref<512x64xf32, #tpu.memory_space<vmem>>, vector<16xf32>,
      %mul3A_879 = arith.constant 2 : i32
      %mul3A_880 = arith.muli %mul3A_879, %add3A_858 : i32
      %get3A_881 = arith.index_cast %mul3A_880 : i32 to index
      %get3A_882 = arith.constant 16 : index
      %get3A_883 = tpu.vector_load %arg11[%get3A_881, %get3A_882] {strides = array<i32>} : memref<1024x64xf32, #tpu.memory_space<vmem>>, vector<16xf32>,
      %mul3A_884 = arith.mulf %get3A_878, %get3A_883 : vector<16xf32>
      %mul3A_885 = arith.constant 2 : i32
      %mul3A_886 = arith.muli %mul3A_885, %add3A_858 : i32
      %add3A_887 = arith.constant 1 : i32
      %add3A_888 = arith.addi %mul3A_886, %add3A_887 : i32
      %get3A_889 = arith.index_cast %add3A_888 : i32 to index
      %get3A_890 = arith.constant 16 : index
      %get3A_891 = tpu.vector_load %arg11[%get3A_889, %get3A_890] {strides = array<i32>} : memref<1024x64xf32, #tpu.memory_space<vmem>>, vector<16xf32>,
      %mul3A_892 = arith.mulf %get3A_878, %get3A_891 : vector<16xf32>
      %add3A_893 = arith.addf %mul3A_867, %mul3A_884 : vector<16xf32>
      %add3A_894 = arith.addf %mul3A_875, %mul3A_892 : vector<16xf32>
      %get3A_895 = arith.index_cast %add3A_858 : i32 to index
      %get3A_896 = arith.constant 32 : index
      %get3A_897 = tpu.vector_load %arg10[%get3A_895, %get3A_896] {strides = array<i32>} : memref<512x64xf32, #tpu.memory_space<vmem>>, vector<16xf32>,
      %mul3A_898 = arith.constant 2 : i32
      %mul3A_899 = arith.muli %mul3A_898, %add3A_858 : i32
      %get3A_900 = arith.index_cast %mul3A_899 : i32 to index
      %get3A_901 = arith.constant 32 : index
      %get3A_902 = tpu.vector_load %arg11[%get3A_900, %get3A_901] {strides = array<i32>} : memref<1024x64xf32, #tpu.memory_space<vmem>>, vector<16xf32>,
      %mul3A_903 = arith.mulf %get3A_897, %get3A_902 : vector<16xf32>
      %mul3A_904 = arith.constant 2 : i32
      %mul3A_905 = arith.muli %mul3A_904, %add3A_858 : i32
      %add3A_906 = arith.constant 1 : i32
      %add3A_907 = arith.addi %mul3A_905, %add3A_906 : i32
      %get3A_908 = arith.index_cast %add3A_907 : i32 to index
      %get3A_909 = arith.constant 32 : index
      %get3A_910 = tpu.vector_load %arg11[%get3A_908, %get3A_909] {strides = array<i32>} : memref<1024x64xf32, #tpu.memory_space<vmem>>, vector<16xf32>,
      %mul3A_911 = arith.mulf %get3A_897, %get3A_910 : vector<16xf32>
      %add3A_912 = arith.addf %add3A_893, %mul3A_903 : vector<16xf32>
      %add3A_913 = arith.addf %add3A_894, %mul3A_911 : vector<16xf32>
      %get3A_914 = arith.index_cast %add3A_858 : i32 to index
      %get3A_915 = arith.constant 48 : index
      %get3A_916 = tpu.vector_load %arg10[%get3A_914, %get3A_915] {strides = array<i32>} : memref<512x64xf32, #tpu.memory_space<vmem>>, vector<16xf32>,
      %mul3A_917 = arith.constant 2 : i32
      %mul3A_918 = arith.muli %mul3A_917, %add3A_858 : i32
      %get3A_919 = arith.index_cast %mul3A_918 : i32 to index
      %get3A_920 = arith.constant 48 : index
      %get3A_921 = tpu.vector_load %arg11[%get3A_919, %get3A_920] {strides = array<i32>} : memref<1024x64xf32, #tpu.memory_space<vmem>>, vector<16xf32>,
      %mul3A_922 = arith.mulf %get3A_916, %get3A_921 : vector<16xf32>
      %mul3A_923 = arith.constant 2 : i32
      %mul3A_924 = arith.muli %mul3A_923, %add3A_858 : i32
      %add3A_925 = arith.constant 1 : i32
      %add3A_926 = arith.addi %mul3A_924, %add3A_925 : i32
      %get3A_927 = arith.index_cast %add3A_926 : i32 to index
      %get3A_928 = arith.constant 48 : index
      %get3A_929 = tpu.vector_load %arg11[%get3A_927, %get3A_928] {strides = array<i32>} : memref<1024x64xf32, #tpu.memory_space<vmem>>, vector<16xf32>,
      %mul3A_930 = arith.mulf %get3A_916, %get3A_929 : vector<16xf32>
      %add3A_931 = arith.addf %add3A_912, %mul3A_922 : vector<16xf32>
      %add3A_932 = arith.addf %add3A_913, %mul3A_930 : vector<16xf32>
      %swap3A_933 = arith.constant 96 : index
      %swap3A_934 = tpu.vector_load %arg14[%swap3A_933] {strides = array<i32>} : memref<256xf32, #tpu.memory_space<vmem>>, vector<16xf32>,
      tpu.vector_store %arg14[%swap3A_933], %add3A_931 {strides = array<i32>} : memref<256xf32, #tpu.memory_space<vmem>>, vector<16xf32>,
      %swap3A_935 = arith.constant 96 : index
      %swap3A_936 = tpu.vector_load %arg15[%swap3A_935] {strides = array<i32>} : memref<256xf32, #tpu.memory_space<vmem>>, vector<16xf32>,
      tpu.vector_store %arg15[%swap3A_935], %add3A_932 {strides = array<i32>} : memref<256xf32, #tpu.memory_space<vmem>>, vector<16xf32>,
      %add3A_937 = arith.constant 7 : i32
      %add3A_938 = arith.addi %mul3A_378, %add3A_937 : i32
      %get3A_939 = arith.index_cast %add3A_938 : i32 to index
      %get3A_940 = arith.constant 0 : index
      %get3A_941 = tpu.vector_load %arg10[%get3A_939, %get3A_940] {strides = array<i32>} : memref<512x64xf32, #tpu.memory_space<vmem>>, vector<16xf32>,
      %mul3A_942 = arith.constant 2 : i32
      %mul3A_943 = arith.muli %mul3A_942, %add3A_938 : i32
      %get3A_944 = arith.index_cast %mul3A_943 : i32 to index
      %get3A_945 = arith.constant 0 : index
      %get3A_946 = tpu.vector_load %arg11[%get3A_944, %get3A_945] {strides = array<i32>} : memref<1024x64xf32, #tpu.memory_space<vmem>>, vector<16xf32>,
      %mul3A_947 = arith.mulf %get3A_941, %get3A_946 : vector<16xf32>
      %mul3A_948 = arith.constant 2 : i32
      %mul3A_949 = arith.muli %mul3A_948, %add3A_938 : i32
      %add3A_950 = arith.constant 1 : i32
      %add3A_951 = arith.addi %mul3A_949, %add3A_950 : i32
      %get3A_952 = arith.index_cast %add3A_951 : i32 to index
      %get3A_953 = arith.constant 0 : index
      %get3A_954 = tpu.vector_load %arg11[%get3A_952, %get3A_953] {strides = array<i32>} : memref<1024x64xf32, #tpu.memory_space<vmem>>, vector<16xf32>,
      %mul3A_955 = arith.mulf %get3A_941, %get3A_954 : vector<16xf32>
      %get3A_956 = arith.index_cast %add3A_938 : i32 to index
      %get3A_957 = arith.constant 16 : index
      %get3A_958 = tpu.vector_load %arg10[%get3A_956, %get3A_957] {strides = array<i32>} : memref<512x64xf32, #tpu.memory_space<vmem>>, vector<16xf32>,
      %mul3A_959 = arith.constant 2 : i32
      %mul3A_960 = arith.muli %mul3A_959, %add3A_938 : i32
      %get3A_961 = arith.index_cast %mul3A_960 : i32 to index
      %get3A_962 = arith.constant 16 : index
      %get3A_963 = tpu.vector_load %arg11[%get3A_961, %get3A_962] {strides = array<i32>} : memref<1024x64xf32, #tpu.memory_space<vmem>>, vector<16xf32>,
      %mul3A_964 = arith.mulf %get3A_958, %get3A_963 : vector<16xf32>
      %mul3A_965 = arith.constant 2 : i32
      %mul3A_966 = arith.muli %mul3A_965, %add3A_938 : i32
      %add3A_967 = arith.constant 1 : i32
      %add3A_968 = arith.addi %mul3A_966, %add3A_967 : i32
      %get3A_969 = arith.index_cast %add3A_968 : i32 to index
      %get3A_970 = arith.constant 16 : index
      %get3A_971 = tpu.vector_load %arg11[%get3A_969, %get3A_970] {strides = array<i32>} : memref<1024x64xf32, #tpu.memory_space<vmem>>, vector<16xf32>,
      %mul3A_972 = arith.mulf %get3A_958, %get3A_971 : vector<16xf32>
      %add3A_973 = arith.addf %mul3A_947, %mul3A_964 : vector<16xf32>
      %add3A_974 = arith.addf %mul3A_955, %mul3A_972 : vector<16xf32>
      %get3A_975 = arith.index_cast %add3A_938 : i32 to index
      %get3A_976 = arith.constant 32 : index
      %get3A_977 = tpu.vector_load %arg10[%get3A_975, %get3A_976] {strides = array<i32>} : memref<512x64xf32, #tpu.memory_space<vmem>>, vector<16xf32>,
      %mul3A_978 = arith.constant 2 : i32
      %mul3A_979 = arith.muli %mul3A_978, %add3A_938 : i32
      %get3A_980 = arith.index_cast %mul3A_979 : i32 to index
      %get3A_981 = arith.constant 32 : index
      %get3A_982 = tpu.vector_load %arg11[%get3A_980, %get3A_981] {strides = array<i32>} : memref<1024x64xf32, #tpu.memory_space<vmem>>, vector<16xf32>,
      %mul3A_983 = arith.mulf %get3A_977, %get3A_982 : vector<16xf32>
      %mul3A_984 = arith.constant 2 : i32
      %mul3A_985 = arith.muli %mul3A_984, %add3A_938 : i32
      %add3A_986 = arith.constant 1 : i32
      %add3A_987 = arith.addi %mul3A_985, %add3A_986 : i32
      %get3A_988 = arith.index_cast %add3A_987 : i32 to index
      %get3A_989 = arith.constant 32 : index
      %get3A_990 = tpu.vector_load %arg11[%get3A_988, %get3A_989] {strides = array<i32>} : memref<1024x64xf32, #tpu.memory_space<vmem>>, vector<16xf32>,
      %mul3A_991 = arith.mulf %get3A_977, %get3A_990 : vector<16xf32>
      %add3A_992 = arith.addf %add3A_973, %mul3A_983 : vector<16xf32>
      %add3A_993 = arith.addf %add3A_974, %mul3A_991 : vector<16xf32>
      %get3A_994 = arith.index_cast %add3A_938 : i32 to index
      %get3A_995 = arith.constant 48 : index
      %get3A_996 = tpu.vector_load %arg10[%get3A_994, %get3A_995] {strides = array<i32>} : memref<512x64xf32, #tpu.memory_space<vmem>>, vector<16xf32>,
      %mul3A_997 = arith.constant 2 : i32
      %mul3A_998 = arith.muli %mul3A_997, %add3A_938 : i32
      %get3A_999 = arith.index_cast %mul3A_998 : i32 to index
      %get3A_1000 = arith.constant 48 : index
      %get3A_1001 = tpu.vector_load %arg11[%get3A_999, %get3A_1000] {strides = array<i32>} : memref<1024x64xf32, #tpu.memory_space<vmem>>, vector<16xf32>,
      %mul3A_1002 = arith.mulf %get3A_996, %get3A_1001 : vector<16xf32>
      %mul3A_1003 = arith.constant 2 : i32
      %mul3A_1004 = arith.muli %mul3A_1003, %add3A_938 : i32
      %add3A_1005 = arith.constant 1 : i32
      %add3A_1006 = arith.addi %mul3A_1004, %add3A_1005 : i32
      %get3A_1007 = arith.index_cast %add3A_1006 : i32 to index
      %get3A_1008 = arith.constant 48 : index
      %get3A_1009 = tpu.vector_load %arg11[%get3A_1007, %get3A_1008] {strides = array<i32>} : memref<1024x64xf32, #tpu.memory_space<vmem>>, vector<16xf32>,
      %mul3A_1010 = arith.mulf %get3A_996, %get3A_1009 : vector<16xf32>
      %add3A_1011 = arith.addf %add3A_992, %mul3A_1002 : vector<16xf32>
      %add3A_1012 = arith.addf %add3A_993, %mul3A_1010 : vector<16xf32>
      %swap3A_1013 = arith.constant 112 : index
      %swap3A_1014 = tpu.vector_load %arg14[%swap3A_1013] {strides = array<i32>} : memref<256xf32, #tpu.memory_space<vmem>>, vector<16xf32>,
      tpu.vector_store %arg14[%swap3A_1013], %add3A_1011 {strides = array<i32>} : memref<256xf32, #tpu.memory_space<vmem>>, vector<16xf32>,
      %swap3A_1015 = arith.constant 112 : index
      %swap3A_1016 = tpu.vector_load %arg15[%swap3A_1015] {strides = array<i32>} : memref<256xf32, #tpu.memory_space<vmem>>, vector<16xf32>,
      tpu.vector_store %arg15[%swap3A_1015], %add3A_1012 {strides = array<i32>} : memref<256xf32, #tpu.memory_space<vmem>>, vector<16xf32>,
      %add3A_1017 = arith.constant 8 : i32
      %add3A_1018 = arith.addi %mul3A_378, %add3A_1017 : i32
      %get3A_1019 = arith.index_cast %add3A_1018 : i32 to index
      %get3A_1020 = arith.constant 0 : index
      %get3A_1021 = tpu.vector_load %arg10[%get3A_1019, %get3A_1020] {strides = array<i32>} : memref<512x64xf32, #tpu.memory_space<vmem>>, vector<16xf32>,
      %mul3A_1022 = arith.constant 2 : i32
      %mul3A_1023 = arith.muli %mul3A_1022, %add3A_1018 : i32
      %get3A_1024 = arith.index_cast %mul3A_1023 : i32 to index
      %get3A_1025 = arith.constant 0 : index
      %get3A_1026 = tpu.vector_load %arg11[%get3A_1024, %get3A_1025] {strides = array<i32>} : memref<1024x64xf32, #tpu.memory_space<vmem>>, vector<16xf32>,
      %mul3A_1027 = arith.mulf %get3A_1021, %get3A_1026 : vector<16xf32>
      %mul3A_1028 = arith.constant 2 : i32
      %mul3A_1029 = arith.muli %mul3A_1028, %add3A_1018 : i32
      %add3A_1030 = arith.constant 1 : i32
      %add3A_1031 = arith.addi %mul3A_1029, %add3A_1030 : i32
      %get3A_1032 = arith.index_cast %add3A_1031 : i32 to index
      %get3A_1033 = arith.constant 0 : index
      %get3A_1034 = tpu.vector_load %arg11[%get3A_1032, %get3A_1033] {strides = array<i32>} : memref<1024x64xf32, #tpu.memory_space<vmem>>, vector<16xf32>,
      %mul3A_1035 = arith.mulf %get3A_1021, %get3A_1034 : vector<16xf32>
      %get3A_1036 = arith.index_cast %add3A_1018 : i32 to index
      %get3A_1037 = arith.constant 16 : index
      %get3A_1038 = tpu.vector_load %arg10[%get3A_1036, %get3A_1037] {strides = array<i32>} : memref<512x64xf32, #tpu.memory_space<vmem>>, vector<16xf32>,
      %mul3A_1039 = arith.constant 2 : i32
      %mul3A_1040 = arith.muli %mul3A_1039, %add3A_1018 : i32
      %get3A_1041 = arith.index_cast %mul3A_1040 : i32 to index
      %get3A_1042 = arith.constant 16 : index
      %get3A_1043 = tpu.vector_load %arg11[%get3A_1041, %get3A_1042] {strides = array<i32>} : memref<1024x64xf32, #tpu.memory_space<vmem>>, vector<16xf32>,
      %mul3A_1044 = arith.mulf %get3A_1038, %get3A_1043 : vector<16xf32>
      %mul3A_1045 = arith.constant 2 : i32
      %mul3A_1046 = arith.muli %mul3A_1045, %add3A_1018 : i32
      %add3A_1047 = arith.constant 1 : i32
      %add3A_1048 = arith.addi %mul3A_1046, %add3A_1047 : i32
      %get3A_1049 = arith.index_cast %add3A_1048 : i32 to index
      %get3A_1050 = arith.constant 16 : index
      %get3A_1051 = tpu.vector_load %arg11[%get3A_1049, %get3A_1050] {strides = array<i32>} : memref<1024x64xf32, #tpu.memory_space<vmem>>, vector<16xf32>,
      %mul3A_1052 = arith.mulf %get3A_1038, %get3A_1051 : vector<16xf32>
      %add3A_1053 = arith.addf %mul3A_1027, %mul3A_1044 : vector<16xf32>
      %add3A_1054 = arith.addf %mul3A_1035, %mul3A_1052 : vector<16xf32>
      %get3A_1055 = arith.index_cast %add3A_1018 : i32 to index
      %get3A_1056 = arith.constant 32 : index
      %get3A_1057 = tpu.vector_load %arg10[%get3A_1055, %get3A_1056] {strides = array<i32>} : memref<512x64xf32, #tpu.memory_space<vmem>>, vector<16xf32>,
      %mul3A_1058 = arith.constant 2 : i32
      %mul3A_1059 = arith.muli %mul3A_1058, %add3A_1018 : i32
      %get3A_1060 = arith.index_cast %mul3A_1059 : i32 to index
      %get3A_1061 = arith.constant 32 : index
      %get3A_1062 = tpu.vector_load %arg11[%get3A_1060, %get3A_1061] {strides = array<i32>} : memref<1024x64xf32, #tpu.memory_space<vmem>>, vector<16xf32>,
      %mul3A_1063 = arith.mulf %get3A_1057, %get3A_1062 : vector<16xf32>
      %mul3A_1064 = arith.constant 2 : i32
      %mul3A_1065 = arith.muli %mul3A_1064, %add3A_1018 : i32
      %add3A_1066 = arith.constant 1 : i32
      %add3A_1067 = arith.addi %mul3A_1065, %add3A_1066 : i32
      %get3A_1068 = arith.index_cast %add3A_1067 : i32 to index
      %get3A_1069 = arith.constant 32 : index
      %get3A_1070 = tpu.vector_load %arg11[%get3A_1068, %get3A_1069] {strides = array<i32>} : memref<1024x64xf32, #tpu.memory_space<vmem>>, vector<16xf32>,
      %mul3A_1071 = arith.mulf %get3A_1057, %get3A_1070 : vector<16xf32>
      %add3A_1072 = arith.addf %add3A_1053, %mul3A_1063 : vector<16xf32>
      %add3A_1073 = arith.addf %add3A_1054, %mul3A_1071 : vector<16xf32>
      %get3A_1074 = arith.index_cast %add3A_1018 : i32 to index
      %get3A_1075 = arith.constant 48 : index
      %get3A_1076 = tpu.vector_load %arg10[%get3A_1074, %get3A_1075] {strides = array<i32>} : memref<512x64xf32, #tpu.memory_space<vmem>>, vector<16xf32>,
      %mul3A_1077 = arith.constant 2 : i32
      %mul3A_1078 = arith.muli %mul3A_1077, %add3A_1018 : i32
      %get3A_1079 = arith.index_cast %mul3A_1078 : i32 to index
      %get3A_1080 = arith.constant 48 : index
      %get3A_1081 = tpu.vector_load %arg11[%get3A_1079, %get3A_1080] {strides = array<i32>} : memref<1024x64xf32, #tpu.memory_space<vmem>>, vector<16xf32>,
      %mul3A_1082 = arith.mulf %get3A_1076, %get3A_1081 : vector<16xf32>
      %mul3A_1083 = arith.constant 2 : i32
      %mul3A_1084 = arith.muli %mul3A_1083, %add3A_1018 : i32
      %add3A_1085 = arith.constant 1 : i32
      %add3A_1086 = arith.addi %mul3A_1084, %add3A_1085 : i32
      %get3A_1087 = arith.index_cast %add3A_1086 : i32 to index
      %get3A_1088 = arith.constant 48 : index
      %get3A_1089 = tpu.vector_load %arg11[%get3A_1087, %get3A_1088] {strides = array<i32>} : memref<1024x64xf32, #tpu.memory_space<vmem>>, vector<16xf32>,
      %mul3A_1090 = arith.mulf %get3A_1076, %get3A_1089 : vector<16xf32>
      %add3A_1091 = arith.addf %add3A_1072, %mul3A_1082 : vector<16xf32>
      %add3A_1092 = arith.addf %add3A_1073, %mul3A_1090 : vector<16xf32>
      %swap3A_1093 = arith.constant 128 : index
      %swap3A_1094 = tpu.vector_load %arg14[%swap3A_1093] {strides = array<i32>} : memref<256xf32, #tpu.memory_space<vmem>>, vector<16xf32>,
      tpu.vector_store %arg14[%swap3A_1093], %add3A_1091 {strides = array<i32>} : memref<256xf32, #tpu.memory_space<vmem>>, vector<16xf32>,
      %swap3A_1095 = arith.constant 128 : index
      %swap3A_1096 = tpu.vector_load %arg15[%swap3A_1095] {strides = array<i32>} : memref<256xf32, #tpu.memory_space<vmem>>, vector<16xf32>,
      tpu.vector_store %arg15[%swap3A_1095], %add3A_1092 {strides = array<i32>} : memref<256xf32, #tpu.memory_space<vmem>>, vector<16xf32>,
      %add3A_1097 = arith.constant 9 : i32
      %add3A_1098 = arith.addi %mul3A_378, %add3A_1097 : i32
      %get3A_1099 = arith.index_cast %add3A_1098 : i32 to index
      %get3A_1100 = arith.constant 0 : index
      %get3A_1101 = tpu.vector_load %arg10[%get3A_1099, %get3A_1100] {strides = array<i32>} : memref<512x64xf32, #tpu.memory_space<vmem>>, vector<16xf32>,
      %mul3A_1102 = arith.constant 2 : i32
      %mul3A_1103 = arith.muli %mul3A_1102, %add3A_1098 : i32
      %get3A_1104 = arith.index_cast %mul3A_1103 : i32 to index
      %get3A_1105 = arith.constant 0 : index
      %get3A_1106 = tpu.vector_load %arg11[%get3A_1104, %get3A_1105] {strides = array<i32>} : memref<1024x64xf32, #tpu.memory_space<vmem>>, vector<16xf32>,
      %mul3A_1107 = arith.mulf %get3A_1101, %get3A_1106 : vector<16xf32>
      %mul3A_1108 = arith.constant 2 : i32
      %mul3A_1109 = arith.muli %mul3A_1108, %add3A_1098 : i32
      %add3A_1110 = arith.constant 1 : i32
      %add3A_1111 = arith.addi %mul3A_1109, %add3A_1110 : i32
      %get3A_1112 = arith.index_cast %add3A_1111 : i32 to index
      %get3A_1113 = arith.constant 0 : index
      %get3A_1114 = tpu.vector_load %arg11[%get3A_1112, %get3A_1113] {strides = array<i32>} : memref<1024x64xf32, #tpu.memory_space<vmem>>, vector<16xf32>,
      %mul3A_1115 = arith.mulf %get3A_1101, %get3A_1114 : vector<16xf32>
      %get3A_1116 = arith.index_cast %add3A_1098 : i32 to index
      %get3A_1117 = arith.constant 16 : index
      %get3A_1118 = tpu.vector_load %arg10[%get3A_1116, %get3A_1117] {strides = array<i32>} : memref<512x64xf32, #tpu.memory_space<vmem>>, vector<16xf32>,
      %mul3A_1119 = arith.constant 2 : i32
      %mul3A_1120 = arith.muli %mul3A_1119, %add3A_1098 : i32
      %get3A_1121 = arith.index_cast %mul3A_1120 : i32 to index
      %get3A_1122 = arith.constant 16 : index
      %get3A_1123 = tpu.vector_load %arg11[%get3A_1121, %get3A_1122] {strides = array<i32>} : memref<1024x64xf32, #tpu.memory_space<vmem>>, vector<16xf32>,
      %mul3A_1124 = arith.mulf %get3A_1118, %get3A_1123 : vector<16xf32>
      %mul3A_1125 = arith.constant 2 : i32
      %mul3A_1126 = arith.muli %mul3A_1125, %add3A_1098 : i32
      %add3A_1127 = arith.constant 1 : i32
      %add3A_1128 = arith.addi %mul3A_1126, %add3A_1127 : i32
      %get3A_1129 = arith.index_cast %add3A_1128 : i32 to index
      %get3A_1130 = arith.constant 16 : index
      %get3A_1131 = tpu.vector_load %arg11[%get3A_1129, %get3A_1130] {strides = array<i32>} : memref<1024x64xf32, #tpu.memory_space<vmem>>, vector<16xf32>,
      %mul3A_1132 = arith.mulf %get3A_1118, %get3A_1131 : vector<16xf32>
      %add3A_1133 = arith.addf %mul3A_1107, %mul3A_1124 : vector<16xf32>
      %add3A_1134 = arith.addf %mul3A_1115, %mul3A_1132 : vector<16xf32>
      %get3A_1135 = arith.index_cast %add3A_1098 : i32 to index
      %get3A_1136 = arith.constant 32 : index
      %get3A_1137 = tpu.vector_load %arg10[%get3A_1135, %get3A_1136] {strides = array<i32>} : memref<512x64xf32, #tpu.memory_space<vmem>>, vector<16xf32>,
      %mul3A_1138 = arith.constant 2 : i32
      %mul3A_1139 = arith.muli %mul3A_1138, %add3A_1098 : i32
      %get3A_1140 = arith.index_cast %mul3A_1139 : i32 to index
      %get3A_1141 = arith.constant 32 : index
      %get3A_1142 = tpu.vector_load %arg11[%get3A_1140, %get3A_1141] {strides = array<i32>} : memref<1024x64xf32, #tpu.memory_space<vmem>>, vector<16xf32>,
      %mul3A_1143 = arith.mulf %get3A_1137, %get3A_1142 : vector<16xf32>
      %mul3A_1144 = arith.constant 2 : i32
      %mul3A_1145 = arith.muli %mul3A_1144, %add3A_1098 : i32
      %add3A_1146 = arith.constant 1 : i32
      %add3A_1147 = arith.addi %mul3A_1145, %add3A_1146 : i32
      %get3A_1148 = arith.index_cast %add3A_1147 : i32 to index
      %get3A_1149 = arith.constant 32 : index
      %get3A_1150 = tpu.vector_load %arg11[%get3A_1148, %get3A_1149] {strides = array<i32>} : memref<1024x64xf32, #tpu.memory_space<vmem>>, vector<16xf32>,
      %mul3A_1151 = arith.mulf %get3A_1137, %get3A_1150 : vector<16xf32>
      %add3A_1152 = arith.addf %add3A_1133, %mul3A_1143 : vector<16xf32>
      %add3A_1153 = arith.addf %add3A_1134, %mul3A_1151 : vector<16xf32>
      %get3A_1154 = arith.index_cast %add3A_1098 : i32 to index
      %get3A_1155 = arith.constant 48 : index
      %get3A_1156 = tpu.vector_load %arg10[%get3A_1154, %get3A_1155] {strides = array<i32>} : memref<512x64xf32, #tpu.memory_space<vmem>>, vector<16xf32>,
      %mul3A_1157 = arith.constant 2 : i32
      %mul3A_1158 = arith.muli %mul3A_1157, %add3A_1098 : i32
      %get3A_1159 = arith.index_cast %mul3A_1158 : i32 to index
      %get3A_1160 = arith.constant 48 : index
      %get3A_1161 = tpu.vector_load %arg11[%get3A_1159, %get3A_1160] {strides = array<i32>} : memref<1024x64xf32, #tpu.memory_space<vmem>>, vector<16xf32>,
      %mul3A_1162 = arith.mulf %get3A_1156, %get3A_1161 : vector<16xf32>
      %mul3A_1163 = arith.constant 2 : i32
      %mul3A_1164 = arith.muli %mul3A_1163, %add3A_1098 : i32
      %add3A_1165 = arith.constant 1 : i32
      %add3A_1166 = arith.addi %mul3A_1164, %add3A_1165 : i32
      %get3A_1167 = arith.index_cast %add3A_1166 : i32 to index
      %get3A_1168 = arith.constant 48 : index
      %get3A_1169 = tpu.vector_load %arg11[%get3A_1167, %get3A_1168] {strides = array<i32>} : memref<1024x64xf32, #tpu.memory_space<vmem>>, vector<16xf32>,
      %mul3A_1170 = arith.mulf %get3A_1156, %get3A_1169 : vector<16xf32>
      %add3A_1171 = arith.addf %add3A_1152, %mul3A_1162 : vector<16xf32>
      %add3A_1172 = arith.addf %add3A_1153, %mul3A_1170 : vector<16xf32>
      %swap3A_1173 = arith.constant 144 : index
      %swap3A_1174 = tpu.vector_load %arg14[%swap3A_1173] {strides = array<i32>} : memref<256xf32, #tpu.memory_space<vmem>>, vector<16xf32>,
      tpu.vector_store %arg14[%swap3A_1173], %add3A_1171 {strides = array<i32>} : memref<256xf32, #tpu.memory_space<vmem>>, vector<16xf32>,
      %swap3A_1175 = arith.constant 144 : index
      %swap3A_1176 = tpu.vector_load %arg15[%swap3A_1175] {strides = array<i32>} : memref<256xf32, #tpu.memory_space<vmem>>, vector<16xf32>,
      tpu.vector_store %arg15[%swap3A_1175], %add3A_1172 {strides = array<i32>} : memref<256xf32, #tpu.memory_space<vmem>>, vector<16xf32>,
      %add3A_1177 = arith.constant 10 : i32
      %add3A_1178 = arith.addi %mul3A_378, %add3A_1177 : i32
      %get3A_1179 = arith.index_cast %add3A_1178 : i32 to index
      %get3A_1180 = arith.constant 0 : index
      %get3A_1181 = tpu.vector_load %arg10[%get3A_1179, %get3A_1180] {strides = array<i32>} : memref<512x64xf32, #tpu.memory_space<vmem>>, vector<16xf32>,
      %mul3A_1182 = arith.constant 2 : i32
      %mul3A_1183 = arith.muli %mul3A_1182, %add3A_1178 : i32
      %get3A_1184 = arith.index_cast %mul3A_1183 : i32 to index
      %get3A_1185 = arith.constant 0 : index
      %get3A_1186 = tpu.vector_load %arg11[%get3A_1184, %get3A_1185] {strides = array<i32>} : memref<1024x64xf32, #tpu.memory_space<vmem>>, vector<16xf32>,
      %mul3A_1187 = arith.mulf %get3A_1181, %get3A_1186 : vector<16xf32>
      %mul3A_1188 = arith.constant 2 : i32
      %mul3A_1189 = arith.muli %mul3A_1188, %add3A_1178 : i32
      %add3A_1190 = arith.constant 1 : i32
      %add3A_1191 = arith.addi %mul3A_1189, %add3A_1190 : i32
      %get3A_1192 = arith.index_cast %add3A_1191 : i32 to index
      %get3A_1193 = arith.constant 0 : index
      %get3A_1194 = tpu.vector_load %arg11[%get3A_1192, %get3A_1193] {strides = array<i32>} : memref<1024x64xf32, #tpu.memory_space<vmem>>, vector<16xf32>,
      %mul3A_1195 = arith.mulf %get3A_1181, %get3A_1194 : vector<16xf32>
      %get3A_1196 = arith.index_cast %add3A_1178 : i32 to index
      %get3A_1197 = arith.constant 16 : index
      %get3A_1198 = tpu.vector_load %arg10[%get3A_1196, %get3A_1197] {strides = array<i32>} : memref<512x64xf32, #tpu.memory_space<vmem>>, vector<16xf32>,
      %mul3A_1199 = arith.constant 2 : i32
      %mul3A_1200 = arith.muli %mul3A_1199, %add3A_1178 : i32
      %get3A_1201 = arith.index_cast %mul3A_1200 : i32 to index
      %get3A_1202 = arith.constant 16 : index
      %get3A_1203 = tpu.vector_load %arg11[%get3A_1201, %get3A_1202] {strides = array<i32>} : memref<1024x64xf32, #tpu.memory_space<vmem>>, vector<16xf32>,
      %mul3A_1204 = arith.mulf %get3A_1198, %get3A_1203 : vector<16xf32>
      %mul3A_1205 = arith.constant 2 : i32
      %mul3A_1206 = arith.muli %mul3A_1205, %add3A_1178 : i32
      %add3A_1207 = arith.constant 1 : i32
      %add3A_1208 = arith.addi %mul3A_1206, %add3A_1207 : i32
      %get3A_1209 = arith.index_cast %add3A_1208 : i32 to index
      %get3A_1210 = arith.constant 16 : index
      %get3A_1211 = tpu.vector_load %arg11[%get3A_1209, %get3A_1210] {strides = array<i32>} : memref<1024x64xf32, #tpu.memory_space<vmem>>, vector<16xf32>,
      %mul3A_1212 = arith.mulf %get3A_1198, %get3A_1211 : vector<16xf32>
      %add3A_1213 = arith.addf %mul3A_1187, %mul3A_1204 : vector<16xf32>
      %add3A_1214 = arith.addf %mul3A_1195, %mul3A_1212 : vector<16xf32>
      %get3A_1215 = arith.index_cast %add3A_1178 : i32 to index
      %get3A_1216 = arith.constant 32 : index
      %get3A_1217 = tpu.vector_load %arg10[%get3A_1215, %get3A_1216] {strides = array<i32>} : memref<512x64xf32, #tpu.memory_space<vmem>>, vector<16xf32>,
      %mul3A_1218 = arith.constant 2 : i32
      %mul3A_1219 = arith.muli %mul3A_1218, %add3A_1178 : i32
      %get3A_1220 = arith.index_cast %mul3A_1219 : i32 to index
      %get3A_1221 = arith.constant 32 : index
      %get3A_1222 = tpu.vector_load %arg11[%get3A_1220, %get3A_1221] {strides = array<i32>} : memref<1024x64xf32, #tpu.memory_space<vmem>>, vector<16xf32>,
      %mul3A_1223 = arith.mulf %get3A_1217, %get3A_1222 : vector<16xf32>
      %mul3A_1224 = arith.constant 2 : i32
      %mul3A_1225 = arith.muli %mul3A_1224, %add3A_1178 : i32
      %add3A_1226 = arith.constant 1 : i32
      %add3A_1227 = arith.addi %mul3A_1225, %add3A_1226 : i32
      %get3A_1228 = arith.index_cast %add3A_1227 : i32 to index
      %get3A_1229 = arith.constant 32 : index
      %get3A_1230 = tpu.vector_load %arg11[%get3A_1228, %get3A_1229] {strides = array<i32>} : memref<1024x64xf32, #tpu.memory_space<vmem>>, vector<16xf32>,
      %mul3A_1231 = arith.mulf %get3A_1217, %get3A_1230 : vector<16xf32>
      %add3A_1232 = arith.addf %add3A_1213, %mul3A_1223 : vector<16xf32>
      %add3A_1233 = arith.addf %add3A_1214, %mul3A_1231 : vector<16xf32>
      %get3A_1234 = arith.index_cast %add3A_1178 : i32 to index
      %get3A_1235 = arith.constant 48 : index
      %get3A_1236 = tpu.vector_load %arg10[%get3A_1234, %get3A_1235] {strides = array<i32>} : memref<512x64xf32, #tpu.memory_space<vmem>>, vector<16xf32>,
      %mul3A_1237 = arith.constant 2 : i32
      %mul3A_1238 = arith.muli %mul3A_1237, %add3A_1178 : i32
      %get3A_1239 = arith.index_cast %mul3A_1238 : i32 to index
      %get3A_1240 = arith.constant 48 : index
      %get3A_1241 = tpu.vector_load %arg11[%get3A_1239, %get3A_1240] {strides = array<i32>} : memref<1024x64xf32, #tpu.memory_space<vmem>>, vector<16xf32>,
      %mul3A_1242 = arith.mulf %get3A_1236, %get3A_1241 : vector<16xf32>
      %mul3A_1243 = arith.constant 2 : i32
      %mul3A_1244 = arith.muli %mul3A_1243, %add3A_1178 : i32
      %add3A_1245 = arith.constant 1 : i32
      %add3A_1246 = arith.addi %mul3A_1244, %add3A_1245 : i32
      %get3A_1247 = arith.index_cast %add3A_1246 : i32 to index
      %get3A_1248 = arith.constant 48 : index
      %get3A_1249 = tpu.vector_load %arg11[%get3A_1247, %get3A_1248] {strides = array<i32>} : memref<1024x64xf32, #tpu.memory_space<vmem>>, vector<16xf32>,
      %mul3A_1250 = arith.mulf %get3A_1236, %get3A_1249 : vector<16xf32>
      %add3A_1251 = arith.addf %add3A_1232, %mul3A_1242 : vector<16xf32>
      %add3A_1252 = arith.addf %add3A_1233, %mul3A_1250 : vector<16xf32>
      %swap3A_1253 = arith.constant 160 : index
      %swap3A_1254 = tpu.vector_load %arg14[%swap3A_1253] {strides = array<i32>} : memref<256xf32, #tpu.memory_space<vmem>>, vector<16xf32>,
      tpu.vector_store %arg14[%swap3A_1253], %add3A_1251 {strides = array<i32>} : memref<256xf32, #tpu.memory_space<vmem>>, vector<16xf32>,
      %swap3A_1255 = arith.constant 160 : index
      %swap3A_1256 = tpu.vector_load %arg15[%swap3A_1255] {strides = array<i32>} : memref<256xf32, #tpu.memory_space<vmem>>, vector<16xf32>,
      tpu.vector_store %arg15[%swap3A_1255], %add3A_1252 {strides = array<i32>} : memref<256xf32, #tpu.memory_space<vmem>>, vector<16xf32>,
      %add3A_1257 = arith.constant 11 : i32
      %add3A_1258 = arith.addi %mul3A_378, %add3A_1257 : i32
      %get3A_1259 = arith.index_cast %add3A_1258 : i32 to index
      %get3A_1260 = arith.constant 0 : index
      %get3A_1261 = tpu.vector_load %arg10[%get3A_1259, %get3A_1260] {strides = array<i32>} : memref<512x64xf32, #tpu.memory_space<vmem>>, vector<16xf32>,
      %mul3A_1262 = arith.constant 2 : i32
      %mul3A_1263 = arith.muli %mul3A_1262, %add3A_1258 : i32
      %get3A_1264 = arith.index_cast %mul3A_1263 : i32 to index
      %get3A_1265 = arith.constant 0 : index
      %get3A_1266 = tpu.vector_load %arg11[%get3A_1264, %get3A_1265] {strides = array<i32>} : memref<1024x64xf32, #tpu.memory_space<vmem>>, vector<16xf32>,
      %mul3A_1267 = arith.mulf %get3A_1261, %get3A_1266 : vector<16xf32>
      %mul3A_1268 = arith.constant 2 : i32
      %mul3A_1269 = arith.muli %mul3A_1268, %add3A_1258 : i32
      %add3A_1270 = arith.constant 1 : i32
      %add3A_1271 = arith.addi %mul3A_1269, %add3A_1270 : i32
      %get3A_1272 = arith.index_cast %add3A_1271 : i32 to index
      %get3A_1273 = arith.constant 0 : index
      %get3A_1274 = tpu.vector_load %arg11[%get3A_1272, %get3A_1273] {strides = array<i32>} : memref<1024x64xf32, #tpu.memory_space<vmem>>, vector<16xf32>,
      %mul3A_1275 = arith.mulf %get3A_1261, %get3A_1274 : vector<16xf32>
      %get3A_1276 = arith.index_cast %add3A_1258 : i32 to index
      %get3A_1277 = arith.constant 16 : index
      %get3A_1278 = tpu.vector_load %arg10[%get3A_1276, %get3A_1277] {strides = array<i32>} : memref<512x64xf32, #tpu.memory_space<vmem>>, vector<16xf32>,
      %mul3A_1279 = arith.constant 2 : i32
      %mul3A_1280 = arith.muli %mul3A_1279, %add3A_1258 : i32
      %get3A_1281 = arith.index_cast %mul3A_1280 : i32 to index
      %get3A_1282 = arith.constant 16 : index
      %get3A_1283 = tpu.vector_load %arg11[%get3A_1281, %get3A_1282] {strides = array<i32>} : memref<1024x64xf32, #tpu.memory_space<vmem>>, vector<16xf32>,
      %mul3A_1284 = arith.mulf %get3A_1278, %get3A_1283 : vector<16xf32>
      %mul3A_1285 = arith.constant 2 : i32
      %mul3A_1286 = arith.muli %mul3A_1285, %add3A_1258 : i32
      %add3A_1287 = arith.constant 1 : i32
      %add3A_1288 = arith.addi %mul3A_1286, %add3A_1287 : i32
      %get3A_1289 = arith.index_cast %add3A_1288 : i32 to index
      %get3A_1290 = arith.constant 16 : index
      %get3A_1291 = tpu.vector_load %arg11[%get3A_1289, %get3A_1290] {strides = array<i32>} : memref<1024x64xf32, #tpu.memory_space<vmem>>, vector<16xf32>,
      %mul3A_1292 = arith.mulf %get3A_1278, %get3A_1291 : vector<16xf32>
      %add3A_1293 = arith.addf %mul3A_1267, %mul3A_1284 : vector<16xf32>
      %add3A_1294 = arith.addf %mul3A_1275, %mul3A_1292 : vector<16xf32>
      %get3A_1295 = arith.index_cast %add3A_1258 : i32 to index
      %get3A_1296 = arith.constant 32 : index
      %get3A_1297 = tpu.vector_load %arg10[%get3A_1295, %get3A_1296] {strides = array<i32>} : memref<512x64xf32, #tpu.memory_space<vmem>>, vector<16xf32>,
      %mul3A_1298 = arith.constant 2 : i32
      %mul3A_1299 = arith.muli %mul3A_1298, %add3A_1258 : i32
      %get3A_1300 = arith.index_cast %mul3A_1299 : i32 to index
      %get3A_1301 = arith.constant 32 : index
      %get3A_1302 = tpu.vector_load %arg11[%get3A_1300, %get3A_1301] {strides = array<i32>} : memref<1024x64xf32, #tpu.memory_space<vmem>>, vector<16xf32>,
      %mul3A_1303 = arith.mulf %get3A_1297, %get3A_1302 : vector<16xf32>
      %mul3A_1304 = arith.constant 2 : i32
      %mul3A_1305 = arith.muli %mul3A_1304, %add3A_1258 : i32
      %add3A_1306 = arith.constant 1 : i32
      %add3A_1307 = arith.addi %mul3A_1305, %add3A_1306 : i32
      %get3A_1308 = arith.index_cast %add3A_1307 : i32 to index
      %get3A_1309 = arith.constant 32 : index
      %get3A_1310 = tpu.vector_load %arg11[%get3A_1308, %get3A_1309] {strides = array<i32>} : memref<1024x64xf32, #tpu.memory_space<vmem>>, vector<16xf32>,
      %mul3A_1311 = arith.mulf %get3A_1297, %get3A_1310 : vector<16xf32>
      %add3A_1312 = arith.addf %add3A_1293, %mul3A_1303 : vector<16xf32>
      %add3A_1313 = arith.addf %add3A_1294, %mul3A_1311 : vector<16xf32>
      %get3A_1314 = arith.index_cast %add3A_1258 : i32 to index
      %get3A_1315 = arith.constant 48 : index
      %get3A_1316 = tpu.vector_load %arg10[%get3A_1314, %get3A_1315] {strides = array<i32>} : memref<512x64xf32, #tpu.memory_space<vmem>>, vector<16xf32>,
      %mul3A_1317 = arith.constant 2 : i32
      %mul3A_1318 = arith.muli %mul3A_1317, %add3A_1258 : i32
      %get3A_1319 = arith.index_cast %mul3A_1318 : i32 to index
      %get3A_1320 = arith.constant 48 : index
      %get3A_1321 = tpu.vector_load %arg11[%get3A_1319, %get3A_1320] {strides = array<i32>} : memref<1024x64xf32, #tpu.memory_space<vmem>>, vector<16xf32>,
      %mul3A_1322 = arith.mulf %get3A_1316, %get3A_1321 : vector<16xf32>
      %mul3A_1323 = arith.constant 2 : i32
      %mul3A_1324 = arith.muli %mul3A_1323, %add3A_1258 : i32
      %add3A_1325 = arith.constant 1 : i32
      %add3A_1326 = arith.addi %mul3A_1324, %add3A_1325 : i32
      %get3A_1327 = arith.index_cast %add3A_1326 : i32 to index
      %get3A_1328 = arith.constant 48 : index
      %get3A_1329 = tpu.vector_load %arg11[%get3A_1327, %get3A_1328] {strides = array<i32>} : memref<1024x64xf32, #tpu.memory_space<vmem>>, vector<16xf32>,
      %mul3A_1330 = arith.mulf %get3A_1316, %get3A_1329 : vector<16xf32>
      %add3A_1331 = arith.addf %add3A_1312, %mul3A_1322 : vector<16xf32>
      %add3A_1332 = arith.addf %add3A_1313, %mul3A_1330 : vector<16xf32>
      %swap3A_1333 = arith.constant 176 : index
      %swap3A_1334 = tpu.vector_load %arg14[%swap3A_1333] {strides = array<i32>} : memref<256xf32, #tpu.memory_space<vmem>>, vector<16xf32>,
      tpu.vector_store %arg14[%swap3A_1333], %add3A_1331 {strides = array<i32>} : memref<256xf32, #tpu.memory_space<vmem>>, vector<16xf32>,
      %swap3A_1335 = arith.constant 176 : index
      %swap3A_1336 = tpu.vector_load %arg15[%swap3A_1335] {strides = array<i32>} : memref<256xf32, #tpu.memory_space<vmem>>, vector<16xf32>,
      tpu.vector_store %arg15[%swap3A_1335], %add3A_1332 {strides = array<i32>} : memref<256xf32, #tpu.memory_space<vmem>>, vector<16xf32>,
      %add3A_1337 = arith.constant 12 : i32
      %add3A_1338 = arith.addi %mul3A_378, %add3A_1337 : i32
      %get3A_1339 = arith.index_cast %add3A_1338 : i32 to index
      %get3A_1340 = arith.constant 0 : index
      %get3A_1341 = tpu.vector_load %arg10[%get3A_1339, %get3A_1340] {strides = array<i32>} : memref<512x64xf32, #tpu.memory_space<vmem>>, vector<16xf32>,
      %mul3A_1342 = arith.constant 2 : i32
      %mul3A_1343 = arith.muli %mul3A_1342, %add3A_1338 : i32
      %get3A_1344 = arith.index_cast %mul3A_1343 : i32 to index
      %get3A_1345 = arith.constant 0 : index
      %get3A_1346 = tpu.vector_load %arg11[%get3A_1344, %get3A_1345] {strides = array<i32>} : memref<1024x64xf32, #tpu.memory_space<vmem>>, vector<16xf32>,
      %mul3A_1347 = arith.mulf %get3A_1341, %get3A_1346 : vector<16xf32>
      %mul3A_1348 = arith.constant 2 : i32
      %mul3A_1349 = arith.muli %mul3A_1348, %add3A_1338 : i32
      %add3A_1350 = arith.constant 1 : i32
      %add3A_1351 = arith.addi %mul3A_1349, %add3A_1350 : i32
      %get3A_1352 = arith.index_cast %add3A_1351 : i32 to index
      %get3A_1353 = arith.constant 0 : index
      %get3A_1354 = tpu.vector_load %arg11[%get3A_1352, %get3A_1353] {strides = array<i32>} : memref<1024x64xf32, #tpu.memory_space<vmem>>, vector<16xf32>,
      %mul3A_1355 = arith.mulf %get3A_1341, %get3A_1354 : vector<16xf32>
      %get3A_1356 = arith.index_cast %add3A_1338 : i32 to index
      %get3A_1357 = arith.constant 16 : index
      %get3A_1358 = tpu.vector_load %arg10[%get3A_1356, %get3A_1357] {strides = array<i32>} : memref<512x64xf32, #tpu.memory_space<vmem>>, vector<16xf32>,
      %mul3A_1359 = arith.constant 2 : i32
      %mul3A_1360 = arith.muli %mul3A_1359, %add3A_1338 : i32
      %get3A_1361 = arith.index_cast %mul3A_1360 : i32 to index
      %get3A_1362 = arith.constant 16 : index
      %get3A_1363 = tpu.vector_load %arg11[%get3A_1361, %get3A_1362] {strides = array<i32>} : memref<1024x64xf32, #tpu.memory_space<vmem>>, vector<16xf32>,
      %mul3A_1364 = arith.mulf %get3A_1358, %get3A_1363 : vector<16xf32>
      %mul3A_1365 = arith.constant 2 : i32
      %mul3A_1366 = arith.muli %mul3A_1365, %add3A_1338 : i32
      %add3A_1367 = arith.constant 1 : i32
      %add3A_1368 = arith.addi %mul3A_1366, %add3A_1367 : i32
      %get3A_1369 = arith.index_cast %add3A_1368 : i32 to index
      %get3A_1370 = arith.constant 16 : index
      %get3A_1371 = tpu.vector_load %arg11[%get3A_1369, %get3A_1370] {strides = array<i32>} : memref<1024x64xf32, #tpu.memory_space<vmem>>, vector<16xf32>,
      %mul3A_1372 = arith.mulf %get3A_1358, %get3A_1371 : vector<16xf32>
      %add3A_1373 = arith.addf %mul3A_1347, %mul3A_1364 : vector<16xf32>
      %add3A_1374 = arith.addf %mul3A_1355, %mul3A_1372 : vector<16xf32>
      %get3A_1375 = arith.index_cast %add3A_1338 : i32 to index
      %get3A_1376 = arith.constant 32 : index
      %get3A_1377 = tpu.vector_load %arg10[%get3A_1375, %get3A_1376] {strides = array<i32>} : memref<512x64xf32, #tpu.memory_space<vmem>>, vector<16xf32>,
      %mul3A_1378 = arith.constant 2 : i32
      %mul3A_1379 = arith.muli %mul3A_1378, %add3A_1338 : i32
      %get3A_1380 = arith.index_cast %mul3A_1379 : i32 to index
      %get3A_1381 = arith.constant 32 : index
      %get3A_1382 = tpu.vector_load %arg11[%get3A_1380, %get3A_1381] {strides = array<i32>} : memref<1024x64xf32, #tpu.memory_space<vmem>>, vector<16xf32>,
      %mul3A_1383 = arith.mulf %get3A_1377, %get3A_1382 : vector<16xf32>
      %mul3A_1384 = arith.constant 2 : i32
      %mul3A_1385 = arith.muli %mul3A_1384, %add3A_1338 : i32
      %add3A_1386 = arith.constant 1 : i32
      %add3A_1387 = arith.addi %mul3A_1385, %add3A_1386 : i32
      %get3A_1388 = arith.index_cast %add3A_1387 : i32 to index
      %get3A_1389 = arith.constant 32 : index
      %get3A_1390 = tpu.vector_load %arg11[%get3A_1388, %get3A_1389] {strides = array<i32>} : memref<1024x64xf32, #tpu.memory_space<vmem>>, vector<16xf32>,
      %mul3A_1391 = arith.mulf %get3A_1377, %get3A_1390 : vector<16xf32>
      %add3A_1392 = arith.addf %add3A_1373, %mul3A_1383 : vector<16xf32>
      %add3A_1393 = arith.addf %add3A_1374, %mul3A_1391 : vector<16xf32>
      %get3A_1394 = arith.index_cast %add3A_1338 : i32 to index
      %get3A_1395 = arith.constant 48 : index
      %get3A_1396 = tpu.vector_load %arg10[%get3A_1394, %get3A_1395] {strides = array<i32>} : memref<512x64xf32, #tpu.memory_space<vmem>>, vector<16xf32>,
      %mul3A_1397 = arith.constant 2 : i32
      %mul3A_1398 = arith.muli %mul3A_1397, %add3A_1338 : i32
      %get3A_1399 = arith.index_cast %mul3A_1398 : i32 to index
      %get3A_1400 = arith.constant 48 : index
      %get3A_1401 = tpu.vector_load %arg11[%get3A_1399, %get3A_1400] {strides = array<i32>} : memref<1024x64xf32, #tpu.memory_space<vmem>>, vector<16xf32>,
      %mul3A_1402 = arith.mulf %get3A_1396, %get3A_1401 : vector<16xf32>
      %mul3A_1403 = arith.constant 2 : i32
      %mul3A_1404 = arith.muli %mul3A_1403, %add3A_1338 : i32
      %add3A_1405 = arith.constant 1 : i32
      %add3A_1406 = arith.addi %mul3A_1404, %add3A_1405 : i32
      %get3A_1407 = arith.index_cast %add3A_1406 : i32 to index
      %get3A_1408 = arith.constant 48 : index
      %get3A_1409 = tpu.vector_load %arg11[%get3A_1407, %get3A_1408] {strides = array<i32>} : memref<1024x64xf32, #tpu.memory_space<vmem>>, vector<16xf32>,
      %mul3A_1410 = arith.mulf %get3A_1396, %get3A_1409 : vector<16xf32>
      %add3A_1411 = arith.addf %add3A_1392, %mul3A_1402 : vector<16xf32>
      %add3A_1412 = arith.addf %add3A_1393, %mul3A_1410 : vector<16xf32>
      %swap3A_1413 = arith.constant 192 : index
      %swap3A_1414 = tpu.vector_load %arg14[%swap3A_1413] {strides = array<i32>} : memref<256xf32, #tpu.memory_space<vmem>>, vector<16xf32>,
      tpu.vector_store %arg14[%swap3A_1413], %add3A_1411 {strides = array<i32>} : memref<256xf32, #tpu.memory_space<vmem>>, vector<16xf32>,
      %swap3A_1415 = arith.constant 192 : index
      %swap3A_1416 = tpu.vector_load %arg15[%swap3A_1415] {strides = array<i32>} : memref<256xf32, #tpu.memory_space<vmem>>, vector<16xf32>,
      tpu.vector_store %arg15[%swap3A_1415], %add3A_1412 {strides = array<i32>} : memref<256xf32, #tpu.memory_space<vmem>>, vector<16xf32>,
      %add3A_1417 = arith.constant 13 : i32
      %add3A_1418 = arith.addi %mul3A_378, %add3A_1417 : i32
      %get3A_1419 = arith.index_cast %add3A_1418 : i32 to index
      %get3A_1420 = arith.constant 0 : index
      %get3A_1421 = tpu.vector_load %arg10[%get3A_1419, %get3A_1420] {strides = array<i32>} : memref<512x64xf32, #tpu.memory_space<vmem>>, vector<16xf32>,
      %mul3A_1422 = arith.constant 2 : i32
      %mul3A_1423 = arith.muli %mul3A_1422, %add3A_1418 : i32
      %get3A_1424 = arith.index_cast %mul3A_1423 : i32 to index
      %get3A_1425 = arith.constant 0 : index
      %get3A_1426 = tpu.vector_load %arg11[%get3A_1424, %get3A_1425] {strides = array<i32>} : memref<1024x64xf32, #tpu.memory_space<vmem>>, vector<16xf32>,
      %mul3A_1427 = arith.mulf %get3A_1421, %get3A_1426 : vector<16xf32>
      %mul3A_1428 = arith.constant 2 : i32
      %mul3A_1429 = arith.muli %mul3A_1428, %add3A_1418 : i32
      %add3A_1430 = arith.constant 1 : i32
      %add3A_1431 = arith.addi %mul3A_1429, %add3A_1430 : i32
      %get3A_1432 = arith.index_cast %add3A_1431 : i32 to index
      %get3A_1433 = arith.constant 0 : index
      %get3A_1434 = tpu.vector_load %arg11[%get3A_1432, %get3A_1433] {strides = array<i32>} : memref<1024x64xf32, #tpu.memory_space<vmem>>, vector<16xf32>,
      %mul3A_1435 = arith.mulf %get3A_1421, %get3A_1434 : vector<16xf32>
      %get3A_1436 = arith.index_cast %add3A_1418 : i32 to index
      %get3A_1437 = arith.constant 16 : index
      %get3A_1438 = tpu.vector_load %arg10[%get3A_1436, %get3A_1437] {strides = array<i32>} : memref<512x64xf32, #tpu.memory_space<vmem>>, vector<16xf32>,
      %mul3A_1439 = arith.constant 2 : i32
      %mul3A_1440 = arith.muli %mul3A_1439, %add3A_1418 : i32
      %get3A_1441 = arith.index_cast %mul3A_1440 : i32 to index
      %get3A_1442 = arith.constant 16 : index
      %get3A_1443 = tpu.vector_load %arg11[%get3A_1441, %get3A_1442] {strides = array<i32>} : memref<1024x64xf32, #tpu.memory_space<vmem>>, vector<16xf32>,
      %mul3A_1444 = arith.mulf %get3A_1438, %get3A_1443 : vector<16xf32>
      %mul3A_1445 = arith.constant 2 : i32
      %mul3A_1446 = arith.muli %mul3A_1445, %add3A_1418 : i32
      %add3A_1447 = arith.constant 1 : i32
      %add3A_1448 = arith.addi %mul3A_1446, %add3A_1447 : i32
      %get3A_1449 = arith.index_cast %add3A_1448 : i32 to index
      %get3A_1450 = arith.constant 16 : index
      %get3A_1451 = tpu.vector_load %arg11[%get3A_1449, %get3A_1450] {strides = array<i32>} : memref<1024x64xf32, #tpu.memory_space<vmem>>, vector<16xf32>,
      %mul3A_1452 = arith.mulf %get3A_1438, %get3A_1451 : vector<16xf32>
      %add3A_1453 = arith.addf %mul3A_1427, %mul3A_1444 : vector<16xf32>
      %add3A_1454 = arith.addf %mul3A_1435, %mul3A_1452 : vector<16xf32>
      %get3A_1455 = arith.index_cast %add3A_1418 : i32 to index
      %get3A_1456 = arith.constant 32 : index
      %get3A_1457 = tpu.vector_load %arg10[%get3A_1455, %get3A_1456] {strides = array<i32>} : memref<512x64xf32, #tpu.memory_space<vmem>>, vector<16xf32>,
      %mul3A_1458 = arith.constant 2 : i32
      %mul3A_1459 = arith.muli %mul3A_1458, %add3A_1418 : i32
      %get3A_1460 = arith.index_cast %mul3A_1459 : i32 to index
      %get3A_1461 = arith.constant 32 : index
      %get3A_1462 = tpu.vector_load %arg11[%get3A_1460, %get3A_1461] {strides = array<i32>} : memref<1024x64xf32, #tpu.memory_space<vmem>>, vector<16xf32>,
      %mul3A_1463 = arith.mulf %get3A_1457, %get3A_1462 : vector<16xf32>
      %mul3A_1464 = arith.constant 2 : i32
      %mul3A_1465 = arith.muli %mul3A_1464, %add3A_1418 : i32
      %add3A_1466 = arith.constant 1 : i32
      %add3A_1467 = arith.addi %mul3A_1465, %add3A_1466 : i32
      %get3A_1468 = arith.index_cast %add3A_1467 : i32 to index
      %get3A_1469 = arith.constant 32 : index
      %get3A_1470 = tpu.vector_load %arg11[%get3A_1468, %get3A_1469] {strides = array<i32>} : memref<1024x64xf32, #tpu.memory_space<vmem>>, vector<16xf32>,
      %mul3A_1471 = arith.mulf %get3A_1457, %get3A_1470 : vector<16xf32>
      %add3A_1472 = arith.addf %add3A_1453, %mul3A_1463 : vector<16xf32>
      %add3A_1473 = arith.addf %add3A_1454, %mul3A_1471 : vector<16xf32>
      %get3A_1474 = arith.index_cast %add3A_1418 : i32 to index
      %get3A_1475 = arith.constant 48 : index
      %get3A_1476 = tpu.vector_load %arg10[%get3A_1474, %get3A_1475] {strides = array<i32>} : memref<512x64xf32, #tpu.memory_space<vmem>>, vector<16xf32>,
      %mul3A_1477 = arith.constant 2 : i32
      %mul3A_1478 = arith.muli %mul3A_1477, %add3A_1418 : i32
      %get3A_1479 = arith.index_cast %mul3A_1478 : i32 to index
      %get3A_1480 = arith.constant 48 : index
      %get3A_1481 = tpu.vector_load %arg11[%get3A_1479, %get3A_1480] {strides = array<i32>} : memref<1024x64xf32, #tpu.memory_space<vmem>>, vector<16xf32>,
      %mul3A_1482 = arith.mulf %get3A_1476, %get3A_1481 : vector<16xf32>
      %mul3A_1483 = arith.constant 2 : i32
      %mul3A_1484 = arith.muli %mul3A_1483, %add3A_1418 : i32
      %add3A_1485 = arith.constant 1 : i32
      %add3A_1486 = arith.addi %mul3A_1484, %add3A_1485 : i32
      %get3A_1487 = arith.index_cast %add3A_1486 : i32 to index
      %get3A_1488 = arith.constant 48 : index
      %get3A_1489 = tpu.vector_load %arg11[%get3A_1487, %get3A_1488] {strides = array<i32>} : memref<1024x64xf32, #tpu.memory_space<vmem>>, vector<16xf32>,
      %mul3A_1490 = arith.mulf %get3A_1476, %get3A_1489 : vector<16xf32>
      %add3A_1491 = arith.addf %add3A_1472, %mul3A_1482 : vector<16xf32>
      %add3A_1492 = arith.addf %add3A_1473, %mul3A_1490 : vector<16xf32>
      %swap3A_1493 = arith.constant 208 : index
      %swap3A_1494 = tpu.vector_load %arg14[%swap3A_1493] {strides = array<i32>} : memref<256xf32, #tpu.memory_space<vmem>>, vector<16xf32>,
      tpu.vector_store %arg14[%swap3A_1493], %add3A_1491 {strides = array<i32>} : memref<256xf32, #tpu.memory_space<vmem>>, vector<16xf32>,
      %swap3A_1495 = arith.constant 208 : index
      %swap3A_1496 = tpu.vector_load %arg15[%swap3A_1495] {strides = array<i32>} : memref<256xf32, #tpu.memory_space<vmem>>, vector<16xf32>,
      tpu.vector_store %arg15[%swap3A_1495], %add3A_1492 {strides = array<i32>} : memref<256xf32, #tpu.memory_space<vmem>>, vector<16xf32>,
      %add3A_1497 = arith.constant 14 : i32
      %add3A_1498 = arith.addi %mul3A_378, %add3A_1497 : i32
      %get3A_1499 = arith.index_cast %add3A_1498 : i32 to index
      %get3A_1500 = arith.constant 0 : index
      %get3A_1501 = tpu.vector_load %arg10[%get3A_1499, %get3A_1500] {strides = array<i32>} : memref<512x64xf32, #tpu.memory_space<vmem>>, vector<16xf32>,
      %mul3A_1502 = arith.constant 2 : i32
      %mul3A_1503 = arith.muli %mul3A_1502, %add3A_1498 : i32
      %get3A_1504 = arith.index_cast %mul3A_1503 : i32 to index
      %get3A_1505 = arith.constant 0 : index
      %get3A_1506 = tpu.vector_load %arg11[%get3A_1504, %get3A_1505] {strides = array<i32>} : memref<1024x64xf32, #tpu.memory_space<vmem>>, vector<16xf32>,
      %mul3A_1507 = arith.mulf %get3A_1501, %get3A_1506 : vector<16xf32>
      %mul3A_1508 = arith.constant 2 : i32
      %mul3A_1509 = arith.muli %mul3A_1508, %add3A_1498 : i32
      %add3A_1510 = arith.constant 1 : i32
      %add3A_1511 = arith.addi %mul3A_1509, %add3A_1510 : i32
      %get3A_1512 = arith.index_cast %add3A_1511 : i32 to index
      %get3A_1513 = arith.constant 0 : index
      %get3A_1514 = tpu.vector_load %arg11[%get3A_1512, %get3A_1513] {strides = array<i32>} : memref<1024x64xf32, #tpu.memory_space<vmem>>, vector<16xf32>,
      %mul3A_1515 = arith.mulf %get3A_1501, %get3A_1514 : vector<16xf32>
      %get3A_1516 = arith.index_cast %add3A_1498 : i32 to index
      %get3A_1517 = arith.constant 16 : index
      %get3A_1518 = tpu.vector_load %arg10[%get3A_1516, %get3A_1517] {strides = array<i32>} : memref<512x64xf32, #tpu.memory_space<vmem>>, vector<16xf32>,
      %mul3A_1519 = arith.constant 2 : i32
      %mul3A_1520 = arith.muli %mul3A_1519, %add3A_1498 : i32
      %get3A_1521 = arith.index_cast %mul3A_1520 : i32 to index
      %get3A_1522 = arith.constant 16 : index
      %get3A_1523 = tpu.vector_load %arg11[%get3A_1521, %get3A_1522] {strides = array<i32>} : memref<1024x64xf32, #tpu.memory_space<vmem>>, vector<16xf32>,
      %mul3A_1524 = arith.mulf %get3A_1518, %get3A_1523 : vector<16xf32>
      %mul3A_1525 = arith.constant 2 : i32
      %mul3A_1526 = arith.muli %mul3A_1525, %add3A_1498 : i32
      %add3A_1527 = arith.constant 1 : i32
      %add3A_1528 = arith.addi %mul3A_1526, %add3A_1527 : i32
      %get3A_1529 = arith.index_cast %add3A_1528 : i32 to index
      %get3A_1530 = arith.constant 16 : index
      %get3A_1531 = tpu.vector_load %arg11[%get3A_1529, %get3A_1530] {strides = array<i32>} : memref<1024x64xf32, #tpu.memory_space<vmem>>, vector<16xf32>,
      %mul3A_1532 = arith.mulf %get3A_1518, %get3A_1531 : vector<16xf32>
      %add3A_1533 = arith.addf %mul3A_1507, %mul3A_1524 : vector<16xf32>
      %add3A_1534 = arith.addf %mul3A_1515, %mul3A_1532 : vector<16xf32>
      %get3A_1535 = arith.index_cast %add3A_1498 : i32 to index
      %get3A_1536 = arith.constant 32 : index
      %get3A_1537 = tpu.vector_load %arg10[%get3A_1535, %get3A_1536] {strides = array<i32>} : memref<512x64xf32, #tpu.memory_space<vmem>>, vector<16xf32>,
      %mul3A_1538 = arith.constant 2 : i32
      %mul3A_1539 = arith.muli %mul3A_1538, %add3A_1498 : i32
      %get3A_1540 = arith.index_cast %mul3A_1539 : i32 to index
      %get3A_1541 = arith.constant 32 : index
      %get3A_1542 = tpu.vector_load %arg11[%get3A_1540, %get3A_1541] {strides = array<i32>} : memref<1024x64xf32, #tpu.memory_space<vmem>>, vector<16xf32>,
      %mul3A_1543 = arith.mulf %get3A_1537, %get3A_1542 : vector<16xf32>
      %mul3A_1544 = arith.constant 2 : i32
      %mul3A_1545 = arith.muli %mul3A_1544, %add3A_1498 : i32
      %add3A_1546 = arith.constant 1 : i32
      %add3A_1547 = arith.addi %mul3A_1545, %add3A_1546 : i32
      %get3A_1548 = arith.index_cast %add3A_1547 : i32 to index
      %get3A_1549 = arith.constant 32 : index
      %get3A_1550 = tpu.vector_load %arg11[%get3A_1548, %get3A_1549] {strides = array<i32>} : memref<1024x64xf32, #tpu.memory_space<vmem>>, vector<16xf32>,
      %mul3A_1551 = arith.mulf %get3A_1537, %get3A_1550 : vector<16xf32>
      %add3A_1552 = arith.addf %add3A_1533, %mul3A_1543 : vector<16xf32>
      %add3A_1553 = arith.addf %add3A_1534, %mul3A_1551 : vector<16xf32>
      %get3A_1554 = arith.index_cast %add3A_1498 : i32 to index
      %get3A_1555 = arith.constant 48 : index
      %get3A_1556 = tpu.vector_load %arg10[%get3A_1554, %get3A_1555] {strides = array<i32>} : memref<512x64xf32, #tpu.memory_space<vmem>>, vector<16xf32>,
      %mul3A_1557 = arith.constant 2 : i32
      %mul3A_1558 = arith.muli %mul3A_1557, %add3A_1498 : i32
      %get3A_1559 = arith.index_cast %mul3A_1558 : i32 to index
      %get3A_1560 = arith.constant 48 : index
      %get3A_1561 = tpu.vector_load %arg11[%get3A_1559, %get3A_1560] {strides = array<i32>} : memref<1024x64xf32, #tpu.memory_space<vmem>>, vector<16xf32>,
      %mul3A_1562 = arith.mulf %get3A_1556, %get3A_1561 : vector<16xf32>
      %mul3A_1563 = arith.constant 2 : i32
      %mul3A_1564 = arith.muli %mul3A_1563, %add3A_1498 : i32
      %add3A_1565 = arith.constant 1 : i32
      %add3A_1566 = arith.addi %mul3A_1564, %add3A_1565 : i32
      %get3A_1567 = arith.index_cast %add3A_1566 : i32 to index
      %get3A_1568 = arith.constant 48 : index
      %get3A_1569 = tpu.vector_load %arg11[%get3A_1567, %get3A_1568] {strides = array<i32>} : memref<1024x64xf32, #tpu.memory_space<vmem>>, vector<16xf32>,
      %mul3A_1570 = arith.mulf %get3A_1556, %get3A_1569 : vector<16xf32>
      %add3A_1571 = arith.addf %add3A_1552, %mul3A_1562 : vector<16xf32>
      %add3A_1572 = arith.addf %add3A_1553, %mul3A_1570 : vector<16xf32>
      %swap3A_1573 = arith.constant 224 : index
      %swap3A_1574 = tpu.vector_load %arg14[%swap3A_1573] {strides = array<i32>} : memref<256xf32, #tpu.memory_space<vmem>>, vector<16xf32>,
      tpu.vector_store %arg14[%swap3A_1573], %add3A_1571 {strides = array<i32>} : memref<256xf32, #tpu.memory_space<vmem>>, vector<16xf32>,
      %swap3A_1575 = arith.constant 224 : index
      %swap3A_1576 = tpu.vector_load %arg15[%swap3A_1575] {strides = array<i32>} : memref<256xf32, #tpu.memory_space<vmem>>, vector<16xf32>,
      tpu.vector_store %arg15[%swap3A_1575], %add3A_1572 {strides = array<i32>} : memref<256xf32, #tpu.memory_space<vmem>>, vector<16xf32>,
      %add3A_1577 = arith.constant 15 : i32
      %add3A_1578 = arith.addi %mul3A_378, %add3A_1577 : i32
      %get3A_1579 = arith.index_cast %add3A_1578 : i32 to index
      %get3A_1580 = arith.constant 0 : index
      %get3A_1581 = tpu.vector_load %arg10[%get3A_1579, %get3A_1580] {strides = array<i32>} : memref<512x64xf32, #tpu.memory_space<vmem>>, vector<16xf32>,
      %mul3A_1582 = arith.constant 2 : i32
      %mul3A_1583 = arith.muli %mul3A_1582, %add3A_1578 : i32
      %get3A_1584 = arith.index_cast %mul3A_1583 : i32 to index
      %get3A_1585 = arith.constant 0 : index
      %get3A_1586 = tpu.vector_load %arg11[%get3A_1584, %get3A_1585] {strides = array<i32>} : memref<1024x64xf32, #tpu.memory_space<vmem>>, vector<16xf32>,
      %mul3A_1587 = arith.mulf %get3A_1581, %get3A_1586 : vector<16xf32>
      %mul3A_1588 = arith.constant 2 : i32
      %mul3A_1589 = arith.muli %mul3A_1588, %add3A_1578 : i32
      %add3A_1590 = arith.constant 1 : i32
      %add3A_1591 = arith.addi %mul3A_1589, %add3A_1590 : i32
      %get3A_1592 = arith.index_cast %add3A_1591 : i32 to index
      %get3A_1593 = arith.constant 0 : index
      %get3A_1594 = tpu.vector_load %arg11[%get3A_1592, %get3A_1593] {strides = array<i32>} : memref<1024x64xf32, #tpu.memory_space<vmem>>, vector<16xf32>,
      %mul3A_1595 = arith.mulf %get3A_1581, %get3A_1594 : vector<16xf32>
      %get3A_1596 = arith.index_cast %add3A_1578 : i32 to index
      %get3A_1597 = arith.constant 16 : index
      %get3A_1598 = tpu.vector_load %arg10[%get3A_1596, %get3A_1597] {strides = array<i32>} : memref<512x64xf32, #tpu.memory_space<vmem>>, vector<16xf32>,
      %mul3A_1599 = arith.constant 2 : i32
      %mul3A_1600 = arith.muli %mul3A_1599, %add3A_1578 : i32
      %get3A_1601 = arith.index_cast %mul3A_1600 : i32 to index
      %get3A_1602 = arith.constant 16 : index
      %get3A_1603 = tpu.vector_load %arg11[%get3A_1601, %get3A_1602] {strides = array<i32>} : memref<1024x64xf32, #tpu.memory_space<vmem>>, vector<16xf32>,
      %mul3A_1604 = arith.mulf %get3A_1598, %get3A_1603 : vector<16xf32>
      %mul3A_1605 = arith.constant 2 : i32
      %mul3A_1606 = arith.muli %mul3A_1605, %add3A_1578 : i32
      %add3A_1607 = arith.constant 1 : i32
      %add3A_1608 = arith.addi %mul3A_1606, %add3A_1607 : i32
      %get3A_1609 = arith.index_cast %add3A_1608 : i32 to index
      %get3A_1610 = arith.constant 16 : index
      %get3A_1611 = tpu.vector_load %arg11[%get3A_1609, %get3A_1610] {strides = array<i32>} : memref<1024x64xf32, #tpu.memory_space<vmem>>, vector<16xf32>,
      %mul3A_1612 = arith.mulf %get3A_1598, %get3A_1611 : vector<16xf32>
      %add3A_1613 = arith.addf %mul3A_1587, %mul3A_1604 : vector<16xf32>
      %add3A_1614 = arith.addf %mul3A_1595, %mul3A_1612 : vector<16xf32>
      %get3A_1615 = arith.index_cast %add3A_1578 : i32 to index
      %get3A_1616 = arith.constant 32 : index
      %get3A_1617 = tpu.vector_load %arg10[%get3A_1615, %get3A_1616] {strides = array<i32>} : memref<512x64xf32, #tpu.memory_space<vmem>>, vector<16xf32>,
      %mul3A_1618 = arith.constant 2 : i32
      %mul3A_1619 = arith.muli %mul3A_1618, %add3A_1578 : i32
      %get3A_1620 = arith.index_cast %mul3A_1619 : i32 to index
      %get3A_1621 = arith.constant 32 : index
      %get3A_1622 = tpu.vector_load %arg11[%get3A_1620, %get3A_1621] {strides = array<i32>} : memref<1024x64xf32, #tpu.memory_space<vmem>>, vector<16xf32>,
      %mul3A_1623 = arith.mulf %get3A_1617, %get3A_1622 : vector<16xf32>
      %mul3A_1624 = arith.constant 2 : i32
      %mul3A_1625 = arith.muli %mul3A_1624, %add3A_1578 : i32
      %add3A_1626 = arith.constant 1 : i32
      %add3A_1627 = arith.addi %mul3A_1625, %add3A_1626 : i32
      %get3A_1628 = arith.index_cast %add3A_1627 : i32 to index
      %get3A_1629 = arith.constant 32 : index
      %get3A_1630 = tpu.vector_load %arg11[%get3A_1628, %get3A_1629] {strides = array<i32>} : memref<1024x64xf32, #tpu.memory_space<vmem>>, vector<16xf32>,
      %mul3A_1631 = arith.mulf %get3A_1617, %get3A_1630 : vector<16xf32>
      %add3A_1632 = arith.addf %add3A_1613, %mul3A_1623 : vector<16xf32>
      %add3A_1633 = arith.addf %add3A_1614, %mul3A_1631 : vector<16xf32>
      %get3A_1634 = arith.index_cast %add3A_1578 : i32 to index
      %get3A_1635 = arith.constant 48 : index
      %get3A_1636 = tpu.vector_load %arg10[%get3A_1634, %get3A_1635] {strides = array<i32>} : memref<512x64xf32, #tpu.memory_space<vmem>>, vector<16xf32>,
      %mul3A_1637 = arith.constant 2 : i32
      %mul3A_1638 = arith.muli %mul3A_1637, %add3A_1578 : i32
      %get3A_1639 = arith.index_cast %mul3A_1638 : i32 to index
      %get3A_1640 = arith.constant 48 : index
      %get3A_1641 = tpu.vector_load %arg11[%get3A_1639, %get3A_1640] {strides = array<i32>} : memref<1024x64xf32, #tpu.memory_space<vmem>>, vector<16xf32>,
      %mul3A_1642 = arith.mulf %get3A_1636, %get3A_1641 : vector<16xf32>
      %mul3A_1643 = arith.constant 2 : i32
      %mul3A_1644 = arith.muli %mul3A_1643, %add3A_1578 : i32
      %add3A_1645 = arith.constant 1 : i32
      %add3A_1646 = arith.addi %mul3A_1644, %add3A_1645 : i32
      %get3A_1647 = arith.index_cast %add3A_1646 : i32 to index
      %get3A_1648 = arith.constant 48 : index
      %get3A_1649 = tpu.vector_load %arg11[%get3A_1647, %get3A_1648] {strides = array<i32>} : memref<1024x64xf32, #tpu.memory_space<vmem>>, vector<16xf32>,
      %mul3A_1650 = arith.mulf %get3A_1636, %get3A_1649 : vector<16xf32>
      %add3A_1651 = arith.addf %add3A_1632, %mul3A_1642 : vector<16xf32>
      %add3A_1652 = arith.addf %add3A_1633, %mul3A_1650 : vector<16xf32>
      %swap3A_1653 = arith.constant 240 : index
      %swap3A_1654 = tpu.vector_load %arg14[%swap3A_1653] {strides = array<i32>} : memref<256xf32, #tpu.memory_space<vmem>>, vector<16xf32>,
      tpu.vector_store %arg14[%swap3A_1653], %add3A_1651 {strides = array<i32>} : memref<256xf32, #tpu.memory_space<vmem>>, vector<16xf32>,
      %swap3A_1655 = arith.constant 240 : index
      %swap3A_1656 = tpu.vector_load %arg15[%swap3A_1655] {strides = array<i32>} : memref<256xf32, #tpu.memory_space<vmem>>, vector<16xf32>,
      tpu.vector_store %arg15[%swap3A_1655], %add3A_1652 {strides = array<i32>} : memref<256xf32, #tpu.memory_space<vmem>>, vector<16xf32>,
      %mul3A_1657 = arith.constant 16 : i32
      %mul3A_1658 = vector.broadcast %mul3A_1657 : i32 to vector<16xi32>
      %mul3A_1659 = arith.muli %iota3A, %mul3A_1658 : vector<16xi32>
      %add3A_1660 = arith.constant 0 : i32
      %add3A_1661 = vector.broadcast %add3A_1660 : i32 to vector<16xi32>
      %add3A_1662 = arith.addi %mul3A_1659, %add3A_1661 : vector<16xi32>
      %gather3A = tpu.vector_load_idx %arg14[%add3A_1662] : memref<256xf32, #tpu.memory_space<vmem>>[vector<16xi32>], vector<16xf32>,
      %add3A_1663 = arith.constant 0 : i32
      %add3A_1664 = vector.broadcast %add3A_1663 : i32 to vector<16xi32>
      %add3A_1665 = arith.addi %mul3A_1659, %add3A_1664 : vector<16xi32>
      %gather3A_1666 = tpu.vector_load_idx %arg15[%add3A_1665] : memref<256xf32, #tpu.memory_space<vmem>>[vector<16xi32>], vector<16xf32>,
      %add3A_1667 = arith.constant 1 : i32
      %add3A_1668 = vector.broadcast %add3A_1667 : i32 to vector<16xi32>
      %add3A_1669 = arith.addi %mul3A_1659, %add3A_1668 : vector<16xi32>
      %gather3A_1670 = tpu.vector_load_idx %arg14[%add3A_1669] : memref<256xf32, #tpu.memory_space<vmem>>[vector<16xi32>], vector<16xf32>,
      %add3A_1671 = arith.constant 1 : i32
      %add3A_1672 = vector.broadcast %add3A_1671 : i32 to vector<16xi32>
      %add3A_1673 = arith.addi %mul3A_1659, %add3A_1672 : vector<16xi32>
      %gather3A_1674 = tpu.vector_load_idx %arg15[%add3A_1673] : memref<256xf32, #tpu.memory_space<vmem>>[vector<16xi32>], vector<16xf32>,
      %add3A_1675 = arith.addf %gather3A, %gather3A_1670 : vector<16xf32>
      %add3A_1676 = arith.addf %gather3A_1666, %gather3A_1674 : vector<16xf32>
      %add3A_1677 = arith.constant 2 : i32
      %add3A_1678 = vector.broadcast %add3A_1677 : i32 to vector<16xi32>
      %add3A_1679 = arith.addi %mul3A_1659, %add3A_1678 : vector<16xi32>
      %gather3A_1680 = tpu.vector_load_idx %arg14[%add3A_1679] : memref<256xf32, #tpu.memory_space<vmem>>[vector<16xi32>], vector<16xf32>,
      %add3A_1681 = arith.constant 2 : i32
      %add3A_1682 = vector.broadcast %add3A_1681 : i32 to vector<16xi32>
      %add3A_1683 = arith.addi %mul3A_1659, %add3A_1682 : vector<16xi32>
      %gather3A_1684 = tpu.vector_load_idx %arg15[%add3A_1683] : memref<256xf32, #tpu.memory_space<vmem>>[vector<16xi32>], vector<16xf32>,
      %add3A_1685 = arith.addf %add3A_1675, %gather3A_1680 : vector<16xf32>
      %add3A_1686 = arith.addf %add3A_1676, %gather3A_1684 : vector<16xf32>
      %add3A_1687 = arith.constant 3 : i32
      %add3A_1688 = vector.broadcast %add3A_1687 : i32 to vector<16xi32>
      %add3A_1689 = arith.addi %mul3A_1659, %add3A_1688 : vector<16xi32>
      %gather3A_1690 = tpu.vector_load_idx %arg14[%add3A_1689] : memref<256xf32, #tpu.memory_space<vmem>>[vector<16xi32>], vector<16xf32>,
      %add3A_1691 = arith.constant 3 : i32
      %add3A_1692 = vector.broadcast %add3A_1691 : i32 to vector<16xi32>
      %add3A_1693 = arith.addi %mul3A_1659, %add3A_1692 : vector<16xi32>
      %gather3A_1694 = tpu.vector_load_idx %arg15[%add3A_1693] : memref<256xf32, #tpu.memory_space<vmem>>[vector<16xi32>], vector<16xf32>,
      %add3A_1695 = arith.addf %add3A_1685, %gather3A_1690 : vector<16xf32>
      %add3A_1696 = arith.addf %add3A_1686, %gather3A_1694 : vector<16xf32>
      %add3A_1697 = arith.constant 4 : i32
      %add3A_1698 = vector.broadcast %add3A_1697 : i32 to vector<16xi32>
      %add3A_1699 = arith.addi %mul3A_1659, %add3A_1698 : vector<16xi32>
      %gather3A_1700 = tpu.vector_load_idx %arg14[%add3A_1699] : memref<256xf32, #tpu.memory_space<vmem>>[vector<16xi32>], vector<16xf32>,
      %add3A_1701 = arith.constant 4 : i32
      %add3A_1702 = vector.broadcast %add3A_1701 : i32 to vector<16xi32>
      %add3A_1703 = arith.addi %mul3A_1659, %add3A_1702 : vector<16xi32>
      %gather3A_1704 = tpu.vector_load_idx %arg15[%add3A_1703] : memref<256xf32, #tpu.memory_space<vmem>>[vector<16xi32>], vector<16xf32>,
      %add3A_1705 = arith.addf %add3A_1695, %gather3A_1700 : vector<16xf32>
      %add3A_1706 = arith.addf %add3A_1696, %gather3A_1704 : vector<16xf32>
      %add3A_1707 = arith.constant 5 : i32
      %add3A_1708 = vector.broadcast %add3A_1707 : i32 to vector<16xi32>
      %add3A_1709 = arith.addi %mul3A_1659, %add3A_1708 : vector<16xi32>
      %gather3A_1710 = tpu.vector_load_idx %arg14[%add3A_1709] : memref<256xf32, #tpu.memory_space<vmem>>[vector<16xi32>], vector<16xf32>,
      %add3A_1711 = arith.constant 5 : i32
      %add3A_1712 = vector.broadcast %add3A_1711 : i32 to vector<16xi32>
      %add3A_1713 = arith.addi %mul3A_1659, %add3A_1712 : vector<16xi32>
      %gather3A_1714 = tpu.vector_load_idx %arg15[%add3A_1713] : memref<256xf32, #tpu.memory_space<vmem>>[vector<16xi32>], vector<16xf32>,
      %add3A_1715 = arith.addf %add3A_1705, %gather3A_1710 : vector<16xf32>
      %add3A_1716 = arith.addf %add3A_1706, %gather3A_1714 : vector<16xf32>
      %add3A_1717 = arith.constant 6 : i32
      %add3A_1718 = vector.broadcast %add3A_1717 : i32 to vector<16xi32>
      %add3A_1719 = arith.addi %mul3A_1659, %add3A_1718 : vector<16xi32>
      %gather3A_1720 = tpu.vector_load_idx %arg14[%add3A_1719] : memref<256xf32, #tpu.memory_space<vmem>>[vector<16xi32>], vector<16xf32>,
      %add3A_1721 = arith.constant 6 : i32
      %add3A_1722 = vector.broadcast %add3A_1721 : i32 to vector<16xi32>
      %add3A_1723 = arith.addi %mul3A_1659, %add3A_1722 : vector<16xi32>
      %gather3A_1724 = tpu.vector_load_idx %arg15[%add3A_1723] : memref<256xf32, #tpu.memory_space<vmem>>[vector<16xi32>], vector<16xf32>,
      %add3A_1725 = arith.addf %add3A_1715, %gather3A_1720 : vector<16xf32>
      %add3A_1726 = arith.addf %add3A_1716, %gather3A_1724 : vector<16xf32>
      %add3A_1727 = arith.constant 7 : i32
      %add3A_1728 = vector.broadcast %add3A_1727 : i32 to vector<16xi32>
      %add3A_1729 = arith.addi %mul3A_1659, %add3A_1728 : vector<16xi32>
      %gather3A_1730 = tpu.vector_load_idx %arg14[%add3A_1729] : memref<256xf32, #tpu.memory_space<vmem>>[vector<16xi32>], vector<16xf32>,
      %add3A_1731 = arith.constant 7 : i32
      %add3A_1732 = vector.broadcast %add3A_1731 : i32 to vector<16xi32>
      %add3A_1733 = arith.addi %mul3A_1659, %add3A_1732 : vector<16xi32>
      %gather3A_1734 = tpu.vector_load_idx %arg15[%add3A_1733] : memref<256xf32, #tpu.memory_space<vmem>>[vector<16xi32>], vector<16xf32>,
      %add3A_1735 = arith.addf %add3A_1725, %gather3A_1730 : vector<16xf32>
      %add3A_1736 = arith.addf %add3A_1726, %gather3A_1734 : vector<16xf32>
      %add3A_1737 = arith.constant 8 : i32
      %add3A_1738 = vector.broadcast %add3A_1737 : i32 to vector<16xi32>
      %add3A_1739 = arith.addi %mul3A_1659, %add3A_1738 : vector<16xi32>
      %gather3A_1740 = tpu.vector_load_idx %arg14[%add3A_1739] : memref<256xf32, #tpu.memory_space<vmem>>[vector<16xi32>], vector<16xf32>,
      %add3A_1741 = arith.constant 8 : i32
      %add3A_1742 = vector.broadcast %add3A_1741 : i32 to vector<16xi32>
      %add3A_1743 = arith.addi %mul3A_1659, %add3A_1742 : vector<16xi32>
      %gather3A_1744 = tpu.vector_load_idx %arg15[%add3A_1743] : memref<256xf32, #tpu.memory_space<vmem>>[vector<16xi32>], vector<16xf32>,
      %add3A_1745 = arith.addf %add3A_1735, %gather3A_1740 : vector<16xf32>
      %add3A_1746 = arith.addf %add3A_1736, %gather3A_1744 : vector<16xf32>
      %add3A_1747 = arith.constant 9 : i32
      %add3A_1748 = vector.broadcast %add3A_1747 : i32 to vector<16xi32>
      %add3A_1749 = arith.addi %mul3A_1659, %add3A_1748 : vector<16xi32>
      %gather3A_1750 = tpu.vector_load_idx %arg14[%add3A_1749] : memref<256xf32, #tpu.memory_space<vmem>>[vector<16xi32>], vector<16xf32>,
      %add3A_1751 = arith.constant 9 : i32
      %add3A_1752 = vector.broadcast %add3A_1751 : i32 to vector<16xi32>
      %add3A_1753 = arith.addi %mul3A_1659, %add3A_1752 : vector<16xi32>
      %gather3A_1754 = tpu.vector_load_idx %arg15[%add3A_1753] : memref<256xf32, #tpu.memory_space<vmem>>[vector<16xi32>], vector<16xf32>,
      %add3A_1755 = arith.addf %add3A_1745, %gather3A_1750 : vector<16xf32>
      %add3A_1756 = arith.addf %add3A_1746, %gather3A_1754 : vector<16xf32>
      %add3A_1757 = arith.constant 10 : i32
      %add3A_1758 = vector.broadcast %add3A_1757 : i32 to vector<16xi32>
      %add3A_1759 = arith.addi %mul3A_1659, %add3A_1758 : vector<16xi32>
      %gather3A_1760 = tpu.vector_load_idx %arg14[%add3A_1759] : memref<256xf32, #tpu.memory_space<vmem>>[vector<16xi32>], vector<16xf32>,
      %add3A_1761 = arith.constant 10 : i32
      %add3A_1762 = vector.broadcast %add3A_1761 : i32 to vector<16xi32>
      %add3A_1763 = arith.addi %mul3A_1659, %add3A_1762 : vector<16xi32>
      %gather3A_1764 = tpu.vector_load_idx %arg15[%add3A_1763] : memref<256xf32, #tpu.memory_space<vmem>>[vector<16xi32>], vector<16xf32>,
      %add3A_1765 = arith.addf %add3A_1755, %gather3A_1760 : vector<16xf32>
      %add3A_1766 = arith.addf %add3A_1756, %gather3A_1764 : vector<16xf32>
      %add3A_1767 = arith.constant 11 : i32
      %add3A_1768 = vector.broadcast %add3A_1767 : i32 to vector<16xi32>
      %add3A_1769 = arith.addi %mul3A_1659, %add3A_1768 : vector<16xi32>
      %gather3A_1770 = tpu.vector_load_idx %arg14[%add3A_1769] : memref<256xf32, #tpu.memory_space<vmem>>[vector<16xi32>], vector<16xf32>,
      %add3A_1771 = arith.constant 11 : i32
      %add3A_1772 = vector.broadcast %add3A_1771 : i32 to vector<16xi32>
      %add3A_1773 = arith.addi %mul3A_1659, %add3A_1772 : vector<16xi32>
      %gather3A_1774 = tpu.vector_load_idx %arg15[%add3A_1773] : memref<256xf32, #tpu.memory_space<vmem>>[vector<16xi32>], vector<16xf32>,
      %add3A_1775 = arith.addf %add3A_1765, %gather3A_1770 : vector<16xf32>
      %add3A_1776 = arith.addf %add3A_1766, %gather3A_1774 : vector<16xf32>
      %add3A_1777 = arith.constant 12 : i32
      %add3A_1778 = vector.broadcast %add3A_1777 : i32 to vector<16xi32>
      %add3A_1779 = arith.addi %mul3A_1659, %add3A_1778 : vector<16xi32>
      %gather3A_1780 = tpu.vector_load_idx %arg14[%add3A_1779] : memref<256xf32, #tpu.memory_space<vmem>>[vector<16xi32>], vector<16xf32>,
      %add3A_1781 = arith.constant 12 : i32
      %add3A_1782 = vector.broadcast %add3A_1781 : i32 to vector<16xi32>
      %add3A_1783 = arith.addi %mul3A_1659, %add3A_1782 : vector<16xi32>
      %gather3A_1784 = tpu.vector_load_idx %arg15[%add3A_1783] : memref<256xf32, #tpu.memory_space<vmem>>[vector<16xi32>], vector<16xf32>,
      %add3A_1785 = arith.addf %add3A_1775, %gather3A_1780 : vector<16xf32>
      %add3A_1786 = arith.addf %add3A_1776, %gather3A_1784 : vector<16xf32>
      %add3A_1787 = arith.constant 13 : i32
      %add3A_1788 = vector.broadcast %add3A_1787 : i32 to vector<16xi32>
      %add3A_1789 = arith.addi %mul3A_1659, %add3A_1788 : vector<16xi32>
      %gather3A_1790 = tpu.vector_load_idx %arg14[%add3A_1789] : memref<256xf32, #tpu.memory_space<vmem>>[vector<16xi32>], vector<16xf32>,
      %add3A_1791 = arith.constant 13 : i32
      %add3A_1792 = vector.broadcast %add3A_1791 : i32 to vector<16xi32>
      %add3A_1793 = arith.addi %mul3A_1659, %add3A_1792 : vector<16xi32>
      %gather3A_1794 = tpu.vector_load_idx %arg15[%add3A_1793] : memref<256xf32, #tpu.memory_space<vmem>>[vector<16xi32>], vector<16xf32>,
      %add3A_1795 = arith.addf %add3A_1785, %gather3A_1790 : vector<16xf32>
      %add3A_1796 = arith.addf %add3A_1786, %gather3A_1794 : vector<16xf32>
      %add3A_1797 = arith.constant 14 : i32
      %add3A_1798 = vector.broadcast %add3A_1797 : i32 to vector<16xi32>
      %add3A_1799 = arith.addi %mul3A_1659, %add3A_1798 : vector<16xi32>
      %gather3A_1800 = tpu.vector_load_idx %arg14[%add3A_1799] : memref<256xf32, #tpu.memory_space<vmem>>[vector<16xi32>], vector<16xf32>,
      %add3A_1801 = arith.constant 14 : i32
      %add3A_1802 = vector.broadcast %add3A_1801 : i32 to vector<16xi32>
      %add3A_1803 = arith.addi %mul3A_1659, %add3A_1802 : vector<16xi32>
      %gather3A_1804 = tpu.vector_load_idx %arg15[%add3A_1803] : memref<256xf32, #tpu.memory_space<vmem>>[vector<16xi32>], vector<16xf32>,
      %add3A_1805 = arith.addf %add3A_1795, %gather3A_1800 : vector<16xf32>
      %add3A_1806 = arith.addf %add3A_1796, %gather3A_1804 : vector<16xf32>
      %add3A_1807 = arith.constant 15 : i32
      %add3A_1808 = vector.broadcast %add3A_1807 : i32 to vector<16xi32>
      %add3A_1809 = arith.addi %mul3A_1659, %add3A_1808 : vector<16xi32>
      %gather3A_1810 = tpu.vector_load_idx %arg14[%add3A_1809] : memref<256xf32, #tpu.memory_space<vmem>>[vector<16xi32>], vector<16xf32>,
      %add3A_1811 = arith.constant 15 : i32
      %add3A_1812 = vector.broadcast %add3A_1811 : i32 to vector<16xi32>
      %add3A_1813 = arith.addi %mul3A_1659, %add3A_1812 : vector<16xi32>
      %gather3A_1814 = tpu.vector_load_idx %arg15[%add3A_1813] : memref<256xf32, #tpu.memory_space<vmem>>[vector<16xi32>], vector<16xf32>,
      %add3A_1815 = arith.addf %add3A_1805, %gather3A_1810 : vector<16xf32>
      %add3A_1816 = arith.addf %add3A_1806, %gather3A_1814 : vector<16xf32>
      %add3A_1817 = vector.broadcast %mul3A_378 : i32 to vector<16xi32>
      %add3A_1818 = arith.addi %add3A_1817, %iota3A : vector<16xi32>
      %mul3A_1819 = arith.constant 2 : i32
      %mul3A_1820 = vector.broadcast %mul3A_1819 : i32 to vector<16xi32>
      %mul3A_1821 = arith.muli %mul3A_1820, %add3A_1818 : vector<16xi32>
      %add3A_1822 = arith.constant 1 : i32
      %add3A_1823 = vector.broadcast %add3A_1822 : i32 to vector<16xi32>
      %add3A_1824 = arith.addi %mul3A_1821, %add3A_1823 : vector<16xi32>
      %gather3A_1825 = tpu.vector_load_idx %arg12[%mul3A_1821] : memref<1024xf32, #tpu.memory_space<vmem>>[vector<16xi32>], vector<16xf32>,
      %add3A_1826 = arith.addf %add3A_1815, %gather3A_1825 : vector<16xf32>
      %gather3A_1827 = tpu.vector_load_idx %arg12[%add3A_1824] : memref<1024xf32, #tpu.memory_space<vmem>>[vector<16xi32>], vector<16xf32>,
      %add3A_1828 = arith.addf %add3A_1816, %gather3A_1827 : vector<16xf32>
      %neg3A = arith.constant 0.000000e+00 : f32
      %neg3A_1829 = vector.broadcast %neg3A : f32 to vector<16xf32>
      %neg3A_1830 = arith.subf %neg3A_1829, %add3A_1826 : vector<16xf32>
      %exp3A = math.exp %neg3A_1830 : vector<16xf32>
      %add3A_1831 = arith.constant 1.000000e+00 : f32
      %add3A_1832 = vector.broadcast %add3A_1831 : f32 to vector<16xf32>
      %add3A_1833 = arith.addf %add3A_1832, %exp3A : vector<16xf32>
      %div3A = arith.constant 1.000000e+00 : f32
      %div3A_1834 = vector.broadcast %div3A : f32 to vector<16xf32>
      %div3A_1835 = arith.divf %div3A_1834, %add3A_1833 : vector<16xf32>
      %neg3A_1836 = arith.constant 0.000000e+00 : f32
      %neg3A_1837 = vector.broadcast %neg3A_1836 : f32 to vector<16xf32>
      %neg3A_1838 = arith.subf %neg3A_1837, %add3A_1828 : vector<16xf32>
      %exp3A_1839 = math.exp %neg3A_1838 : vector<16xf32>
      %add3A_1840 = arith.constant 1.000000e+00 : f32
      %add3A_1841 = vector.broadcast %add3A_1840 : f32 to vector<16xf32>
      %add3A_1842 = arith.addf %add3A_1841, %exp3A_1839 : vector<16xf32>
      %div3A_1843 = arith.constant 1.000000e+00 : f32
      %div3A_1844 = vector.broadcast %div3A_1843 : f32 to vector<16xf32>
      %div3A_1845 = arith.divf %div3A_1844, %add3A_1842 : vector<16xf32>
      tpu.vector_store_idx %arg13[%mul3A_1821], %div3A_1835 : memref<1024xf32, #tpu.memory_space<vmem>>[vector<16xi32>], vector<16xf32>,
      tpu.vector_store_idx %arg13[%add3A_1824], %div3A_1845 : memref<1024xf32, #tpu.memory_space<vmem>>[vector<16xi32>], vector<16xf32>,
    }
    %scan3A_371 = arith.constant 32 : i32
    %mul3A_372 = arith.constant 2 : i32
    %mul3A_373 = arith.muli %add3A, %mul3A_372 : i32
    %mul3A_374 = arith.constant 512 : i32
    %mul3A_375 = arith.muli %mul3A_373, %mul3A_374 : i32
    "tpu.region"() ({
      %run_scoped3A = tpu.sem_alloc : memref<!tpu.dma_semaphore, #tpu.memory_space<semaphore_mem>>
      %dma_start3A_376 = tpu.memref_slice %arg7[%mul3A_375] : memref<32768xf32, #tpu.memory_space<hbm>> -> memref<1024xf32, #tpu.memory_space<hbm>>
      %dma_start3A_377 = tpu.memref_slice %arg7[%mul3A_375] : memref<32768xf32, #tpu.memory_space<hbm>> -> memref<1024xf32, #tpu.memory_space<hbm>>
      tpu.enqueue_dma source(%arg13 : memref<1024xf32, #tpu.memory_space<vmem>>) target(%dma_start3A_377 : memref<1024xf32, #tpu.memory_space<hbm>>) target_semaphore(%run_scoped3A : memref<!tpu.dma_semaphore, #tpu.memory_space<semaphore_mem>>)
      %dma_wait3A_378 = tpu.memref_slice %arg7[%mul3A_375] : memref<32768xf32, #tpu.memory_space<hbm>> -> memref<1024xf32, #tpu.memory_space<hbm>>
      %dma_wait3A_379 = tpu.memref_slice %arg7[%mul3A_375] : memref<32768xf32, #tpu.memory_space<hbm>> -> memref<1024xf32, #tpu.memory_space<hbm>>
      tpu.wait_dma2 semaphore(%run_scoped3A : memref<!tpu.dma_semaphore, #tpu.memory_space<semaphore_mem>>) src(%arg13 : memref<1024xf32, #tpu.memory_space<vmem>>) dst(%dma_wait3A_379 : memref<1024xf32, #tpu.memory_space<hbm>>)
      tpu.yield
    }) : () -> ()
    return
  }
}

</mosaic_0001>

<sc_bundles>
// kernel: kernel.3.cloned.1.call-start
scs
__scs_entry_jumppad:
0x0: {  	(pc) =	sbr.rel $0x88, $3  }
0x1: {  	(tag) =	ssettag $0x0;
	lr =	simm.s32 $0x1  }
0x2: {  	[smem:$0x3F9D] =	sst lr;
	_ =	strace $0xD0000000  }
0x3: {  	_ = 	snop  }
0x4: {  	_ = 	snop  }
0x5: {  	_ = 	snop  }
0x6: {  	_ = 	snop  }
0x7: {  	_ = 	snop  }
__scs_overlays_trampoline_lowered:
0x8: {  	[smem:$0x3FAC] =	sst s0  }
0x9: {  	[smem:$0x3FAD] =	sst s1  }
0xa: {  	[smem:$0x3FAE] =	sst s2  }
0xb: {  	[smem:$0x3FAF] =	sst s3  }
0xc: {  	[smem:$0x3FB0] =	sst s4  }
0xd: {  	[smem:$0x3FB1] =	sst s5  }
0xe: {  	[smem:$0x3FB2] =	sst s6  }
0xf: {  	[smem:$0x3FB3] =	sst s7  }
0x10: {  	[smem:$0x3FB4] =	sst s8  }
0x11: {  	[smem:$0x3FB5] =	sst s9;
	s0 =	simm.s32 @!p0 $0x0  }
0x12: {  	s1 =	sld [smem:$0x3F9B];
	s0 =	simm.s32 @p0 $0x1  }
0x13: {  	[smem:$0x3FB6] =	sst s0;
	s0 =	simm.s32 @!p1 $0x0  }
0x14: {  	s2 =	sld [smem:$0x3F9A];
	s0 =	simm.s32 @p1 $0x1  }
0x15: {  	[smem:$0x3FB7] =	sst s0;
	s0 =	simm.s32 @!p2 $0x0  }
0x16: {  	s3 =	sld [smem:$0x3FDB];
	s0 =	simm.s32 @p2 $0x1  }
0x17: {  	s4 =	simm.s32 $0x1BF5;
	[smem:$0x3FB9] =	sst s0  }
0x18: {  	s0 =	sld [smem:$0x3F9C];
	_ =	swait.ge [sflag:s4], $0x0  }
0x19: {  	s7 =	sld [smem:$0x3F9D]  }
0x1a: {  	s8 =	sadd.s32 $0xFFFFE003, lr  }
0x1b: {  	s9 =	sadd.s32 $0xFFFFFEF7, lr;
	s5 =	simm.s32 $0xFFFFFFFF;
	p2 =	slt.u32 s8, $0xFFFFF086  }
0x1c: {  	p1 =	slt.u32 s9, $0xF7A;
	s5 =	simm.s32 @!p2 $0x0  }
0x1d: {  	s5 =	simm.s32 @p1 $0x1;
	p0 =	seq.s32 s7, s2  }
0x1e: {  	s7 =	smul.u32 @!p0 $0xF7A, s2;
	p2 =	seq.s32 @!p0 s5, $0x0  }
0x1f: {  	s9 =	smul.u32 $0xF7A, s1;
	s8 =	simm.s32 @!p0 $0x1BF5;
	p2 =	por !p2, p0  }
0x20: {  	[sflag:s8] =	ssyncset.s32 @!p0 $0xFFFFF086;
	s6 =	sadd.s32 @!p0 s3, s7;
	s7 =	simm.s32 @!p0 $0x108  }
0x21: {  	s3 =	sadd.s32 s3, s9;
	s6 =	sadd.s32 @!p0 $0x88, s6;
	s7 =	simm.s32 @p2 $0x1082  }
0x22: {  	[simem:s7], [sflag:s8] =	dma.local @!p0 [hbm:s6], $0xF7A  }
0x23: {  	s9 =	sor.u32 $0xD0000000, s2;
	s6 =	simm.s32 $0x108;
	_ =	swait.ge @!p0 [sflag:s8], $0x0  }
0x24: {  	s3 =	sadd.s32 $0x88, s3;
	s6 =	simm.s32 @!p1 $0x1082;
	[sflag:s4] =	ssyncset.s32 $0xFFFFF086  }
0x25: {  	[simem:s6], [sflag:s4] =	dma.local [hbm:s3], $0xF7A  }
0x26: {  	[smem:$0x3F9D] =	sst s1;
	(tag) =	ssettag s2;
	_ =	strace s9  }
0x27: {  	s1 =	sld [smem:$0x3FAD]  }
0x28: {  	s2 =	sld [smem:$0x3FAE]  }
0x29: {  	s4 =	sld [smem:$0x3FB0]  }
0x2a: {  	p0 =	seq.s32 s5, $0x0;
	s5 =	sld [smem:$0x3FB1]  }
0x2b: {  	s6 =	sld [smem:$0x3FB2]  }
0x2c: {  	s7 =	sld [smem:$0x3FB3]  }
0x2d: {  	s3 =	simm.s32 $0x108;
	s8 =	sld [smem:$0x3FB4]  }
0x2e: {  	s3 =	simm.s32 @!p0 $0x1082;
	s9 =	sld [smem:$0x3FB5]  }
0x2f: {  	lr =	sadd.s32 s0, s3;
	s0 =	sld [smem:$0x3FAC]  }
0x30: {  	s3 =	sld [smem:$0x3FAF]  }
0x31: {  	[smem:$0x3FB8] =	sst s10  }
0x32: {  	s10 =	sld [smem:$0x3FB6];
	_ =	sdelay $0x3  }
0x33: {  	p0 =	seq.s32 s10, $0x1;
	s10 =	sld [smem:$0x3FB8];
	_ =	sdelay $0x3  }
0x34: {  	[smem:$0x3FB8] =	sst s10  }
0x35: {  	s10 =	sld [smem:$0x3FB7];
	_ =	sdelay $0x3  }
0x36: {  	p1 =	seq.s32 s10, $0x1;
	s10 =	sld [smem:$0x3FB8];
	_ =	sdelay $0x3  }
0x37: {  	[smem:$0x3FB8] =	sst s10  }
0x38: {  	s10 =	sld [smem:$0x3FB9]  }
0x39: {  	_ = 	snop;
	(pc) =	sbr.ind lr, $3  }
0x3a: {  	_ = 	snop  }
0x3b: {  	_ = 	snop  }
0x3c: {  	p2 =	seq.s32 s10, $0x1;
	s10 =	sld [smem:$0x3FB8]  }
0x3d: {  	_ =	shalt  }
0x3e: {  	_ =	shalt  }
0x3f: {  	_ =	shalt  }
0x40: {  	_ =	shalt  }
0x41: {  	_ =	shalt  }
0x42: {  	_ =	shalt  }
0x43: {  	_ =	shalt  }
0x44: {  	_ =	shalt  }
0x45: {  	_ =	shalt  }
0x46: {  	_ =	shalt  }
0x47: {  	_ =	shalt  }
0x48: {  	_ =	shalt  }
0x49: {  	_ =	shalt  }
0x4a: {  	_ =	shalt  }
0x4b: {  	_ =	shalt  }
0x4c: {  	_ =	shalt  }
0x4d: {  	_ =	shalt  }
0x4e: {  	_ =	shalt  }
0x4f: {  	_ =	shalt  }
0x50: {  	_ =	shalt  }
0x51: {  	_ =	shalt  }
0x52: {  	_ =	shalt  }
0x53: {  	_ =	shalt  }
0x54: {  	_ =	shalt  }
0x55: {  	_ =	shalt  }
0x56: {  	_ =	shalt  }
0x57: {  	_ =	shalt  }
0x58: {  	_ =	shalt  }
0x59: {  	_ =	shalt  }
0x5a: {  	_ =	shalt  }
0x5b: {  	_ =	shalt  }
0x5c: {  	_ =	shalt  }
0x5d: {  	_ =	shalt  }
0x5e: {  	_ =	shalt  }
0x5f: {  	_ =	shalt  }
0x60: {  	_ =	shalt  }
0x61: {  	_ =	shalt  }
0x62: {  	_ =	shalt  }
0x63: {  	_ =	shalt  }
0x64: {  	_ =	shalt  }
0x65: {  	_ =	shalt  }
0x66: {  	_ =	shalt  }
0x67: {  	_ =	shalt  }
0x68: {  	_ =	shalt  }
0x69: {  	_ =	shalt  }
0x6a: {  	_ =	shalt  }
0x6b: {  	_ =	shalt  }
0x6c: {  	_ =	shalt  }
0x6d: {  	_ =	shalt  }
0x6e: {  	_ =	shalt  }
0x6f: {  	_ =	shalt  }
0x70: {  	_ =	shalt  }
0x71: {  	_ =	shalt  }
0x72: {  	_ =	shalt  }
0x73: {  	_ =	shalt  }
0x74: {  	_ =	shalt  }
0x75: {  	_ =	shalt  }
0x76: {  	_ =	shalt  }
0x77: {  	_ =	shalt  }
0x78: {  	_ =	shalt  }
0x79: {  	_ =	shalt  }
0x7a: {  	_ =	shalt  }
0x7b: {  	_ =	shalt  }
0x7c: {  	_ =	shalt  }
0x7d: {  	_ =	shalt  }
0x7e: {  	_ =	shalt  }
0x7f: {  	_ =	shalt  }
0x80: {  	_ =	shalt  }
0x81: {  	_ =	shalt  }
0x82: {  	_ =	shalt  }
0x83: {  	_ =	shalt  }
0x84: {  	_ =	shalt  }
0x85: {  	_ =	shalt  }
0x86: {  	_ =	shalt  }
0x87: {  	_ =	shalt  }
.Lfunc_end0:
.L_simem_size_0:
called_computation_lowered:
.L_overlay_start_0:
0x88: {  	s2 =	sld [smem:$0x3FD9]  }
0x89: {  	s3 =	sld [smem:$0x3FFE];
	_ =	sdelay $0x1  }
0x8a: {  	s1 =	srdreg.scid  }
0x8b: {  	s0 =	sand.u32 $0x1, s1  }
0x8c: {  	s17 =	sshll.u32 s0, $0xA;
	s2 =	sadd.s32 s3, s2  }
0x8d: {  	s2 =	sadd.s32 s2, s17  }
0x8e: {  	[smem:$0x3FC4] =	sst s2  }
0x8f: {  	_ = 	snop  }
0x90: {  	s2 =	sld [smem:$0x3FD0];
	(tm) =	ssettm $0x1  }
0x91: {  	s18 =	sld [smem:$0x3FFB];
	_ =	sdelay $0x3  }
0x92: {  	_ =	strace s18  }
0x93: {  	s3 =	sld [smem:$0x3FFC];
	_ =	sdelay $0x3  }
0x94: {  	_ =	strace s3  }
0x95: {  	s3 =	sld [smem:$0x3FFD];
	_ =	sdelay $0x3  }
0x96: {  	_ =	strace s3  }
0x97: {  	_ =	strace $0x8FFFFFFF  }
0x98: {  	s19 =	sld [smem:$0x3FDB];
	_ =	sdelay $0x1  }
0x99: {  	s4 =	simm.s32 $_scs_section_size  }
0x9a: {  	s5 =	simm.s32 $_size__tile_overlayer_lowered;
	s6 =	simm.s32 $_tile_overlayer_lowered  }
0x9b: {  	s22 =	simm.s32 $0x1BFF;
	s21 =	sshll.u32 s6, $0x1;
	s3 =	sadd.s32 s4, s19  }
0x9c: {  	s7 =	simm.s32 $0x0;
	s20 =	sshll.u32 s5, $0x1;
	s5 =	sadd.s32 s21, s3  }
0x9d: {  	[timem:s7], [sflag:s22] =	dma.local [hbm:s5], s20  }
0x9e: {  	_ =	swait.ge [sflag:s22], s20  }
0x9f: {  	s4 =	ssub.s32 $0x0, s20;
	[sflag:s22] =	ssyncset.done $0x0  }
0xa0: {  	[sflag:s22] =	ssyncadd.s32 s4;
	_ =	sdelay $0x1  }
0xa1: {  	s23 =	simm.s32 $0x1B8B  }
0xa2: {  	_ =	swait.ge [sflag:s23], $0x1  }
0xa3: {  	[sflag:s23] =	ssyncset.done $0x0  }
0xa4: {  	s25 =	simm.s32 $0x1B8E;
	s24 =	sld [smem:$0x3FFE];
	[sflag:s23] =	ssyncadd.s32 $0xFFFFFFFF  }
0xa5: {  	s26 =	simm.s32 $execute0_lowered;
	[smem:$0x3FD2] =	sst s25  }
0xa6: {  	s5 =	sshll.u32 s26, $0x1;
	_ =	strace $0x80000046;
	[dreg:$0x1] =	wrdreg $0xFFFFFFFF  }
0xa7: {  	s28 =	simm.s32 $_size_execute0_lowered;
	s3 =	sadd.s32 s3, s5;
	[dreg:$0x0] =	wrdreg $0x0  }
0xa8: {  	s5 =	sshll.u32 s28, $0x1;
	[dreg:$0x2] =	wrdreg s3  }
0xa9: {  	[dreg:$0x3] =	wrdreg s5  }
0xaa: {  	[dreg:$0x4] =	wrdreg $0xC0  }
0xab: {  	_ =	task [dreg:s7], $0x5FFFF  }
0xac: {  	[dreg:$0x1] =	wrdreg $0xFFFFFFFF  }
0xad: {  	[dreg:$0x0] =	wrdreg $0x60  }
0xae: {  	[dreg:$0x2] =	wrdreg s24  }
0xaf: {  	[dreg:$0x3] =	wrdreg s2  }
0xb0: {  	[dreg:$0x4] =	wrdreg $0x9  }
0xb1: {  	_ =	task.clear_ibuf [dreg:s7], $0x5FFFF;
	_ =	strace $0x90000046  }
0xb2: {  	s29 =	simm.s32 $0x9;
	_ =	strace $0x80000048  }
0xb3: {  	_ =	swait.ge [sflag:s29], $0x1  }
0xb4: {  	[sflag:s29] =	ssyncadd.s32 $0xFFFFFFFF  }
0xb5: {  	_ =	strace $0x90000048  }
0xb6: {  	_ =	sfence  }
0xb7: {  	s30 =	sld [smem:$0x0];
	_ =	sdelay $0x2  }
0xb8: {  	s31 =	sshll.u32 s1, $0xD;
	s1 =	sshrl.u32 s1, $0x2  }
0xb9: {  	s3 =	sand.u32 $0x4000, s31;
	s1 =	sadd.s32 s1, s30  }
0xba: {  	s0 =	sor.u32 s3, s0;
	s1 =	sshll.u32 s1, $0x11  }
0xbb: {  	s0 =	sor.u32 s1, s0  }
0xbc: {  	s0 =	sadd.s32 $0x8F2B, s0  }
0xbd: {  	[sflag:s0] =	ssyncadd.remote.s32 $0x1  }
0xbe: {  	_ =	sfence.sel $0xFFFF  }
0xbf: {  	[dreg:$0x0] =	wrdreg $0xFFFFFFFF;
	(pc) =	sbr.abs _section_cstart, $3  }
0xc0: {  	[dreg:$0x1] =	wrdreg $0xFFFFFFFF  }
0xc1: {  	_ =	task.clear_ibuf [dreg:s7], $0x2FFFF;
	_ =	strace $0x9FFFFFFF  }
0xc2: {  	(tm) =	ssettm $0x7FFFFFFF  }
0xc3: {  	_ =	shalt  }
tec
execute0_lowered:
.L_overlay_start_1:
0x0: {  	(tag) =	ssettag $0x1  }
0x1: {  	s0 =	rddreg [dreg:$0x0];
	s1 =	srdreg.scid  }
0x2: {  	s2 =	stileid.u32;
	s7 =	rddreg [dreg:$0x1];
	s10 =	simm.s32 $0x2  }
0x3: {  	s11 =	simm.s32 $0x200;
	s12 =	simm.s32 $0x80;
	s20 =	simm.s32 $0x280  }
0x4: {  	s22 =	simm.s32 $0x300;
	s24 =	simm.s32 $0x380;
	s26 =	simm.s32 $0x400  }
0x5: {  	s29 =	simm.s32 $0x480;
	s31 =	simm.s32 $0x500;
	s14 =	simm.s32 $0x18600  }
0x6: {  	s18 =	simm.s32 $0x18800;
	s19 =	simm.s32 $0x18880;
	s21 =	simm.s32 $0x18900  }
0x7: {  	s23 =	simm.s32 $0x18980;
	s25 =	simm.s32 $0x1;
	s28 =	simm.s32 $0x18E00  }
0x8: {  	v16 =	vlaneseq.u32;
	s30 =	simm.s32 $0x18F00;
	s13 =	simm.s32 $0x0;
	s1 =	sand.u32 $0x1, s1  }
0x9: {  	s3 =	sshll.u32 s2, $0x1;
	s2 =	simm.s32 $0x0;
	s4 =	sadd.s32 $0xF43000, s0;
	v0 =	vmul.u32 $0x10, v16  }
0xa: {  	v16 =	vmul.u32 $0x2, v16;
	s5 =	sor.u32 s1, s3;
	[smem:$0x7FF] =	sst s2;
	s1 =	ssub.s32 $0x2, s1  }
0xb: {  	s3 =	sshll.u32 s5, $0x6;
	_ =	strace $0x80000047;
	s8 =	sshll.u32 s5, $0x7;
	v1 =	vor.u32 $0x1, v0;
	v2 =	vor.u32 $0x2, v0;
	v3 =	vor.u32 $0x3, v0  }
0xc: {  	s5 =	sadd.s32 $0xC00, s0;
	s9 =	sshrl.u32 s1, $0x1;
	v4 =	vor.u32 $0x4, v0;
	v5 =	vor.u32 $0x5, v0;
	v6 =	vor.u32 $0x6, v0;
	s6 =	sadd.s32 s3, s0  }
0xd: {  	v7 =	vor.u32 $0x7, v0;
	v8 =	vor.u32 $0x8, v0;
	v9 =	vor.u32 $0x9, v0;
	s3 =	sadd.s32 $0x16E4200, s0;
	s0 =	sadd.s32 s8, s0;
	s1 =	ssub.s32 s1, s9  }
0xe: {  	v10 =	vor.u32 $0xA, v0;
	v11 =	vor.u32 $0xB, v0;
	v12 =	vor.u32 $0xC, v0;
	s7 =	sadd.s32 s7, s8;
	s6 =	sadd.s32 $0x400, s6;
	s8 =	sadd.s32 $0x1F600, s0  }
0xf: {  	v13 =	vor.u32 $0xD, v0;
	v14 =	vor.u32 $0xE, v0;
	v15 =	vor.u32 $0xF, v0;
	s9 =	smax.u32 s1, $0x1;
	s0 =	simm.s32 $0x580;
	s1 =	simm.s32 $0x18A00  }
.LBB2_1:
0x10: {  	[tilespmem:s2], [sflag:$0x2] =	stream.linear.gather [hbm4b:s6+s2], $0x200, $0x38;
	[tilespmem:$0x19000] =	vst v63  }
0x11: {  	_ =	swait.ge [sflag:s10], $0x200  }
0x12: {  	[sflag:s10] =	ssyncset.done $0x0  }
0x13: {  	[sflag:s10] =	ssyncadd.s32 $0xFFFFFE00  }
0x14: {  	[tilespmem:s11], [sflag:$0x2] =	stream.linear.gather [hbm4b:s7+s2], $0x400, $0x38;
	[tilespmem:$0x19000] =	vst v63  }
0x15: {  	_ =	swait.ge [sflag:s10], $0x400  }
0x16: {  	[sflag:s10] =	ssyncset.done $0x0  }
0x17: {  	s15 =	simm.s32 $0x600;
	[sflag:s10] =	ssyncadd.s32 $0xFFFFFC00  }
0x18: {  	[tilespmem:s15], [sflag:$0x1] =	stream.indirect.gather [hbm4b:s3+s12], $0x40, s2, s12, $0xb8;
	[tilespmem:$0x19000] =	vst v63  }
0x19: {  	s16 =	simm.s32 $0x2600  }
0x1a: {  	[tilespmem:s16], [sflag:$0x1] =	stream.indirect.gather [hbm4b:s3+s12], $0x40, s12, s12, $0xb8;
	[tilespmem:$0x19000] =	vst v63  }
0x1b: {  	s17 =	simm.s32 $0x100;
	s16 =	simm.s32 $0x4600  }
0x1c: {  	[tilespmem:s16], [sflag:$0x1] =	stream.indirect.gather [hbm4b:s3+s12], $0x40, s17, s12, $0xb8;
	[tilespmem:$0x19000] =	vst v63  }
0x1d: {  	s16 =	simm.s32 $0x180;
	s17 =	simm.s32 $0x6600  }
0x1e: {  	[tilespmem:s17], [sflag:$0x1] =	stream.indirect.gather [hbm4b:s3+s12], $0x40, s16, s12, $0xb8;
	[tilespmem:$0x19000] =	vst v63  }
0x1f: {  	s17 =	simm.s32 $0x8600  }
0x20: {  	[tilespmem:s17], [sflag:$0x1] =	stream.indirect.gather [hbm4b:s4+s12], $0x40, s11, s12, $0xb8;
	[tilespmem:$0x19000] =	vst v63  }
0x21: {  	s16 =	simm.s32 $0xA600  }
0x22: {  	[tilespmem:s16], [sflag:$0x1] =	stream.indirect.gather [hbm4b:s4+s12], $0x40, s20, s12, $0xb8;
	[tilespmem:$0x19000] =	vst v63  }
0x23: {  	s17 =	simm.s32 $0xC600  }
0x24: {  	[tilespmem:s17], [sflag:$0x1] =	stream.indirect.gather [hbm4b:s4+s12], $0x40, s22, s12, $0xb8;
	[tilespmem:$0x19000] =	vst v63  }
0x25: {  	s16 =	simm.s32 $0xE600  }
0x26: {  	[tilespmem:s16], [sflag:$0x1] =	stream.indirect.gather [hbm4b:s4+s12], $0x40, s24, s12, $0xb8;
	[tilespmem:$0x19000] =	vst v63  }
0x27: {  	s17 =	simm.s32 $0x10600  }
0x28: {  	[tilespmem:s17], [sflag:$0x1] =	stream.indirect.gather [hbm4b:s4+s12], $0x40, s26, s12, $0xb8;
	[tilespmem:$0x19000] =	vst v63  }
0x29: {  	s16 =	simm.s32 $0x12600  }
0x2a: {  	[tilespmem:s16], [sflag:$0x1] =	stream.indirect.gather [hbm4b:s4+s12], $0x40, s29, s12, $0xb8;
	[tilespmem:$0x19000] =	vst v63  }
0x2b: {  	s17 =	simm.s32 $0x14600  }
0x2c: {  	[tilespmem:s17], [sflag:$0x1] =	stream.indirect.gather [hbm4b:s4+s12], $0x40, s31, s12, $0xb8;
	[tilespmem:$0x19000] =	vst v63  }
0x2d: {  	s16 =	simm.s32 $0x16600  }
0x2e: {  	[tilespmem:s16], [sflag:$0x1] =	stream.indirect.gather [hbm4b:s4+s12], $0x40, s0, s12, $0xb8;
	[tilespmem:$0x19000] =	vst v63  }
0x2f: {  	_ = 	snop  }
0x30: {  	[tilespmem:s14], [sflag:$0x1] =	stream.indirect.gather [hbm4b:s5+s12], $0x1, s11, s12, $0xb8;
	[tilespmem:$0x19000] =	vst v63  }
0x31: {  	s17 =	simm.s32 $0x18680  }
0x32: {  	[tilespmem:s17], [sflag:$0x1] =	stream.indirect.gather [hbm4b:s5+s12], $0x1, s20, s12, $0xb8;
	[tilespmem:$0x19000] =	vst v63  }
0x33: {  	s16 =	simm.s32 $0x18700  }
0x34: {  	[tilespmem:s16], [sflag:$0x1] =	stream.indirect.gather [hbm4b:s5+s12], $0x1, s22, s12, $0xb8;
	[tilespmem:$0x19000] =	vst v63  }
0x35: {  	s17 =	simm.s32 $0x18780  }
0x36: {  	[tilespmem:s17], [sflag:$0x1] =	stream.indirect.gather [hbm4b:s5+s12], $0x1, s24, s12, $0xb8;
	[tilespmem:$0x19000] =	vst v63  }
0x37: {  	_ = 	snop  }
0x38: {  	[tilespmem:s18], [sflag:$0x1] =	stream.indirect.gather [hbm4b:s5+s12], $0x1, s26, s12, $0xb8;
	[tilespmem:$0x19000] =	vst v63  }
0x39: {  	_ = 	snop  }
0x3a: {  	[tilespmem:s19], [sflag:$0x1] =	stream.indirect.gather [hbm4b:s5+s12], $0x1, s29, s12, $0xb8;
	[tilespmem:$0x19000] =	vst v63  }
0x3b: {  	_ = 	snop  }
0x3c: {  	[tilespmem:s21], [sflag:$0x1] =	stream.indirect.gather [hbm4b:s5+s12], $0x1, s31, s12, $0xb8;
	[tilespmem:$0x19000] =	vst v63  }
0x3d: {  	_ = 	snop  }
0x3e: {  	[tilespmem:s23], [sflag:$0x1] =	stream.indirect.gather [hbm4b:s5+s12], $0x1, s0, s12, $0xb8;
	[tilespmem:$0x19000] =	vst v63  }
0x3f: {  	_ =	swait.ge [sflag:s25], $0x2000  }
0x40: {  	[sflag:s25] =	ssyncset.done $0x0  }
0x41: {  	[sflag:s25] =	ssyncadd.s32 $0xFFFFE000  }
0x42: {  	_ =	swait.ge [sflag:s25], $0x2000  }
0x43: {  	[sflag:s25] =	ssyncset.done $0x0  }
0x44: {  	[sflag:s25] =	ssyncadd.s32 $0xFFFFE000  }
0x45: {  	_ =	swait.ge [sflag:s25], $0x2000  }
0x46: {  	[sflag:s25] =	ssyncset.done $0x0  }
0x47: {  	[sflag:s25] =	ssyncadd.s32 $0xFFFFE000  }
0x48: {  	_ =	swait.ge [sflag:s25], $0x2000  }
0x49: {  	[sflag:s25] =	ssyncset.done $0x0  }
0x4a: {  	[sflag:s25] =	ssyncadd.s32 $0xFFFFE000  }
0x4b: {  	_ =	swait.ge [sflag:s25], $0x2000  }
0x4c: {  	[sflag:s25] =	ssyncset.done $0x0  }
0x4d: {  	[sflag:s25] =	ssyncadd.s32 $0xFFFFE000  }
0x4e: {  	_ =	swait.ge [sflag:s25], $0x2000  }
0x4f: {  	[sflag:s25] =	ssyncset.done $0x0  }
0x50: {  	[sflag:s25] =	ssyncadd.s32 $0xFFFFE000  }
0x51: {  	_ =	swait.ge [sflag:s25], $0x2000  }
0x52: {  	[sflag:s25] =	ssyncset.done $0x0  }
0x53: {  	[sflag:s25] =	ssyncadd.s32 $0xFFFFE000  }
0x54: {  	_ =	swait.ge [sflag:s25], $0x2000  }
0x55: {  	[sflag:s25] =	ssyncset.done $0x0  }
0x56: {  	[sflag:s25] =	ssyncadd.s32 $0xFFFFE000  }
0x57: {  	_ =	swait.ge [sflag:s25], $0x2000  }
0x58: {  	[sflag:s25] =	ssyncset.done $0x0  }
0x59: {  	[sflag:s25] =	ssyncadd.s32 $0xFFFFE000  }
0x5a: {  	_ =	swait.ge [sflag:s25], $0x2000  }
0x5b: {  	[sflag:s25] =	ssyncset.done $0x0  }
0x5c: {  	[sflag:s25] =	ssyncadd.s32 $0xFFFFE000  }
0x5d: {  	_ =	swait.ge [sflag:s25], $0x2000  }
0x5e: {  	[sflag:s25] =	ssyncset.done $0x0  }
0x5f: {  	[sflag:s25] =	ssyncadd.s32 $0xFFFFE000  }
0x60: {  	_ =	swait.ge [sflag:s25], $0x2000  }
0x61: {  	[sflag:s25] =	ssyncset.done $0x0  }
0x62: {  	[sflag:s25] =	ssyncadd.s32 $0xFFFFE000  }
0x63: {  	_ =	swait.ge [sflag:s25], $0x80  }
0x64: {  	[sflag:s25] =	ssyncset.done $0x0  }
0x65: {  	[sflag:s25] =	ssyncadd.s32 $0xFFFFFF80  }
0x66: {  	_ =	swait.ge [sflag:s25], $0x80  }
0x67: {  	[sflag:s25] =	ssyncset.done $0x0  }
0x68: {  	[sflag:s25] =	ssyncadd.s32 $0xFFFFFF80  }
0x69: {  	_ =	swait.ge [sflag:s25], $0x80  }
0x6a: {  	[sflag:s25] =	ssyncset.done $0x0  }
0x6b: {  	[sflag:s25] =	ssyncadd.s32 $0xFFFFFF80  }
0x6c: {  	_ =	swait.ge [sflag:s25], $0x80  }
0x6d: {  	[sflag:s25] =	ssyncset.done $0x0  }
0x6e: {  	[sflag:s25] =	ssyncadd.s32 $0xFFFFFF80  }
0x6f: {  	_ =	swait.ge [sflag:s25], $0x80  }
0x70: {  	[sflag:s25] =	ssyncset.done $0x0  }
0x71: {  	[sflag:s25] =	ssyncadd.s32 $0xFFFFFF80  }
0x72: {  	_ =	swait.ge [sflag:s25], $0x80  }
0x73: {  	[sflag:s25] =	ssyncset.done $0x0  }
0x74: {  	[sflag:s25] =	ssyncadd.s32 $0xFFFFFF80  }
0x75: {  	_ =	swait.ge [sflag:s25], $0x80  }
0x76: {  	[sflag:s25] =	ssyncset.done $0x0  }
0x77: {  	[sflag:s25] =	ssyncadd.s32 $0xFFFFFF80  }
0x78: {  	_ =	swait.ge [sflag:s25], $0x80  }
0x79: {  	s15 =	simm.s32 $0x800;
	[sflag:s25] =	ssyncset.done $0x0  }
0x7a: {  	s16 =	simm.s32 $0x8A00;
	s17 =	simm.s32 $0x0;
	[sflag:s25] =	ssyncadd.s32 $0xFFFFFF80  }
.LBB2_2:
0x7b: {  	v17 =	vld [tilespmem:s15+$0xFFFFFE00]  }
0x7c: {  	v18 =	vld [tilespmem:s16+$0xFFFFFC00]  }
0x7d: {  	v19 =	vld [tilespmem:s16+$0xFFFFFC40]  }
0x7e: {  	v20 =	vld [tilespmem:s15+$0xFFFFFE10]  }
0x7f: {  	v21 =	vld [tilespmem:s16+$0xFFFFFC10]  }
0x80: {  	v22 =	vld [tilespmem:s16+$0xFFFFFC50]  }
0x81: {  	v23 =	vld [tilespmem:s15+$0xFFFFFE20]  }
0x82: {  	v24 =	vld [tilespmem:s16+$0xFFFFFC20]  }
0x83: {  	v25 =	vld [tilespmem:s16+$0xFFFFFC60]  }
0x84: {  	v26 =	vld [tilespmem:s15+$0xFFFFFE30]  }
0x85: {  	v27 =	vld [tilespmem:s16+$0xFFFFFC30]  }
0x86: {  	v28 =	vld [tilespmem:s16+$0xFFFFFC70];
	v18 =	vmul.f32 v18, v17;
	v21 =	vmul.f32 v21, v20  }
0x87: {  	v17 =	vmul.f32 v19, v17;
	v19 =	vmul.f32 v22, v20  }
0x88: {  	v39 =	vmul.f32 v24, v23;
	v18 =	vadd.f32 v21, v18  }
0x89: {  	v17 =	vadd.f32 v19, v17;
	v19 =	vmul.f32 v25, v23  }
0x8a: {  	v40 =	vmul.f32 v27, v26;
	v18 =	vadd.f32 v39, v18  }
0x8b: {  	v17 =	vadd.f32 v19, v17;
	v19 =	vmul.f32 v28, v26  }
0x8c: {  	v18 =	vadd.f32 v40, v18  }
0x8d: {  	v17 =	vadd.f32 v19, v17  }
0x8e: {  	[tilespmem:$0x18E00] =	vst v18  }
0x8f: {  	[tilespmem:$0x18F00] =	vst v17  }
0x90: {  	v17 =	vld [tilespmem:s15+$0xFFFFFE40]  }
0x91: {  	v18 =	vld [tilespmem:s16+$0xFFFFFC80]  }
0x92: {  	v19 =	vld [tilespmem:s16+$0xFFFFFCC0]  }
0x93: {  	v41 =	vld [tilespmem:s15+$0xFFFFFE50]  }
0x94: {  	v42 =	vld [tilespmem:s16+$0xFFFFFC90]  }
0x95: {  	v43 =	vld [tilespmem:s16+$0xFFFFFCD0]  }
0x96: {  	v44 =	vld [tilespmem:s15+$0xFFFFFE60]  }
0x97: {  	v45 =	vld [tilespmem:s16+$0xFFFFFCA0]  }
0x98: {  	v46 =	vld [tilespmem:s16+$0xFFFFFCE0]  }
0x99: {  	v47 =	vld [tilespmem:s15+$0xFFFFFE70]  }
0x9a: {  	v48 =	vld [tilespmem:s16+$0xFFFFFCB0]  }
0x9b: {  	v49 =	vld [tilespmem:s16+$0xFFFFFCF0];
	v18 =	vmul.f32 v18, v17;
	v21 =	vmul.f32 v42, v41  }
0x9c: {  	v17 =	vmul.f32 v19, v17;
	v19 =	vmul.f32 v43, v41  }
0x9d: {  	v50 =	vmul.f32 v45, v44;
	v18 =	vadd.f32 v21, v18  }
0x9e: {  	v17 =	vadd.f32 v19, v17;
	v19 =	vmul.f32 v46, v44  }
0x9f: {  	v51 =	vmul.f32 v48, v47;
	v18 =	vadd.f32 v50, v18  }
0xa0: {  	v17 =	vadd.f32 v19, v17;
	v19 =	vmul.f32 v49, v47  }
0xa1: {  	v18 =	vadd.f32 v51, v18  }
0xa2: {  	v17 =	vadd.f32 v19, v17  }
0xa3: {  	[tilespmem:$0x18E10] =	vst v18  }
0xa4: {  	[tilespmem:$0x18F10] =	vst v17  }
0xa5: {  	v17 =	vld [tilespmem:s15+$0xFFFFFE80]  }
0xa6: {  	v18 =	vld [tilespmem:s16+$0xFFFFFD00]  }
0xa7: {  	v19 =	vld [tilespmem:s16+$0xFFFFFD40]  }
0xa8: {  	v52 =	vld [tilespmem:s15+$0xFFFFFE90]  }
0xa9: {  	v53 =	vld [tilespmem:s16+$0xFFFFFD10]  }
0xaa: {  	v54 =	vld [tilespmem:s16+$0xFFFFFD50]  }
0xab: {  	v55 =	vld [tilespmem:s15+$0xFFFFFEA0]  }
0xac: {  	v56 =	vld [tilespmem:s16+$0xFFFFFD20]  }
0xad: {  	v57 =	vld [tilespmem:s16+$0xFFFFFD60]  }
0xae: {  	v58 =	vld [tilespmem:s15+$0xFFFFFEB0]  }
0xaf: {  	v59 =	vld [tilespmem:s16+$0xFFFFFD30]  }
0xb0: {  	v60 =	vld [tilespmem:s16+$0xFFFFFD70];
	v18 =	vmul.f32 v18, v17;
	v21 =	vmul.f32 v53, v52  }
0xb1: {  	v17 =	vmul.f32 v19, v17;
	v19 =	vmul.f32 v54, v52  }
0xb2: {  	v61 =	vmul.f32 v56, v55;
	v18 =	vadd.f32 v21, v18  }
0xb3: {  	v17 =	vadd.f32 v19, v17;
	v19 =	vmul.f32 v57, v55  }
0xb4: {  	v62 =	vmul.f32 v59, v58;
	v18 =	vadd.f32 v61, v18  }
0xb5: {  	v17 =	vadd.f32 v19, v17;
	v19 =	vmul.f32 v60, v58  }
0xb6: {  	v18 =	vadd.f32 v62, v18  }
0xb7: {  	v17 =	vadd.f32 v19, v17  }
0xb8: {  	[tilespmem:$0x18E20] =	vst v18  }
0xb9: {  	[tilespmem:$0x18F20] =	vst v17  }
0xba: {  	v17 =	vld [tilespmem:s15+$0xFFFFFEC0]  }
0xbb: {  	v18 =	vld [tilespmem:s16+$0xFFFFFD80]  }
0xbc: {  	v19 =	vld [tilespmem:s16+$0xFFFFFDC0]  }
0xbd: {  	v63 =	vld [tilespmem:s15+$0xFFFFFED0]  }
0xbe: {  	v31 =	vld [tilespmem:s16+$0xFFFFFD90]  }
0xbf: {  	v32 =	vld [tilespmem:s16+$0xFFFFFDD0]  }
0xc0: {  	v33 =	vld [tilespmem:s15+$0xFFFFFEE0]  }
0xc1: {  	v34 =	vld [tilespmem:s16+$0xFFFFFDA0]  }
0xc2: {  	v35 =	vld [tilespmem:s16+$0xFFFFFDE0]  }
0xc3: {  	v36 =	vld [tilespmem:s15+$0xFFFFFEF0]  }
0xc4: {  	v37 =	vld [tilespmem:s16+$0xFFFFFDB0]  }
0xc5: {  	v38 =	vld [tilespmem:s16+$0xFFFFFDF0];
	v18 =	vmul.f32 v18, v17;
	v21 =	vmul.f32 v31, v63  }
0xc6: {  	v17 =	vmul.f32 v19, v17;
	v19 =	vmul.f32 v32, v63  }
0xc7: {  	v39 =	vmul.f32 v34, v33;
	v18 =	vadd.f32 v21, v18  }
0xc8: {  	v17 =	vadd.f32 v19, v17;
	v19 =	vmul.f32 v35, v33  }
0xc9: {  	v40 =	vmul.f32 v37, v36;
	v18 =	vadd.f32 v39, v18  }
0xca: {  	v17 =	vadd.f32 v19, v17;
	v19 =	vmul.f32 v38, v36  }
0xcb: {  	v18 =	vadd.f32 v40, v18  }
0xcc: {  	v17 =	vadd.f32 v19, v17  }
0xcd: {  	[tilespmem:$0x18E30] =	vst v18  }
0xce: {  	[tilespmem:$0x18F30] =	vst v17  }
0xcf: {  	v17 =	vld [tilespmem:s15+$0xFFFFFF00]  }
0xd0: {  	v18 =	vld [tilespmem:s16+$0xFFFFFE00]  }
0xd1: {  	v19 =	vld [tilespmem:s16+$0xFFFFFE40]  }
0xd2: {  	v41 =	vld [tilespmem:s15+$0xFFFFFF10]  }
0xd3: {  	v42 =	vld [tilespmem:s16+$0xFFFFFE10]  }
0xd4: {  	v43 =	vld [tilespmem:s16+$0xFFFFFE50]  }
0xd5: {  	v44 =	vld [tilespmem:s15+$0xFFFFFF20]  }
0xd6: {  	v45 =	vld [tilespmem:s16+$0xFFFFFE20]  }
0xd7: {  	v46 =	vld [tilespmem:s16+$0xFFFFFE60]  }
0xd8: {  	v47 =	vld [tilespmem:s15+$0xFFFFFF30]  }
0xd9: {  	v48 =	vld [tilespmem:s16+$0xFFFFFE30]  }
0xda: {  	v49 =	vld [tilespmem:s16+$0xFFFFFE70];
	v18 =	vmul.f32 v18, v17;
	v21 =	vmul.f32 v42, v41  }
0xdb: {  	v17 =	vmul.f32 v19, v17;
	v19 =	vmul.f32 v43, v41  }
0xdc: {  	v50 =	vmul.f32 v45, v44;
	v18 =	vadd.f32 v21, v18  }
0xdd: {  	v17 =	vadd.f32 v19, v17;
	v19 =	vmul.f32 v46, v44  }
0xde: {  	v51 =	vmul.f32 v48, v47;
	v18 =	vadd.f32 v50, v18  }
0xdf: {  	v17 =	vadd.f32 v19, v17;
	v19 =	vmul.f32 v49, v47  }
0xe0: {  	v18 =	vadd.f32 v51, v18  }
0xe1: {  	v17 =	vadd.f32 v19, v17  }
0xe2: {  	[tilespmem:$0x18E40] =	vst v18  }
0xe3: {  	[tilespmem:$0x18F40] =	vst v17  }
0xe4: {  	v17 =	vld [tilespmem:s15+$0xFFFFFF40]  }
0xe5: {  	v18 =	vld [tilespmem:s16+$0xFFFFFE80]  }
0xe6: {  	v19 =	vld [tilespmem:s16+$0xFFFFFEC0]  }
0xe7: {  	v52 =	vld [tilespmem:s15+$0xFFFFFF50]  }
0xe8: {  	v53 =	vld [tilespmem:s16+$0xFFFFFE90]  }
0xe9: {  	v54 =	vld [tilespmem:s16+$0xFFFFFED0]  }
0xea: {  	v55 =	vld [tilespmem:s15+$0xFFFFFF60]  }
0xeb: {  	v56 =	vld [tilespmem:s16+$0xFFFFFEA0]  }
0xec: {  	v57 =	vld [tilespmem:s16+$0xFFFFFEE0]  }
0xed: {  	v58 =	vld [tilespmem:s15+$0xFFFFFF70]  }
0xee: {  	v59 =	vld [tilespmem:s16+$0xFFFFFEB0]  }
0xef: {  	v60 =	vld [tilespmem:s16+$0xFFFFFEF0];
	v18 =	vmul.f32 v18, v17;
	v21 =	vmul.f32 v53, v52  }
0xf0: {  	v17 =	vmul.f32 v19, v17;
	v19 =	vmul.f32 v54, v52  }
0xf1: {  	v61 =	vmul.f32 v56, v55;
	v18 =	vadd.f32 v21, v18  }
0xf2: {  	v17 =	vadd.f32 v19, v17;
	v19 =	vmul.f32 v57, v55  }
0xf3: {  	v62 =	vmul.f32 v59, v58;
	v18 =	vadd.f32 v61, v18  }
0xf4: {  	v17 =	vadd.f32 v19, v17;
	v19 =	vmul.f32 v60, v58  }
0xf5: {  	v18 =	vadd.f32 v62, v18  }
0xf6: {  	v17 =	vadd.f32 v19, v17  }
0xf7: {  	[tilespmem:$0x18E50] =	vst v18  }
0xf8: {  	[tilespmem:$0x18F50] =	vst v17  }
0xf9: {  	v17 =	vld [tilespmem:s15+$0xFFFFFF80]  }
0xfa: {  	v18 =	vld [tilespmem:s16+$0xFFFFFF00]  }
0xfb: {  	v19 =	vld [tilespmem:s16+$0xFFFFFF40]  }
0xfc: {  	v63 =	vld [tilespmem:s15+$0xFFFFFF90]  }
0xfd: {  	v31 =	vld [tilespmem:s16+$0xFFFFFF10]  }
0xfe: {  	v32 =	vld [tilespmem:s16+$0xFFFFFF50]  }
0xff: {  	v33 =	vld [tilespmem:s15+$0xFFFFFFA0]  }
0x100: {  	v34 =	vld [tilespmem:s16+$0xFFFFFF20]  }
0x101: {  	v35 =	vld [tilespmem:s16+$0xFFFFFF60]  }
0x102: {  	v36 =	vld [tilespmem:s15+$0xFFFFFFB0]  }
0x103: {  	v37 =	vld [tilespmem:s16+$0xFFFFFF30]  }
0x104: {  	v38 =	vld [tilespmem:s16+$0xFFFFFF70];
	v18 =	vmul.f32 v18, v17;
	v21 =	vmul.f32 v31, v63  }
0x105: {  	v17 =	vmul.f32 v19, v17;
	v19 =	vmul.f32 v32, v63  }
0x106: {  	v39 =	vmul.f32 v34, v33;
	v18 =	vadd.f32 v21, v18  }
0x107: {  	v17 =	vadd.f32 v19, v17;
	v19 =	vmul.f32 v35, v33  }
0x108: {  	v40 =	vmul.f32 v37, v36;
	v18 =	vadd.f32 v39, v18  }
0x109: {  	v17 =	vadd.f32 v19, v17;
	v19 =	vmul.f32 v38, v36  }
0x10a: {  	v18 =	vadd.f32 v40, v18  }
0x10b: {  	v17 =	vadd.f32 v19, v17  }
0x10c: {  	[tilespmem:$0x18E60] =	vst v18  }
0x10d: {  	[tilespmem:$0x18F60] =	vst v17  }
0x10e: {  	v17 =	vld [tilespmem:s15+$0xFFFFFFC0]  }
0x10f: {  	v18 =	vld [tilespmem:s16+$0xFFFFFF80]  }
0x110: {  	v19 =	vld [tilespmem:s16+$0xFFFFFFC0]  }
0x111: {  	v41 =	vld [tilespmem:s15+$0xFFFFFFD0]  }
0x112: {  	v42 =	vld [tilespmem:s16+$0xFFFFFF90]  }
0x113: {  	v43 =	vld [tilespmem:s16+$0xFFFFFFD0]  }
0x114: {  	v44 =	vld [tilespmem:s15+$0xFFFFFFE0]  }
0x115: {  	v45 =	vld [tilespmem:s16+$0xFFFFFFA0]  }
0x116: {  	v46 =	vld [tilespmem:s16+$0xFFFFFFE0]  }
0x117: {  	v47 =	vld [tilespmem:s15+$0xFFFFFFF0]  }
0x118: {  	v48 =	vld [tilespmem:s16+$0xFFFFFFB0]  }
0x119: {  	v49 =	vld [tilespmem:s16+$0xFFFFFFF0];
	v18 =	vmul.f32 v18, v17;
	v21 =	vmul.f32 v42, v41  }
0x11a: {  	v17 =	vmul.f32 v19, v17;
	v19 =	vmul.f32 v43, v41  }
0x11b: {  	v50 =	vmul.f32 v45, v44;
	v18 =	vadd.f32 v21, v18  }
0x11c: {  	v17 =	vadd.f32 v19, v17;
	v19 =	vmul.f32 v46, v44  }
0x11d: {  	v51 =	vmul.f32 v48, v47;
	v18 =	vadd.f32 v50, v18  }
0x11e: {  	v17 =	vadd.f32 v19, v17;
	v19 =	vmul.f32 v49, v47  }
0x11f: {  	v18 =	vadd.f32 v51, v18  }
0x120: {  	v17 =	vadd.f32 v19, v17  }
0x121: {  	[tilespmem:$0x18E70] =	vst v18  }
0x122: {  	[tilespmem:$0x18F70] =	vst v17  }
0x123: {  	v17 =	vld [tilespmem:s15+$0x0]  }
0x124: {  	v18 =	vld [tilespmem:s16+$0x0]  }
0x125: {  	v19 =	vld [tilespmem:s16+$0x40]  }
0x126: {  	v52 =	vld [tilespmem:s15+$0x10]  }
0x127: {  	v53 =	vld [tilespmem:s16+$0x10]  }
0x128: {  	v54 =	vld [tilespmem:s16+$0x50]  }
0x129: {  	v55 =	vld [tilespmem:s15+$0x20]  }
0x12a: {  	v56 =	vld [tilespmem:s16+$0x20]  }
0x12b: {  	v57 =	vld [tilespmem:s16+$0x60]  }
0x12c: {  	v58 =	vld [tilespmem:s15+$0x30]  }
0x12d: {  	v59 =	vld [tilespmem:s16+$0x30]  }
0x12e: {  	v60 =	vld [tilespmem:s16+$0x70];
	v18 =	vmul.f32 v18, v17;
	v21 =	vmul.f32 v53, v52  }
0x12f: {  	v17 =	vmul.f32 v19, v17;
	v19 =	vmul.f32 v54, v52  }
0x130: {  	v61 =	vmul.f32 v56, v55;
	v18 =	vadd.f32 v21, v18  }
0x131: {  	v17 =	vadd.f32 v19, v17;
	v19 =	vmul.f32 v57, v55  }
0x132: {  	v62 =	vmul.f32 v59, v58;
	v18 =	vadd.f32 v61, v18  }
0x133: {  	v17 =	vadd.f32 v19, v17;
	v19 =	vmul.f32 v60, v58  }
0x134: {  	v18 =	vadd.f32 v62, v18  }
0x135: {  	v17 =	vadd.f32 v19, v17  }
0x136: {  	[tilespmem:$0x18E80] =	vst v18  }
0x137: {  	[tilespmem:$0x18F80] =	vst v17  }
0x138: {  	v17 =	vld [tilespmem:s15+$0x40]  }
0x139: {  	v18 =	vld [tilespmem:s16+$0x80]  }
0x13a: {  	v19 =	vld [tilespmem:s16+$0xC0]  }
0x13b: {  	v63 =	vld [tilespmem:s15+$0x50]  }
0x13c: {  	v31 =	vld [tilespmem:s16+$0x90]  }
0x13d: {  	v32 =	vld [tilespmem:s16+$0xD0]  }
0x13e: {  	v33 =	vld [tilespmem:s15+$0x60]  }
0x13f: {  	v34 =	vld [tilespmem:s16+$0xA0]  }
0x140: {  	v35 =	vld [tilespmem:s16+$0xE0]  }
0x141: {  	v36 =	vld [tilespmem:s15+$0x70]  }
0x142: {  	v37 =	vld [tilespmem:s16+$0xB0]  }
0x143: {  	v38 =	vld [tilespmem:s16+$0xF0];
	v18 =	vmul.f32 v18, v17;
	v21 =	vmul.f32 v31, v63  }
0x144: {  	v17 =	vmul.f32 v19, v17;
	v19 =	vmul.f32 v32, v63  }
0x145: {  	v39 =	vmul.f32 v34, v33;
	v18 =	vadd.f32 v21, v18  }
0x146: {  	v17 =	vadd.f32 v19, v17;
	v19 =	vmul.f32 v35, v33  }
0x147: {  	v40 =	vmul.f32 v37, v36;
	v18 =	vadd.f32 v39, v18  }
0x148: {  	v17 =	vadd.f32 v19, v17;
	v19 =	vmul.f32 v38, v36  }
0x149: {  	v18 =	vadd.f32 v40, v18  }
0x14a: {  	v17 =	vadd.f32 v19, v17  }
0x14b: {  	[tilespmem:$0x18E90] =	vst v18  }
0x14c: {  	[tilespmem:$0x18F90] =	vst v17  }
0x14d: {  	v17 =	vld [tilespmem:s15+$0x80]  }
0x14e: {  	v18 =	vld [tilespmem:s16+$0x100]  }
0x14f: {  	v19 =	vld [tilespmem:s16+$0x140]  }
0x150: {  	v41 =	vld [tilespmem:s15+$0x90]  }
0x151: {  	v42 =	vld [tilespmem:s16+$0x110]  }
0x152: {  	v43 =	vld [tilespmem:s16+$0x150]  }
0x153: {  	v44 =	vld [tilespmem:s15+$0xA0]  }
0x154: {  	v45 =	vld [tilespmem:s16+$0x120]  }
0x155: {  	v46 =	vld [tilespmem:s16+$0x160]  }
0x156: {  	v47 =	vld [tilespmem:s15+$0xB0]  }
0x157: {  	v48 =	vld [tilespmem:s16+$0x130]  }
0x158: {  	v49 =	vld [tilespmem:s16+$0x170];
	v18 =	vmul.f32 v18, v17;
	v21 =	vmul.f32 v42, v41  }
0x159: {  	v17 =	vmul.f32 v19, v17;
	v19 =	vmul.f32 v43, v41  }
0x15a: {  	v50 =	vmul.f32 v45, v44;
	v18 =	vadd.f32 v21, v18  }
0x15b: {  	v17 =	vadd.f32 v19, v17;
	v19 =	vmul.f32 v46, v44  }
0x15c: {  	v51 =	vmul.f32 v48, v47;
	v18 =	vadd.f32 v50, v18  }
0x15d: {  	v17 =	vadd.f32 v19, v17;
	v19 =	vmul.f32 v49, v47  }
0x15e: {  	v18 =	vadd.f32 v51, v18  }
0x15f: {  	v17 =	vadd.f32 v19, v17  }
0x160: {  	[tilespmem:$0x18EA0] =	vst v18  }
0x161: {  	[tilespmem:$0x18FA0] =	vst v17  }
0x162: {  	v17 =	vld [tilespmem:s15+$0xC0]  }
0x163: {  	v18 =	vld [tilespmem:s16+$0x180]  }
0x164: {  	v19 =	vld [tilespmem:s16+$0x1C0]  }
0x165: {  	v52 =	vld [tilespmem:s15+$0xD0]  }
0x166: {  	v53 =	vld [tilespmem:s16+$0x190]  }
0x167: {  	v54 =	vld [tilespmem:s16+$0x1D0]  }
0x168: {  	v55 =	vld [tilespmem:s15+$0xE0]  }
0x169: {  	v56 =	vld [tilespmem:s16+$0x1A0]  }
0x16a: {  	v57 =	vld [tilespmem:s16+$0x1E0]  }
0x16b: {  	v58 =	vld [tilespmem:s15+$0xF0]  }
0x16c: {  	v59 =	vld [tilespmem:s16+$0x1B0]  }
0x16d: {  	v60 =	vld [tilespmem:s16+$0x1F0];
	v18 =	vmul.f32 v18, v17;
	v21 =	vmul.f32 v53, v52  }
0x16e: {  	v17 =	vmul.f32 v19, v17;
	v19 =	vmul.f32 v54, v52  }
0x16f: {  	v61 =	vmul.f32 v56, v55;
	v18 =	vadd.f32 v21, v18  }
0x170: {  	v17 =	vadd.f32 v19, v17;
	v19 =	vmul.f32 v57, v55  }
0x171: {  	v62 =	vmul.f32 v59, v58;
	v18 =	vadd.f32 v61, v18  }
0x172: {  	v17 =	vadd.f32 v19, v17;
	v19 =	vmul.f32 v60, v58  }
0x173: {  	v18 =	vadd.f32 v62, v18  }
0x174: {  	v17 =	vadd.f32 v19, v17  }
0x175: {  	[tilespmem:$0x18EB0] =	vst v18  }
0x176: {  	[tilespmem:$0x18FB0] =	vst v17  }
0x177: {  	v17 =	vld [tilespmem:s15+$0x100]  }
0x178: {  	v18 =	vld [tilespmem:s16+$0x200]  }
0x179: {  	v19 =	vld [tilespmem:s16+$0x240]  }
0x17a: {  	v63 =	vld [tilespmem:s15+$0x110]  }
0x17b: {  	v31 =	vld [tilespmem:s16+$0x210]  }
0x17c: {  	v32 =	vld [tilespmem:s16+$0x250]  }
0x17d: {  	v33 =	vld [tilespmem:s15+$0x120]  }
0x17e: {  	v34 =	vld [tilespmem:s16+$0x220]  }
0x17f: {  	v35 =	vld [tilespmem:s16+$0x260]  }
0x180: {  	v36 =	vld [tilespmem:s15+$0x130]  }
0x181: {  	v37 =	vld [tilespmem:s16+$0x230]  }
0x182: {  	v38 =	vld [tilespmem:s16+$0x270];
	v18 =	vmul.f32 v18, v17;
	v21 =	vmul.f32 v31, v63  }
0x183: {  	v17 =	vmul.f32 v19, v17;
	v19 =	vmul.f32 v32, v63  }
0x184: {  	v39 =	vmul.f32 v34, v33;
	v18 =	vadd.f32 v21, v18  }
0x185: {  	v17 =	vadd.f32 v19, v17;
	v19 =	vmul.f32 v35, v33  }
0x186: {  	v40 =	vmul.f32 v37, v36;
	v18 =	vadd.f32 v39, v18  }
0x187: {  	v17 =	vadd.f32 v19, v17;
	v19 =	vmul.f32 v38, v36  }
0x188: {  	v18 =	vadd.f32 v40, v18  }
0x189: {  	v17 =	vadd.f32 v19, v17  }
0x18a: {  	[tilespmem:$0x18EC0] =	vst v18  }
0x18b: {  	[tilespmem:$0x18FC0] =	vst v17  }
0x18c: {  	v17 =	vld [tilespmem:s15+$0x140]  }
0x18d: {  	v18 =	vld [tilespmem:s16+$0x280]  }
0x18e: {  	v19 =	vld [tilespmem:s16+$0x2C0]  }
0x18f: {  	v41 =	vld [tilespmem:s15+$0x150]  }
0x190: {  	v42 =	vld [tilespmem:s16+$0x290]  }
0x191: {  	v43 =	vld [tilespmem:s16+$0x2D0]  }
0x192: {  	v44 =	vld [tilespmem:s15+$0x160]  }
0x193: {  	v45 =	vld [tilespmem:s16+$0x2A0]  }
0x194: {  	v46 =	vld [tilespmem:s16+$0x2E0]  }
0x195: {  	v47 =	vld [tilespmem:s15+$0x170]  }
0x196: {  	v48 =	vld [tilespmem:s16+$0x2B0]  }
0x197: {  	v49 =	vld [tilespmem:s16+$0x2F0];
	v18 =	vmul.f32 v18, v17;
	v21 =	vmul.f32 v42, v41  }
0x198: {  	v17 =	vmul.f32 v19, v17;
	v19 =	vmul.f32 v43, v41  }
0x199: {  	v50 =	vmul.f32 v45, v44;
	v18 =	vadd.f32 v21, v18  }
0x19a: {  	v17 =	vadd.f32 v19, v17;
	v19 =	vmul.f32 v46, v44  }
0x19b: {  	v51 =	vmul.f32 v48, v47;
	v18 =	vadd.f32 v50, v18  }
0x19c: {  	v17 =	vadd.f32 v19, v17;
	v19 =	vmul.f32 v49, v47  }
0x19d: {  	v18 =	vadd.f32 v51, v18  }
0x19e: {  	v17 =	vadd.f32 v19, v17  }
0x19f: {  	[tilespmem:$0x18ED0] =	vst v18  }
0x1a0: {  	[tilespmem:$0x18FD0] =	vst v17  }
0x1a1: {  	v17 =	vld [tilespmem:s15+$0x180]  }
0x1a2: {  	v18 =	vld [tilespmem:s16+$0x300]  }
0x1a3: {  	v19 =	vld [tilespmem:s16+$0x340]  }
0x1a4: {  	v52 =	vld [tilespmem:s15+$0x190]  }
0x1a5: {  	v53 =	vld [tilespmem:s16+$0x310]  }
0x1a6: {  	v54 =	vld [tilespmem:s16+$0x350]  }
0x1a7: {  	v55 =	vld [tilespmem:s15+$0x1A0]  }
0x1a8: {  	v56 =	vld [tilespmem:s16+$0x320]  }
0x1a9: {  	v57 =	vld [tilespmem:s16+$0x360]  }
0x1aa: {  	v58 =	vld [tilespmem:s15+$0x1B0]  }
0x1ab: {  	v59 =	vld [tilespmem:s16+$0x330]  }
0x1ac: {  	v60 =	vld [tilespmem:s16+$0x370];
	v18 =	vmul.f32 v18, v17;
	v21 =	vmul.f32 v53, v52  }
0x1ad: {  	v17 =	vmul.f32 v19, v17;
	v19 =	vmul.f32 v54, v52  }
0x1ae: {  	v61 =	vmul.f32 v56, v55;
	v18 =	vadd.f32 v21, v18  }
0x1af: {  	v17 =	vadd.f32 v19, v17;
	v19 =	vmul.f32 v57, v55  }
0x1b0: {  	v62 =	vmul.f32 v59, v58;
	v18 =	vadd.f32 v61, v18  }
0x1b1: {  	v17 =	vadd.f32 v19, v17;
	v19 =	vmul.f32 v60, v58  }
0x1b2: {  	v18 =	vadd.f32 v62, v18  }
0x1b3: {  	v17 =	vadd.f32 v19, v17  }
0x1b4: {  	[tilespmem:$0x18EE0] =	vst v18  }
0x1b5: {  	[tilespmem:$0x18FE0] =	vst v17  }
0x1b6: {  	v17 =	vld [tilespmem:s15+$0x1C0]  }
0x1b7: {  	v18 =	vld [tilespmem:s16+$0x380]  }
0x1b8: {  	v19 =	vld [tilespmem:s16+$0x3C0]  }
0x1b9: {  	v63 =	vld [tilespmem:s15+$0x1D0]  }
0x1ba: {  	v31 =	vld [tilespmem:s16+$0x390]  }
0x1bb: {  	v32 =	vld [tilespmem:s16+$0x3D0]  }
0x1bc: {  	v33 =	vld [tilespmem:s15+$0x1E0]  }
0x1bd: {  	v34 =	vld [tilespmem:s16+$0x3A0]  }
0x1be: {  	v35 =	vld [tilespmem:s16+$0x3E0]  }
0x1bf: {  	v36 =	vld [tilespmem:s15+$0x1F0]  }
0x1c0: {  	v37 =	vld [tilespmem:s16+$0x3B0]  }
0x1c1: {  	v38 =	vld [tilespmem:s16+$0x3F0];
	v18 =	vmul.f32 v18, v17;
	v21 =	vmul.f32 v31, v63  }
0x1c2: {  	v17 =	vmul.f32 v19, v17;
	v19 =	vmul.f32 v32, v63  }
0x1c3: {  	v39 =	vmul.f32 v34, v33;
	v18 =	vadd.f32 v21, v18  }
0x1c4: {  	v17 =	vadd.f32 v19, v17;
	v19 =	vmul.f32 v35, v33  }
0x1c5: {  	v40 =	vmul.f32 v37, v36;
	v18 =	vadd.f32 v39, v18  }
0x1c6: {  	v17 =	vadd.f32 v19, v17;
	v19 =	vmul.f32 v38, v36  }
0x1c7: {  	v18 =	vadd.f32 v40, v18  }
0x1c8: {  	v17 =	vadd.f32 v19, v17  }
0x1c9: {  	[tilespmem:$0x18EF0] =	vst v18  }
0x1ca: {  	[tilespmem:$0x18FF0] =	vst v17  }
0x1cb: {  	v17 =	vld.idx.msk [tilespmem:v0+s28+$0x0], $0xffff  }
0x1cc: {  	v18 =	vld.idx.msk [tilespmem:v1+s28+$0x0], $0xffff;
	_ =	sdelay $0x1  }
0x1cd: {  	v19 =	vld.idx.msk [tilespmem:v2+s28+$0x0], $0xffff;
	_ =	sdelay $0x1  }
0x1ce: {  	v41 =	vld.idx.msk [tilespmem:v3+s28+$0x0], $0xffff  }
0x1cf: {  	v17 =	vadd.f32 v18, v17  }
0x1d0: {  	v18 =	vld.idx.msk [tilespmem:v4+s28+$0x0], $0xffff  }
0x1d1: {  	v17 =	vadd.f32 v19, v17  }
0x1d2: {  	v19 =	vld.idx.msk [tilespmem:v5+s28+$0x0], $0xffff  }
0x1d3: {  	v17 =	vadd.f32 v41, v17  }
0x1d4: {  	v42 =	vld.idx.msk [tilespmem:v6+s28+$0x0], $0xffff  }
0x1d5: {  	v43 =	vld.idx.msk [tilespmem:v0+s30+$0x0], $0xffff;
	v17 =	vadd.f32 v18, v17  }
0x1d6: {  	v18 =	vld.idx.msk [tilespmem:v7+s28+$0x0], $0xffff  }
0x1d7: {  	v44 =	vld.idx.msk [tilespmem:v1+s30+$0x0], $0xffff;
	v17 =	vadd.f32 v19, v17  }
0x1d8: {  	v19 =	vld.idx.msk [tilespmem:v8+s28+$0x0], $0xffff  }
0x1d9: {  	v45 =	vld.idx.msk [tilespmem:v2+s30+$0x0], $0xffff;
	v17 =	vadd.f32 v42, v17  }
0x1da: {  	v46 =	vld.idx.msk [tilespmem:v9+s28+$0x0], $0xffff  }
0x1db: {  	v47 =	vld.idx.msk [tilespmem:v3+s30+$0x0], $0xffff;
	v17 =	vadd.f32 v18, v17  }
0x1dc: {  	v48 =	vld.idx.msk [tilespmem:v10+s28+$0x0], $0xffff;
	v18 =	vadd.f32 v44, v43  }
0x1dd: {  	v49 =	vld.idx.msk [tilespmem:v4+s30+$0x0], $0xffff;
	v17 =	vadd.f32 v19, v17  }
0x1de: {  	v18 =	vadd.f32 v45, v18;
	v19 =	vld.idx.msk [tilespmem:v11+s28+$0x0], $0xffff  }
0x1df: {  	v50 =	vld.idx.msk [tilespmem:v5+s30+$0x0], $0xffff;
	v17 =	vadd.f32 v46, v17  }
0x1e0: {  	v51 =	vld.idx.msk [tilespmem:v12+s28+$0x0], $0xffff;
	v18 =	vadd.f32 v47, v18  }
0x1e1: {  	v53 =	vmov s17;
	v52 =	vld.idx.msk [tilespmem:v6+s30+$0x0], $0xffff;
	v17 =	vadd.f32 v48, v17  }
0x1e2: {  	v21 =	vshll.u32 v53, $0x1;
	v54 =	vld.idx.msk [tilespmem:v13+s28+$0x0], $0xffff;
	v18 =	vadd.f32 v49, v18  }
0x1e3: {  	v21 =	vor.u32 v16, v21;
	v17 =	vadd.f32 v19, v17;
	v19 =	vld.idx.msk [tilespmem:v7+s30+$0x0], $0xffff  }
0x1e4: {  	v55 =	vld.idx.msk [tilespmem:v14+s28+$0x0], $0xffff;
	v18 =	vadd.f32 v50, v18  }
0x1e5: {  	v56 =	vld.idx.msk [tilespmem:v8+s30+$0x0], $0xffff;
	v17 =	vadd.f32 v51, v17  }
0x1e6: {  	v57 =	vld.idx.msk [tilespmem:v15+s28+$0x0], $0xffff;
	v18 =	vadd.f32 v52, v18  }
0x1e7: {  	v58 =	vld.idx.msk [tilespmem:v9+s30+$0x0], $0xffff;
	v17 =	vadd.f32 v54, v17  }
0x1e8: {  	v18 =	vadd.f32 v19, v18;
	v19 =	vld.idx.msk [tilespmem:v21+s14+$0x0], $0xffff  }
0x1e9: {  	v59 =	vld.idx.msk [tilespmem:v10+s30+$0x0], $0xffff;
	v17 =	vadd.f32 v55, v17  }
0x1ea: {  	v18 =	vadd.f32 v56, v18  }
0x1eb: {  	v60 =	vld.idx.msk [tilespmem:v11+s30+$0x0], $0xffff;
	v17 =	vadd.f32 v57, v17  }
0x1ec: {  	v18 =	vadd.f32 v58, v18  }
0x1ed: {  	v61 =	vld.idx.msk [tilespmem:v12+s30+$0x0], $0xffff;
	v17 =	vadd.f32 v19, v17  }
0x1ee: {  	v18 =	vadd.f32 v59, v18  }
0x1ef: {  	v19 =	vld.idx.msk [tilespmem:v13+s30+$0x0], $0xffff;
	v17 =	vsub.f32 $0.0e+00, v17  }
0x1f0: {  	v62 =	vor.u32 $0x1, v21;
	v18 =	vadd.f32 v60, v18  }
0x1f1: {  	v63 =	vld.idx.msk [tilespmem:v14+s30+$0x0], $0xffff;
	v17 =	vmul.f32 $1.442695020e+00, v17  }
0x1f2: {  	v18 =	vadd.f32 v61, v18  }
0x1f3: {  	(erf) = vpow2.f32 v17;
	v17 =	vld.idx.msk [tilespmem:v15+s30+$0x0], $0xffff  }
0x1f4: {  	v18 =	vadd.f32 v19, v18  }
0x1f5: {  	v19 =	vld.idx.msk [tilespmem:v62+s14+$0x0], $0xffff  }
0x1f6: {  	v18 =	vadd.f32 v63, v18;
	_ =	sdelay $0x1  }
0x1f7: {  	v17 =	vadd.f32 v17, v18;
	_ =	sdelay $0x1  }
0x1f8: {  	v17 =	vadd.f32 v19, v17;
	_ =	sdelay $0x1  }
0x1f9: {  	v18 =	vpop (erf);
	v17 =	vsub.f32 $0.0e+00, v17  }
0x1fa: {  	v18 =	vadd.f32 $1.000000000e+00, v18  }
0x1fb: {  	v17 =	vmul.f32 $1.442695020e+00, v17  }
0x1fc: {  	(erf) = vrcp.f32 v18  }
0x1fd: {  	(erf) = vpow2.f32 v17;
	_ =	sdelay $0x7  }
0x1fe: {  	v17 =	vpop (erf)  }
0x1ff: {  	v18 =	vpop (erf)  }
0x200: {  	v18 =	vadd.f32 $1.000000000e+00, v18;
	_ =	sdelay $0x1  }
0x201: {  	(erf) = vrcp.f32 v18;
	_ =	sdelay $0x4  }
0x202: {  	p0 =	sne.s32 s17, $0x1F0  }
.Ltmp0:
0x203: {  	_ = 	snop;
	(pc) =	sbr.rel @p0 .LBB2_2-.Ltmp0, $3  }
0x204: {  	_ =	sdelay $0x1  }
0x205: {  	[tilespmem:v21+s1+$0x0] =	vst.idx.msk $0xffff, v17;
	v18 =	vpop (erf)  }
0x206: {  	s17 =	sadd.s32 $0x10, s17;
	s15 =	sadd.s32 $0x400, s15;
	s16 =	sadd.s32 $0x800, s16;
	[tilespmem:v62+s1+$0x0] =	vst.idx.msk $0xffff, v18  }
0x207: {  	s13 =	sadd.s32 $0x1, s13  }
0x208: {  	p0 =	sne.s32 s13, s9  }
.Ltmp1:
0x209: {  	_ = 	snop;
	(pc) =	sbr.rel @p0 .LBB2_1-.Ltmp1, $4  }
0x20a: {  	[hbm4b:s8+s2] =	stream.linear.scatter [tilespmem:s1], [sflag:$0x2], $0x400, $0x38;
	[tilespmem:$0x19000] =	vst v63  }
0x20b: {  	_ =	swait.ge [sflag:s10], $0x400  }
0x20c: {  	[sflag:s10] =	ssyncset.done $0x0  }
0x20d: {  	[sflag:s10] =	ssyncadd.s32 $0xFFFFFC00  }
0x20e: {  	_ =	sfence.sel $0x180000  }
0x20f: {  	[bflag:$0x0] =	sbarrier.arrive $0xFFFF  }
0x210: {  	_ =	strace $0x90000047  }
0x211: {  	s0 =	stileid.u32;
	[bflag:$0x2] =	sbarrier.arrive $0xFFFF  }
0x212: {  	p0 =	sne.s32 s0, $0x0;
	s0 =	rddreg [dreg:$0x2]  }
0x213: {  	s0 =	sadd.s32 @!p0 $0x100000, s0  }
0x214: {  	[sflag:s0] =	ssyncadd.tile.s32 @!p0 $0x1;
	_ =	shalt  }
.Lfunc_end2:
_tile_overlayer_lowered:
.L_overlay_start_2:
0x215: {  	(tag) =	ssettag $0x2  }
0x216: {  	s0 =	rddreg [dreg:$0x0];
	s2 =	stileid.u32  }
0x217: {  	s1 =	rddreg [dreg:$0x1];
	p0 =	sne.s32 s2, $0x0  }
0x218: {  	s3 =	rddreg [dreg:$0x2];
	[bflag:$0x3] =	sbarrier.arrive $0xFFFF;
	s2 =	simm.s32 @!p0 $0x1C02  }
0x219: {  	[timem:s3], [sflag:s2] =	dma.local @!p0 [hbm:s0], s1  }
0x21a: {  	s0 =	simm.s32 @!p0 $0x2  }
0x21b: {  	_ =	swait.ge @!p0 [sflag:s0], s1  }
0x21c: {  	s1 =	ssub.s32 @!p0 $0x0, s1;
	[sflag:s0] =	ssyncset.done @!p0 $0x0  }
0x21d: {  	[sflag:s0] =	ssyncadd.s32 @!p0 s1  }
0x21e: {  	[bflag:$0x3] =	sbarrier.arrive $0xFFFF  }
0x21f: {  	_ =	shalt  }

</sc_bundles>
